<compile_context>
chip_gen: v7x
topology: tpu7x:2x2x1
jax: 0.10.2.dev20260603
libtpu: 0.0.44.dev20260713+nightly
codegen_flags: <defaults>
</compile_context>

<pallas_src>
import functools

import jax
import jax.numpy as jnp
from jax import lax
from jax.experimental import pallas as pl
from jax.experimental.pallas import tpu as pltpu
from jax.experimental.pallas import tpu_sc as plsc

_Bb, _N, _D, _H, _E = 2, 10000, 128, 256, 10
_M = _Bb * _N
_NW = 32
_WB = 640
_M2 = _NW * _WB
_T = 512
_A = 2 * _M2
_MAXP = _A + _E * _T
_NT = _MAXP // _T
_TEP = 96
_DUMW = (_MAXP - _A) // _NW
_GR = _M2 // 128
_RPW = _MAXP // _NW


def _router_tc(x_ref, Wr1_ref, br1_ref, Wr2_ref, br2_ref,
               e1_ref, e2_ref, lr1_ref, lr2_ref, g1_ref, g2_ref, hist_ref):
    x = x_ref[...]
    h = jnp.maximum(
        jnp.dot(x, Wr1_ref[...], preferred_element_type=jnp.float32)
        + br1_ref[...][None, :], 0.0)
    logits = (jnp.dot(h, Wr2_ref[...], preferred_element_type=jnp.float32)
              + br2_ref[...][None, :])
    ids = lax.broadcasted_iota(jnp.int32, logits.shape, 1)
    l1 = jnp.max(logits, axis=-1, keepdims=True)
    a1 = jnp.min(jnp.where(logits == l1, ids, _E), axis=-1, keepdims=True)
    a1 = jnp.minimum(a1, _E - 1)
    masked = jnp.where(ids == a1, -jnp.inf, logits)
    l2 = jnp.max(masked, axis=-1, keepdims=True)
    a2 = jnp.min(jnp.where(masked == l2, ids, _E), axis=-1, keepdims=True)
    a2 = jnp.minimum(a2, _E - 1)
    ed = jnp.exp(l2 - l1)
    g1 = 1.0 / (1.0 + ed)
    g2 = ed * g1

    ids16 = lax.broadcasted_iota(jnp.int32, (_WB, 16), 1)
    oh1 = (ids16 == a1).astype(jnp.float32)
    oh2 = (ids16 == a2).astype(jnp.float32)
    ri = lax.broadcasted_iota(jnp.int32, (_WB, _WB), 0)
    ci = lax.broadcasted_iota(jnp.int32, (_WB, _WB), 1)
    slt = (ri > ci).astype(jnp.float32)
    hp = lax.Precision.HIGHEST
    pre1 = jnp.dot(slt, oh1, preferred_element_type=jnp.float32, precision=hp)
    pre2 = jnp.dot(slt, oh2, preferred_element_type=jnp.float32, precision=hp)
    c1 = jnp.sum(oh1, axis=0, keepdims=True)
    c2 = jnp.sum(oh2, axis=0, keepdims=True)
    r1 = jnp.sum(pre1 * oh1, axis=1, keepdims=True)
    r2 = jnp.sum((pre2 + c1) * oh2, axis=1, keepdims=True)

    e1_ref[...] = a1
    e2_ref[...] = a2
    lr1_ref[...] = r1.astype(jnp.int32)
    lr2_ref[...] = r2.astype(jnp.int32)
    g1_ref[...] = g1
    g2_ref[...] = g2
    hist_ref[...] = (c1 + c2).astype(jnp.int32)[None]


def _run_router(xf, Wr1, br1, Wr2, br2):
    full = lambda shape: pl.BlockSpec(shape, lambda i: (0,) * len(shape))
    col = jax.ShapeDtypeStruct((_M2, 1), jnp.int32)
    colf = jax.ShapeDtypeStruct((_M2, 1), jnp.float32)
    return pl.pallas_call(
        _router_tc,
        grid=(_NW,),
        in_specs=[
            pl.BlockSpec((_WB, _D), lambda i: (i, 0)),
            full((_D, 128)), full((128,)), full((128, _E)), full((_E,)),
        ],
        out_specs=[pl.BlockSpec((_WB, 1), lambda i: (i, 0))] * 6
        + [pl.BlockSpec((1, 1, 16), lambda i: (i, 0, 0))],
        out_shape=[col, col, col, col, colf, colf,
                   jax.ShapeDtypeStruct((_NW, 1, 16), jnp.int32)],
    )(xf, Wr1, br1, Wr2, br2)



def _offsets_tc(hist_ref, base_ref, aux_ref):
    hist = hist_ref[...].reshape(_NW, 16).astype(jnp.float32)
    totals = jnp.sum(hist, axis=0, keepdims=True)
    padded = jnp.floor(totals / _T - 1.0 / (2 * _T)) * _T + _T
    li = lax.broadcasted_iota(jnp.int32, (16, 16), 0)
    lj = lax.broadcasted_iota(jnp.int32, (16, 16), 1)
    lte = (li <= lj).astype(jnp.float32)
    hp = lax.Precision.HIGHEST
    incl = jnp.dot(padded, lte, preferred_element_type=jnp.float32, precision=hp)
    offsets = incl - padded
    ri = lax.broadcasted_iota(jnp.int32, (_NW, _NW), 0)
    ci = lax.broadcasted_iota(jnp.int32, (_NW, _NW), 1)
    slt = (ri > ci).astype(jnp.float32)
    pfx = jnp.dot(slt, hist, preferred_element_type=jnp.float32, precision=hp)
    base_ref[...] = (offsets + pfx).astype(jnp.int32)
    st = offsets + totals
    pads = padded - totals
    pinc = jnp.dot(pads, lte, preferred_element_type=jnp.float32, precision=hp)
    pp = pinc - pads
    aux = jnp.concatenate([incl, st, pinc, pp,
                           totals, padded, offsets, offsets], axis=0)
    aux_ref[...] = aux.astype(jnp.int32)


def _run_offsets(hist):
    full = lambda shape: pl.BlockSpec(shape, lambda: (0,) * len(shape))
    return pl.pallas_call(
        _offsets_tc,
        in_specs=[full((_NW, 1, 16))],
        out_specs=[full((_NW, 16)), full((8, 16))],
        out_shape=[jax.ShapeDtypeStruct((_NW, 16), jnp.int32),
                   jax.ShapeDtypeStruct((8, 16), jnp.int32)],
    )(hist)


def _expert_tc(te_ref, xg_ref, W1_ref, b1_ref, W2_ref, b2_ref,
               W3_ref, b3_ref, gsl_ref, og_ref):
    xg = xg_ref[...]
    h1 = jnp.maximum(
        jnp.dot(xg, W1_ref[0], preferred_element_type=jnp.float32)
        + b1_ref[0], 0.0)
    h2 = jnp.maximum(
        jnp.dot(h1, W2_ref[0], preferred_element_type=jnp.float32)
        + b2_ref[0], 0.0)
    o = (jnp.dot(h2, W3_ref[0], preferred_element_type=jnp.float32)
         + b3_ref[0])
    og_ref[...] = o * gsl_ref[...]


def _run_experts(te, xg, W1, b1, W2, b2, W3, b3, gsl2d):
    grid_spec = pltpu.PrefetchScalarGridSpec(
        num_scalar_prefetch=1,
        grid=(_NT,),
        in_specs=[
            pl.BlockSpec((_T, _D), lambda i, te: (i, 0)),
            pl.BlockSpec((1, _D, _H), lambda i, te: (te[i], 0, 0)),
            pl.BlockSpec((1, 1, _H), lambda i, te: (te[i], 0, 0)),
            pl.BlockSpec((1, _H, _H), lambda i, te: (te[i], 0, 0)),
            pl.BlockSpec((1, 1, _H), lambda i, te: (te[i], 0, 0)),
            pl.BlockSpec((1, _H, _D), lambda i, te: (te[i], 0, 0)),
            pl.BlockSpec((1, 1, _D), lambda i, te: (te[i], 0, 0)),
            pl.BlockSpec((_T, 1), lambda i, te: (i, 0)),
        ],
        out_specs=pl.BlockSpec((_T, _D), lambda i, te: (i, 0)),
    )
    return pl.pallas_call(
        _expert_tc,
        grid_spec=grid_spec,
        out_shape=jax.ShapeDtypeStruct((_MAXP, _D), jnp.float32),
    )(te, xg, W1, b1.reshape(_E, 1, _H), W2, b2.reshape(_E, 1, _H),
      W3, b3.reshape(_E, 1, _D), gsl2d)



def _dest_tc(bt_ref, e1_ref, e2_ref, lr1_ref, lr2_ref, d0_ref, d1_ref):
    base = bt_ref[0].astype(jnp.float32)
    ids16 = lax.broadcasted_iota(jnp.int32, (_WB, 16), 1)
    oh1 = (ids16 == e1_ref[...]).astype(jnp.float32)
    oh2 = (ids16 == e2_ref[...]).astype(jnp.float32)
    hp = lax.Precision.HIGHEST
    b0 = jnp.sum(oh1 * base, axis=1, keepdims=True)
    b1 = jnp.sum(oh2 * base, axis=1, keepdims=True)
    d0_ref[...] = b0.astype(jnp.int32) + lr1_ref[...]
    d1_ref[...] = b1.astype(jnp.int32) + lr2_ref[...]


def _run_dest(bt, e1, e2, lr1, lr2):
    col = jax.ShapeDtypeStruct((_M2, 1), jnp.int32)
    blk = pl.BlockSpec((_WB, 1), lambda i: (i, 0))
    return pl.pallas_call(
        _dest_tc,
        grid=(_NW,),
        in_specs=[pl.BlockSpec((1, 1, 16), lambda i: (i, 0, 0)),
                  blk, blk, blk, blk],
        out_specs=[blk, blk],
        out_shape=[col, col],
    )(bt, e1, e2, lr1, lr2)


def _take16(v, idx):
    dnums = lax.GatherDimensionNumbers(
        offset_dims=(), collapsed_slice_dims=(0,), start_index_map=(0,))
    return lax.gather(v, idx[:, None], dnums, (1,),
                      mode=lax.GatherScatterMode.PROMISE_IN_BOUNDS)


def _sc_mesh():
    return plsc.VectorSubcoreMesh(core_axis_name="c", subcore_axis_name="s")


def _dispatch_sc(aux_hbm, d0_hbm, d1_hbm, g1_hbm, g2_hbm,
                 src_hbm, gsl_hbm, te_hbm,
                 aux_v, d0f_v, d1f_v, tok_v, g1_v, g2_v,
                 dum_v, zi_v, zf_v, te_v, sem):
    w = lax.axis_index("s") * 2 + lax.axis_index("c")
    pltpu.sync_copy(aux_hbm, aux_v)
    incl = aux_v[pl.ds(0, 16)]
    st = aux_v[pl.ds(16, 16)]
    pinc = aux_v[pl.ds(32, 16)]
    pp = aux_v[pl.ds(48, 16)]

    iota = lax.iota(jnp.int32, 16)
    off640 = pl.multiple_of(w * _WB, 8)
    cps0 = [pltpu.async_copy(d0_hbm.at[pl.ds(off640, _WB)], d0f_v, sem),
            pltpu.async_copy(d1_hbm.at[pl.ds(off640, _WB)], d1f_v, sem),
            pltpu.async_copy(g1_hbm.at[pl.ds(off640, _WB)], g1_v, sem),
            pltpu.async_copy(g2_hbm.at[pl.ds(off640, _WB)], g2_v, sem)]

    def tok_body(i, c):
        o = pl.multiple_of(i * 16, 16)
        tok_v[pl.ds(o, 16)] = iota + (w * _WB + i * 16)
        return c
    lax.fori_loop(0, _WB // 16, tok_body, 0)

    sum_padded = incl[_E - 1]
    p_last = pinc[_E - 1]
    stl = [st[ex] for ex in range(_E)]
    pincl = [pinc[ex] for ex in range(_E)]
    ppl = [pp[ex] for ex in range(_E)]

    def dum_body(j, c):
        local = iota + j * 16
        d = local + w * _DUMW
        slot = sum_padded + (d - p_last)
        for ex in range(_E - 1, -1, -1):
            slot = jnp.where(d < pincl[ex], stl[ex] + (d - ppl[ex]), slot)
        slot = jnp.where(local < _DUMW, slot, _MAXP)
        o = pl.multiple_of(j * 16, 16)
        dum_v[pl.ds(o, 16)] = slot
        zi_v[pl.ds(o, 16)] = jnp.zeros((16,), jnp.int32)
        zf_v[pl.ds(o, 16)] = jnp.zeros((16,), jnp.float32)
        return c
    lax.fori_loop(0, 16, dum_body, 0)

    for cp in cps0:
        cp.wait()
    done_probe = True
    cps = []
    for cp in []:
        cp.wait()

    @pl.when(w == 0)
    def _():
        def te_body(j, c):
            t = iota + j * 16
            start = t << 9
            cnt = jnp.zeros((16,), jnp.int32)
            for ex in range(_E):
                cnt = cnt + jnp.where(start >= incl[ex], 1, 0).astype(
                    jnp.int32)
            o = pl.multiple_of(j * 16, 16)
            te_v[pl.ds(o, 16)] = jnp.where(cnt >= _E, 0, cnt)
            return c
        lax.fori_loop(0, _TEP // 16, te_body, 0)
        pltpu.sync_copy(te_v, te_hbm)


def _run_dispatch(auxf, d0f, d1f, g1m, g2m):
    g5 = _WB // 128
    kern = functools.partial(
        pl.kernel,
        out_type=[
            jax.ShapeDtypeStruct((_MAXP + 128,), jnp.int32),
            jax.ShapeDtypeStruct((_MAXP + 128,), jnp.float32),
            jax.ShapeDtypeStruct((_TEP,), jnp.int32),
        ],
        mesh=_sc_mesh(),
        scratch_types=[
            pltpu.VMEM((128,), jnp.int32),
            pltpu.VMEM((_WB,), jnp.int32),
            pltpu.VMEM((_WB,), jnp.int32),
            pltpu.VMEM((_WB,), jnp.int32),
            pltpu.VMEM((_WB,), jnp.float32),
            pltpu.VMEM((_WB,), jnp.float32),
            pltpu.VMEM((256,), jnp.int32),
            pltpu.VMEM((256,), jnp.int32),
            pltpu.VMEM((256,), jnp.float32),
            pltpu.VMEM((_TEP,), jnp.int32),
            pltpu.SemaphoreType.DMA,
        ],
    )(_dispatch_sc)
    return kern(auxf, d0f, d1f, g1m, g2m)


def _gather_sc(src_hbm, x_hbm, xg_hbm, s_v, i_v, buf_v, sem):
    w = lax.axis_index("s") * 2 + lax.axis_index("c")
    base = pl.multiple_of(w * _RPW, 8)
    pltpu.sync_copy(src_hbm.at[pl.ds(base, _RPW)], s_v)

    def clamp_body(j, c):
        o = pl.multiple_of(j * 16, 16)
        v = s_v[pl.ds(o, 16)]
        s_v[pl.ds(o, 16)] = jnp.minimum(jnp.maximum(v, 0), _M - 1)
        return c
    lax.fori_loop(0, _RPW // 16, clamp_body, 0)

    nc = _RPW // 128

    def chunk_body(c, carry):
        o = pl.multiple_of(c * 128, 128)
        pltpu.async_copy(x_hbm.at[s_v.at[pl.ds(o, 128)]], buf_v, sem).wait()
        pltpu.sync_copy(buf_v, xg_hbm.at[pl.ds(base + o, 128), :])
        return carry
    lax.fori_loop(0, nc, chunk_body, 0)

    rem = _RPW - nc * 128
    o = nc * 128
    pltpu.async_copy(
        x_hbm.at[s_v.at[pl.ds(o, rem)]],
        buf_v.at[pl.ds(0, rem), :], sem).wait()
    pltpu.sync_copy(buf_v.at[pl.ds(0, rem), :],
                    xg_hbm.at[pl.ds(base + o, rem), :])


def _run_gather(src, xf):
    kern = functools.partial(
        pl.kernel,
        out_type=jax.ShapeDtypeStruct((_MAXP, _D), jnp.float32),
        mesh=_sc_mesh(),
        scratch_types=[
            pltpu.VMEM((_RPW,), jnp.int32),
            pltpu.VMEM((128,), jnp.int32),
            pltpu.VMEM((128, _D), jnp.float32),
            pltpu.SemaphoreType.DMA,
        ],
    )(_gather_sc)
    return kern(src, xf)


def _combine_sc(d0_hbm, d1_hbm, og_hbm, out_hbm, i0_v, i1_v, buf_v, sem):
    w = lax.axis_index("s") * 2 + lax.axis_index("c")

    def chunk(g, rows):
        offt = pl.multiple_of(g * 128, 8)
        pltpu.sync_copy(d0_hbm.at[pl.ds(offt, 128)], i0_v)
        pltpu.sync_copy(d1_hbm.at[pl.ds(offt, 128)], i1_v)
        pltpu.async_copy(og_hbm.at[i0_v], buf_v, sem).wait()
        pltpu.async_copy(og_hbm.at[i1_v], buf_v, sem, add=True).wait()
        off = pl.multiple_of(g * 128, 8)
        pltpu.sync_copy(buf_v.at[pl.ds(0, rows), :],
                        out_hbm.at[pl.ds(off, rows), :])

    nfull = _M // 128
    rem = _M - nfull * 128
    for i in range(4):
        chunk(i * 32 + w, 128)

    g = 128 + w

    @pl.when(g < nfull)
    def _():
        chunk(g, 128)

    @pl.when(g == nfull)
    def _():
        chunk(g, rem)


def _run_combine(d0, d1, og):
    kern = functools.partial(
        pl.kernel,
        out_type=jax.ShapeDtypeStruct((_M, _D), jnp.float32),
        mesh=_sc_mesh(),
        scratch_types=[
            pltpu.VMEM((128,), jnp.int32),
            pltpu.VMEM((128,), jnp.int32),
            pltpu.VMEM((128, _D), jnp.float32),
            pltpu.SemaphoreType.DMA,
        ],
    )(_combine_sc)
    return kern(d0, d1, og)


def kernel(x, Wr1, br1, Wr2, br2, W1, b1, W2, b2, W3, b3):
    xf = x.reshape(_M, _D)
    e1, e2, lr1, lr2, g1, g2, hist = _run_router(xf, Wr1, br1, Wr2, br2)
    bt, aux = _run_offsets(hist)
    d0, d1 = _run_dest(bt.reshape(_NW, 1, 16), e1, e2, lr1, lr2)
    src, gsl, te = _run_dispatch(
        aux.reshape(128), d0.reshape(_M2), d1.reshape(_M2),
        g1.reshape(_M2), g2.reshape(_M2))
    xg = _run_gather(src, xf)
    og = _run_experts(te, xg, W1, b1, W2, b2, W3, b3,
                      gsl[:_MAXP].reshape(_MAXP, 1))
    out = _run_combine(d0.reshape(_M2), d1.reshape(_M2), og)
    return out.reshape(_Bb, _N, _D)

# --- scband reference (transcript-rebuilt; emitter-appended) ---
"""Pipeline reference for scband-multiscale-global-wave-gnnmo-e-59064390255202 (READ-ONLY COPY).

The authoritative reference and input builder live on the scoring server;
editing this copy changes nothing except your own understanding.
"""

import jax, jax.numpy as jnp
import numpy as np

B, N, D, H, E, K = 2, 10000, 128, 256, 10, 2

def setup_inputs(seed: int = 0) -> dict:
    key = jax.random.key(seed)
    ks = jax.random.split(key, 12)
    s = 0.05
    x = jax.random.normal(ks[0], (B, N, D), dtype=jnp.float32)
    # RegionalRouter: Linear(D,128) -> ReLU -> Linear(128,E)
    Wr1 = jax.random.normal(ks[1], (D, 128), dtype=jnp.float32) * s
    br1 = jnp.zeros((128,), dtype=jnp.float32)
    Wr2 = jax.random.normal(ks[2], (128, E), dtype=jnp.float32) * s
    br2 = jnp.zeros((E,), dtype=jnp.float32)
    # E experts, each: Linear(D,H) -> ReLU -> Linear(H,H) -> ReLU -> Linear(H,D)
    W1 = jax.random.normal(ks[3], (E, D, H), dtype=jnp.float32) * s
    b1 = jnp.zeros((E, H), dtype=jnp.float32)
    W2 = jax.random.normal(ks[4], (E, H, H), dtype=jnp.float32) * s
    b2 = jnp.zeros((E, H), dtype=jnp.float32)
    W3 = jax.random.normal(ks[5], (E, H, D), dtype=jnp.float32) * s
    b3 = jnp.zeros((E, D), dtype=jnp.float32)
    return {"x": x, "Wr1": Wr1, "br1": br1, "Wr2": Wr2, "br2": br2,
            "W1": W1, "b1": b1, "W2": W2, "b2": b2, "W3": W3, "b3": b3}

def reference(x, Wr1, br1, Wr2, br2, W1, b1, W2, b2, W3, b3):
    # Router (eval mode: no noise, node_regions=None, dropout inactive)
    h = jax.nn.relu(jnp.einsum('bnd,dh->bnh', x, Wr1) + br1)
    routing_logits = jnp.einsum('bnh,he->bne', h, Wr2) + br2
    top_k_logits, selected_experts = jax.lax.top_k(routing_logits, K)
    gates = jax.nn.softmax(top_k_logits, axis=-1)  # [B,N,K]
    # Scatter top-k gates into dense [B,N,E] gate matrix
    one_hot = jax.nn.one_hot(selected_experts, E, dtype=x.dtype)  # [B,N,K,E]
    full_gates = jnp.einsum('bnk,bnke->bne', gates, one_hot)
    # Expert MLPs (dropout inactive in eval)
    h1 = jax.nn.relu(jnp.einsum('bnd,edh->ebnh', x, W1) + b1[:, None, None, :])
    h2 = jax.nn.relu(jnp.einsum('ebnh,ehg->ebng', h1, W2) + b2[:, None, None, :])
    expert_out = jnp.einsum('ebng,egd->ebnd', h2, W3) + b3[:, None, None, :]
    # Gated combination of expert outputs
    out = jnp.einsum('ebnd,bne->bnd', expert_out, full_gates)
    return out

if __name__ == "__main__":
    import jax
    _d = setup_inputs()
    print(jax.jit(kernel)(*tuple(_d.values())))

</pallas_src>

<mosaic_0001>
#map = affine_map<(d0, d1) -> (0)>
module attributes {stable_mosaic.version = 14 : i64} {
  func.func @_dispatch_sc(%arg0: i32, %arg1: i32, %arg2: memref<128xi32, #tpu.memory_space<hbm>>, %arg3: memref<20480xi32, #tpu.memory_space<hbm>>, %arg4: memref<20480xi32, #tpu.memory_space<hbm>>, %arg5: memref<20480xf32, #tpu.memory_space<hbm>>, %arg6: memref<20480xf32, #tpu.memory_space<hbm>>, %arg7: memref<46208xi32, #tpu.memory_space<hbm>>, %arg8: memref<46208xf32, #tpu.memory_space<hbm>>, %arg9: memref<96xi32, #tpu.memory_space<hbm>>, %arg10: memref<128xi32, #tpu.memory_space<vmem>>, %arg11: memref<640xi32, #tpu.memory_space<vmem>>, %arg12: memref<640xi32, #tpu.memory_space<vmem>>, %arg13: memref<640xi32, #tpu.memory_space<vmem>>, %arg14: memref<640xf32, #tpu.memory_space<vmem>>, %arg15: memref<640xf32, #tpu.memory_space<vmem>>, %arg16: memref<256xi32, #tpu.memory_space<vmem>>, %arg17: memref<256xi32, #tpu.memory_space<vmem>>, %arg18: memref<256xf32, #tpu.memory_space<vmem>>, %arg19: memref<96xi32, #tpu.memory_space<vmem>>, %arg20: memref<!tpu.dma_semaphore, #tpu.memory_space<semaphore_mem>>) attributes {dimension_semantics = [#tpu.dimension_semantics<core_parallel>, #tpu.dimension_semantics<subcore_parallel>], iteration_bounds = array<i64: 2, 16>, scalar_prefetch = 0 : i64, scratch_operands = 11 : i64, tpu.core_type = #tpu.core_type<sc_vector_subcore>, window_params = [{transform_indices = #map}, {transform_indices = #map}, {transform_indices = #map}, {transform_indices = #map}, {transform_indices = #map}, {transform_indices = #map}, {transform_indices = #map}, {transform_indices = #map}]} {
    %mul3A = arith.constant 2 : i32
    %mul3A_0 = arith.muli %arg1, %mul3A : i32
    %add3A = arith.addi %mul3A_0, %arg0 : i32
    "tpu.region"() ({
      %run_scoped3A = tpu.sem_alloc : memref<!tpu.dma_semaphore, #tpu.memory_space<semaphore_mem>>
      tpu.enqueue_dma source(%arg2 : memref<128xi32, #tpu.memory_space<hbm>>) target(%arg10 : memref<128xi32, #tpu.memory_space<vmem>>) target_semaphore(%run_scoped3A : memref<!tpu.dma_semaphore, #tpu.memory_space<semaphore_mem>>)
      tpu.wait_dma2 semaphore(%run_scoped3A : memref<!tpu.dma_semaphore, #tpu.memory_space<semaphore_mem>>) src(%arg2 : memref<128xi32, #tpu.memory_space<hbm>>) dst(%arg10 : memref<128xi32, #tpu.memory_space<vmem>>)
      tpu.yield
    }) : () -> ()
    %get3A = arith.constant 0 : index
    %get3A_1 = tpu.vector_load %arg10[%get3A] {strides = array<i32>} : memref<128xi32, #tpu.memory_space<vmem>>, vector<16xi32>,
    %get3A_2 = vector.shape_cast %get3A_1 : vector<16xi32> to vector<16xi32>
    %get3A_3 = arith.constant 16 : index
    %get3A_4 = tpu.vector_load %arg10[%get3A_3] {strides = array<i32>} : memref<128xi32, #tpu.memory_space<vmem>>, vector<16xi32>,
    %get3A_5 = vector.shape_cast %get3A_4 : vector<16xi32> to vector<16xi32>
    %get3A_6 = arith.constant 32 : index
    %get3A_7 = tpu.vector_load %arg10[%get3A_6] {strides = array<i32>} : memref<128xi32, #tpu.memory_space<vmem>>, vector<16xi32>,
    %get3A_8 = vector.shape_cast %get3A_7 : vector<16xi32> to vector<16xi32>
    %get3A_9 = arith.constant 48 : index
    %get3A_10 = tpu.vector_load %arg10[%get3A_9] {strides = array<i32>} : memref<128xi32, #tpu.memory_space<vmem>>, vector<16xi32>,
    %get3A_11 = vector.shape_cast %get3A_10 : vector<16xi32> to vector<16xi32>
    %iota3A = tpu.iota {dimensions = array<i32: 0>} : vector<16xi32>
    %mul3A_12 = arith.constant 640 : i32
    %mul3A_13 = arith.muli %add3A, %mul3A_12 : i32
    %multiple_of3A = tpu.assume_multiple %mul3A_13, 8 : i32
    %dma_start3A = tpu.memref_slice %arg3[%multiple_of3A] : memref<20480xi32, #tpu.memory_space<hbm>> -> memref<640xi32, #tpu.memory_space<hbm>>
    %dma_start3A_14 = tpu.memref_slice %arg3[%multiple_of3A] : memref<20480xi32, #tpu.memory_space<hbm>> -> memref<640xi32, #tpu.memory_space<hbm>>
    tpu.enqueue_dma source(%dma_start3A_14 : memref<640xi32, #tpu.memory_space<hbm>>) target(%arg11 : memref<640xi32, #tpu.memory_space<vmem>>) target_semaphore(%arg20 : memref<!tpu.dma_semaphore, #tpu.memory_space<semaphore_mem>>)
    %dma_start3A_15 = tpu.memref_slice %arg4[%multiple_of3A] : memref<20480xi32, #tpu.memory_space<hbm>> -> memref<640xi32, #tpu.memory_space<hbm>>
    %dma_start3A_16 = tpu.memref_slice %arg4[%multiple_of3A] : memref<20480xi32, #tpu.memory_space<hbm>> -> memref<640xi32, #tpu.memory_space<hbm>>
    tpu.enqueue_dma source(%dma_start3A_16 : memref<640xi32, #tpu.memory_space<hbm>>) target(%arg12 : memref<640xi32, #tpu.memory_space<vmem>>) target_semaphore(%arg20 : memref<!tpu.dma_semaphore, #tpu.memory_space<semaphore_mem>>)
    %dma_start3A_17 = tpu.memref_slice %arg5[%multiple_of3A] : memref<20480xf32, #tpu.memory_space<hbm>> -> memref<640xf32, #tpu.memory_space<hbm>>
    %dma_start3A_18 = tpu.memref_slice %arg5[%multiple_of3A] : memref<20480xf32, #tpu.memory_space<hbm>> -> memref<640xf32, #tpu.memory_space<hbm>>
    tpu.enqueue_dma source(%dma_start3A_18 : memref<640xf32, #tpu.memory_space<hbm>>) target(%arg14 : memref<640xf32, #tpu.memory_space<vmem>>) target_semaphore(%arg20 : memref<!tpu.dma_semaphore, #tpu.memory_space<semaphore_mem>>)
    %dma_start3A_19 = tpu.memref_slice %arg6[%multiple_of3A] : memref<20480xf32, #tpu.memory_space<hbm>> -> memref<640xf32, #tpu.memory_space<hbm>>
    %dma_start3A_20 = tpu.memref_slice %arg6[%multiple_of3A] : memref<20480xf32, #tpu.memory_space<hbm>> -> memref<640xf32, #tpu.memory_space<hbm>>
    tpu.enqueue_dma source(%dma_start3A_20 : memref<640xf32, #tpu.memory_space<hbm>>) target(%arg15 : memref<640xf32, #tpu.memory_space<vmem>>) target_semaphore(%arg20 : memref<!tpu.dma_semaphore, #tpu.memory_space<semaphore_mem>>)
    %scan3A = arith.constant 0 : i32
    %scan3A_21 = arith.constant 0 : i32
    %scan3A_22 = arith.constant 40 : i32
    %scan3A_23 = arith.addi %scan3A_21, %scan3A_22 : i32
    %scan3A_24 = arith.constant 1 : i32
    scf.for %scan3A_103 = %scan3A_21 to %scan3A_23 step %scan3A_24  : i32 {
      %mul3A_104 = arith.constant 16 : i32
      %mul3A_105 = arith.muli %scan3A_103, %mul3A_104 : i32
      %multiple_of3A_106 = tpu.assume_multiple %mul3A_105, 16 : i32
      %mul3A_107 = arith.constant 640 : i32
      %mul3A_108 = arith.muli %add3A, %mul3A_107 : i32
      %mul3A_109 = arith.constant 16 : i32
      %mul3A_110 = arith.muli %scan3A_103, %mul3A_109 : i32
      %add3A_111 = arith.addi %mul3A_108, %mul3A_110 : i32
      %add3A_112 = vector.broadcast %add3A_111 : i32 to vector<16xi32>
      %add3A_113 = arith.addi %iota3A, %add3A_112 : vector<16xi32>
      %swap3A = arith.index_cast %multiple_of3A_106 : i32 to index
      %swap3A_114 = tpu.vector_load %arg13[%swap3A] {strides = array<i32>} : memref<640xi32, #tpu.memory_space<vmem>>, vector<16xi32>,
      %swap3A_115 = vector.shape_cast %swap3A_114 : vector<16xi32> to vector<16xi32>
      %swap3A_116 = vector.shape_cast %add3A_113 : vector<16xi32> to vector<16xi32>
      tpu.vector_store %arg13[%swap3A], %swap3A_116 {strides = array<i32>} : memref<640xi32, #tpu.memory_space<vmem>>, vector<16xi32>,
    }
    %scan3A_25 = arith.constant 40 : i32
    %slice3A = vector.extract_strided_slice %get3A_2 {offsets = [9], sizes = [1], strides = [1]} : vector<16xi32> to vector<1xi32>
    %squeeze3A = vector.extract %slice3A[0] : i32 from vector<1xi32>
    %slice3A_26 = vector.extract_strided_slice %get3A_8 {offsets = [9], sizes = [1], strides = [1]} : vector<16xi32> to vector<1xi32>
    %squeeze3A_27 = vector.extract %slice3A_26[0] : i32 from vector<1xi32>
    %slice3A_28 = vector.extract_strided_slice %get3A_5 {offsets = [0], sizes = [1], strides = [1]} : vector<16xi32> to vector<1xi32>
    %squeeze3A_29 = vector.extract %slice3A_28[0] : i32 from vector<1xi32>
    %slice3A_30 = vector.extract_strided_slice %get3A_5 {offsets = [1], sizes = [1], strides = [1]} : vector<16xi32> to vector<1xi32>
    %squeeze3A_31 = vector.extract %slice3A_30[0] : i32 from vector<1xi32>
    %slice3A_32 = vector.extract_strided_slice %get3A_5 {offsets = [2], sizes = [1], strides = [1]} : vector<16xi32> to vector<1xi32>
    %squeeze3A_33 = vector.extract %slice3A_32[0] : i32 from vector<1xi32>
    %slice3A_34 = vector.extract_strided_slice %get3A_5 {offsets = [3], sizes = [1], strides = [1]} : vector<16xi32> to vector<1xi32>
    %squeeze3A_35 = vector.extract %slice3A_34[0] : i32 from vector<1xi32>
    %slice3A_36 = vector.extract_strided_slice %get3A_5 {offsets = [4], sizes = [1], strides = [1]} : vector<16xi32> to vector<1xi32>
    %squeeze3A_37 = vector.extract %slice3A_36[0] : i32 from vector<1xi32>
    %slice3A_38 = vector.extract_strided_slice %get3A_5 {offsets = [5], sizes = [1], strides = [1]} : vector<16xi32> to vector<1xi32>
    %squeeze3A_39 = vector.extract %slice3A_38[0] : i32 from vector<1xi32>
    %slice3A_40 = vector.extract_strided_slice %get3A_5 {offsets = [6], sizes = [1], strides = [1]} : vector<16xi32> to vector<1xi32>
    %squeeze3A_41 = vector.extract %slice3A_40[0] : i32 from vector<1xi32>
    %slice3A_42 = vector.extract_strided_slice %get3A_5 {offsets = [7], sizes = [1], strides = [1]} : vector<16xi32> to vector<1xi32>
    %squeeze3A_43 = vector.extract %slice3A_42[0] : i32 from vector<1xi32>
    %slice3A_44 = vector.extract_strided_slice %get3A_5 {offsets = [8], sizes = [1], strides = [1]} : vector<16xi32> to vector<1xi32>
    %squeeze3A_45 = vector.extract %slice3A_44[0] : i32 from vector<1xi32>
    %slice3A_46 = vector.extract_strided_slice %get3A_5 {offsets = [9], sizes = [1], strides = [1]} : vector<16xi32> to vector<1xi32>
    %squeeze3A_47 = vector.extract %slice3A_46[0] : i32 from vector<1xi32>
    %slice3A_48 = vector.extract_strided_slice %get3A_8 {offsets = [0], sizes = [1], strides = [1]} : vector<16xi32> to vector<1xi32>
    %squeeze3A_49 = vector.extract %slice3A_48[0] : i32 from vector<1xi32>
    %slice3A_50 = vector.extract_strided_slice %get3A_8 {offsets = [1], sizes = [1], strides = [1]} : vector<16xi32> to vector<1xi32>
    %squeeze3A_51 = vector.extract %slice3A_50[0] : i32 from vector<1xi32>
    %slice3A_52 = vector.extract_strided_slice %get3A_8 {offsets = [2], sizes = [1], strides = [1]} : vector<16xi32> to vector<1xi32>
    %squeeze3A_53 = vector.extract %slice3A_52[0] : i32 from vector<1xi32>
    %slice3A_54 = vector.extract_strided_slice %get3A_8 {offsets = [3], sizes = [1], strides = [1]} : vector<16xi32> to vector<1xi32>
    %squeeze3A_55 = vector.extract %slice3A_54[0] : i32 from vector<1xi32>
    %slice3A_56 = vector.extract_strided_slice %get3A_8 {offsets = [4], sizes = [1], strides = [1]} : vector<16xi32> to vector<1xi32>
    %squeeze3A_57 = vector.extract %slice3A_56[0] : i32 from vector<1xi32>
    %slice3A_58 = vector.extract_strided_slice %get3A_8 {offsets = [5], sizes = [1], strides = [1]} : vector<16xi32> to vector<1xi32>
    %squeeze3A_59 = vector.extract %slice3A_58[0] : i32 from vector<1xi32>
    %slice3A_60 = vector.extract_strided_slice %get3A_8 {offsets = [6], sizes = [1], strides = [1]} : vector<16xi32> to vector<1xi32>
    %squeeze3A_61 = vector.extract %slice3A_60[0] : i32 from vector<1xi32>
    %slice3A_62 = vector.extract_strided_slice %get3A_8 {offsets = [7], sizes = [1], strides = [1]} : vector<16xi32> to vector<1xi32>
    %squeeze3A_63 = vector.extract %slice3A_62[0] : i32 from vector<1xi32>
    %slice3A_64 = vector.extract_strided_slice %get3A_8 {offsets = [8], sizes = [1], strides = [1]} : vector<16xi32> to vector<1xi32>
    %squeeze3A_65 = vector.extract %slice3A_64[0] : i32 from vector<1xi32>
    %slice3A_66 = vector.extract_strided_slice %get3A_8 {offsets = [9], sizes = [1], strides = [1]} : vector<16xi32> to vector<1xi32>
    %squeeze3A_67 = vector.extract %slice3A_66[0] : i32 from vector<1xi32>
    %slice3A_68 = vector.extract_strided_slice %get3A_11 {offsets = [0], sizes = [1], strides = [1]} : vector<16xi32> to vector<1xi32>
    %squeeze3A_69 = vector.extract %slice3A_68[0] : i32 from vector<1xi32>
    %slice3A_70 = vector.extract_strided_slice %get3A_11 {offsets = [1], sizes = [1], strides = [1]} : vector<16xi32> to vector<1xi32>
    %squeeze3A_71 = vector.extract %slice3A_70[0] : i32 from vector<1xi32>
    %slice3A_72 = vector.extract_strided_slice %get3A_11 {offsets = [2], sizes = [1], strides = [1]} : vector<16xi32> to vector<1xi32>
    %squeeze3A_73 = vector.extract %slice3A_72[0] : i32 from vector<1xi32>
    %slice3A_74 = vector.extract_strided_slice %get3A_11 {offsets = [3], sizes = [1], strides = [1]} : vector<16xi32> to vector<1xi32>
    %squeeze3A_75 = vector.extract %slice3A_74[0] : i32 from vector<1xi32>
    %slice3A_76 = vector.extract_strided_slice %get3A_11 {offsets = [4], sizes = [1], strides = [1]} : vector<16xi32> to vector<1xi32>
    %squeeze3A_77 = vector.extract %slice3A_76[0] : i32 from vector<1xi32>
    %slice3A_78 = vector.extract_strided_slice %get3A_11 {offsets = [5], sizes = [1], strides = [1]} : vector<16xi32> to vector<1xi32>
    %squeeze3A_79 = vector.extract %slice3A_78[0] : i32 from vector<1xi32>
    %slice3A_80 = vector.extract_strided_slice %get3A_11 {offsets = [6], sizes = [1], strides = [1]} : vector<16xi32> to vector<1xi32>
    %squeeze3A_81 = vector.extract %slice3A_80[0] : i32 from vector<1xi32>
    %slice3A_82 = vector.extract_strided_slice %get3A_11 {offsets = [7], sizes = [1], strides = [1]} : vector<16xi32> to vector<1xi32>
    %squeeze3A_83 = vector.extract %slice3A_82[0] : i32 from vector<1xi32>
    %slice3A_84 = vector.extract_strided_slice %get3A_11 {offsets = [8], sizes = [1], strides = [1]} : vector<16xi32> to vector<1xi32>
    %squeeze3A_85 = vector.extract %slice3A_84[0] : i32 from vector<1xi32>
    %slice3A_86 = vector.extract_strided_slice %get3A_11 {offsets = [9], sizes = [1], strides = [1]} : vector<16xi32> to vector<1xi32>
    %squeeze3A_87 = vector.extract %slice3A_86[0] : i32 from vector<1xi32>
    %scan3A_88 = arith.constant 0 : i32
    %scan3A_89 = arith.constant 0 : i32
    %scan3A_90 = arith.constant 16 : i32
    %scan3A_91 = arith.addi %scan3A_89, %scan3A_90 : i32
    %scan3A_92 = arith.constant 1 : i32
    scf.for %scan3A_103 = %scan3A_89 to %scan3A_91 step %scan3A_92  : i32 {
      %mul3A_104 = arith.constant 16 : i32
      %mul3A_105 = arith.muli %scan3A_103, %mul3A_104 : i32
      %add3A_106 = vector.broadcast %mul3A_105 : i32 to vector<16xi32>
      %add3A_107 = arith.addi %iota3A, %add3A_106 : vector<16xi32>
      %mul3A_108 = arith.constant 160 : i32
      %mul3A_109 = arith.muli %add3A, %mul3A_108 : i32
      %add3A_110 = vector.broadcast %mul3A_109 : i32 to vector<16xi32>
      %add3A_111 = arith.addi %add3A_107, %add3A_110 : vector<16xi32>
      %sub3A = vector.broadcast %squeeze3A_27 : i32 to vector<16xi32>
      %sub3A_112 = arith.subi %add3A_111, %sub3A : vector<16xi32>
      %add3A_113 = vector.broadcast %squeeze3A : i32 to vector<16xi32>
      %add3A_114 = arith.addi %add3A_113, %sub3A_112 : vector<16xi32>
      %lt3A = vector.broadcast %squeeze3A_67 : i32 to vector<16xi32>
      %lt3A_115 = arith.cmpi slt, %add3A_111, %lt3A : vector<16xi32>
      %sub3A_116 = vector.broadcast %squeeze3A_87 : i32 to vector<16xi32>
      %sub3A_117 = arith.subi %add3A_111, %sub3A_116 : vector<16xi32>
      %add3A_118 = vector.broadcast %squeeze3A_47 : i32 to vector<16xi32>
      %add3A_119 = arith.addi %add3A_118, %sub3A_117 : vector<16xi32>
      %select_n3A = arith.select %lt3A_115, %add3A_119, %add3A_114 : vector<16xi1>, vector<16xi32>
      %lt3A_120 = vector.broadcast %squeeze3A_65 : i32 to vector<16xi32>
      %lt3A_121 = arith.cmpi slt, %add3A_111, %lt3A_120 : vector<16xi32>
      %sub3A_122 = vector.broadcast %squeeze3A_85 : i32 to vector<16xi32>
      %sub3A_123 = arith.subi %add3A_111, %sub3A_122 : vector<16xi32>
      %add3A_124 = vector.broadcast %squeeze3A_45 : i32 to vector<16xi32>
      %add3A_125 = arith.addi %add3A_124, %sub3A_123 : vector<16xi32>
      %select_n3A_126 = arith.select %lt3A_121, %add3A_125, %select_n3A : vector<16xi1>, vector<16xi32>
      %lt3A_127 = vector.broadcast %squeeze3A_63 : i32 to vector<16xi32>
      %lt3A_128 = arith.cmpi slt, %add3A_111, %lt3A_127 : vector<16xi32>
      %sub3A_129 = vector.broadcast %squeeze3A_83 : i32 to vector<16xi32>
      %sub3A_130 = arith.subi %add3A_111, %sub3A_129 : vector<16xi32>
      %add3A_131 = vector.broadcast %squeeze3A_43 : i32 to vector<16xi32>
      %add3A_132 = arith.addi %add3A_131, %sub3A_130 : vector<16xi32>
      %select_n3A_133 = arith.select %lt3A_128, %add3A_132, %select_n3A_126 : vector<16xi1>, vector<16xi32>
      %lt3A_134 = vector.broadcast %squeeze3A_61 : i32 to vector<16xi32>
      %lt3A_135 = arith.cmpi slt, %add3A_111, %lt3A_134 : vector<16xi32>
      %sub3A_136 = vector.broadcast %squeeze3A_81 : i32 to vector<16xi32>
      %sub3A_137 = arith.subi %add3A_111, %sub3A_136 : vector<16xi32>
      %add3A_138 = vector.broadcast %squeeze3A_41 : i32 to vector<16xi32>
      %add3A_139 = arith.addi %add3A_138, %sub3A_137 : vector<16xi32>
      %select_n3A_140 = arith.select %lt3A_135, %add3A_139, %select_n3A_133 : vector<16xi1>, vector<16xi32>
      %lt3A_141 = vector.broadcast %squeeze3A_59 : i32 to vector<16xi32>
      %lt3A_142 = arith.cmpi slt, %add3A_111, %lt3A_141 : vector<16xi32>
      %sub3A_143 = vector.broadcast %squeeze3A_79 : i32 to vector<16xi32>
      %sub3A_144 = arith.subi %add3A_111, %sub3A_143 : vector<16xi32>
      %add3A_145 = vector.broadcast %squeeze3A_39 : i32 to vector<16xi32>
      %add3A_146 = arith.addi %add3A_145, %sub3A_144 : vector<16xi32>
      %select_n3A_147 = arith.select %lt3A_142, %add3A_146, %select_n3A_140 : vector<16xi1>, vector<16xi32>
      %lt3A_148 = vector.broadcast %squeeze3A_57 : i32 to vector<16xi32>
      %lt3A_149 = arith.cmpi slt, %add3A_111, %lt3A_148 : vector<16xi32>
      %sub3A_150 = vector.broadcast %squeeze3A_77 : i32 to vector<16xi32>
      %sub3A_151 = arith.subi %add3A_111, %sub3A_150 : vector<16xi32>
      %add3A_152 = vector.broadcast %squeeze3A_37 : i32 to vector<16xi32>
      %add3A_153 = arith.addi %add3A_152, %sub3A_151 : vector<16xi32>
      %select_n3A_154 = arith.select %lt3A_149, %add3A_153, %select_n3A_147 : vector<16xi1>, vector<16xi32>
      %lt3A_155 = vector.broadcast %squeeze3A_55 : i32 to vector<16xi32>
      %lt3A_156 = arith.cmpi slt, %add3A_111, %lt3A_155 : vector<16xi32>
      %sub3A_157 = vector.broadcast %squeeze3A_75 : i32 to vector<16xi32>
      %sub3A_158 = arith.subi %add3A_111, %sub3A_157 : vector<16xi32>
      %add3A_159 = vector.broadcast %squeeze3A_35 : i32 to vector<16xi32>
      %add3A_160 = arith.addi %add3A_159, %sub3A_158 : vector<16xi32>
      %select_n3A_161 = arith.select %lt3A_156, %add3A_160, %select_n3A_154 : vector<16xi1>, vector<16xi32>
      %lt3A_162 = vector.broadcast %squeeze3A_53 : i32 to vector<16xi32>
      %lt3A_163 = arith.cmpi slt, %add3A_111, %lt3A_162 : vector<16xi32>
      %sub3A_164 = vector.broadcast %squeeze3A_73 : i32 to vector<16xi32>
      %sub3A_165 = arith.subi %add3A_111, %sub3A_164 : vector<16xi32>
      %add3A_166 = vector.broadcast %squeeze3A_33 : i32 to vector<16xi32>
      %add3A_167 = arith.addi %add3A_166, %sub3A_165 : vector<16xi32>
      %select_n3A_168 = arith.select %lt3A_163, %add3A_167, %select_n3A_161 : vector<16xi1>, vector<16xi32>
      %lt3A_169 = vector.broadcast %squeeze3A_51 : i32 to vector<16xi32>
      %lt3A_170 = arith.cmpi slt, %add3A_111, %lt3A_169 : vector<16xi32>
      %sub3A_171 = vector.broadcast %squeeze3A_71 : i32 to vector<16xi32>
      %sub3A_172 = arith.subi %add3A_111, %sub3A_171 : vector<16xi32>
      %add3A_173 = vector.broadcast %squeeze3A_31 : i32 to vector<16xi32>
      %add3A_174 = arith.addi %add3A_173, %sub3A_172 : vector<16xi32>
      %select_n3A_175 = arith.select %lt3A_170, %add3A_174, %select_n3A_168 : vector<16xi1>, vector<16xi32>
      %lt3A_176 = vector.broadcast %squeeze3A_49 : i32 to vector<16xi32>
      %lt3A_177 = arith.cmpi slt, %add3A_111, %lt3A_176 : vector<16xi32>
      %sub3A_178 = vector.broadcast %squeeze3A_69 : i32 to vector<16xi32>
      %sub3A_179 = arith.subi %add3A_111, %sub3A_178 : vector<16xi32>
      %add3A_180 = vector.broadcast %squeeze3A_29 : i32 to vector<16xi32>
      %add3A_181 = arith.addi %add3A_180, %sub3A_179 : vector<16xi32>
      %select_n3A_182 = arith.select %lt3A_177, %add3A_181, %select_n3A_175 : vector<16xi1>, vector<16xi32>
      %lt3A_183 = arith.constant 160 : i32
      %lt3A_184 = vector.broadcast %lt3A_183 : i32 to vector<16xi32>
      %lt3A_185 = arith.cmpi slt, %add3A_107, %lt3A_184 : vector<16xi32>
      %jit3A = arith.constant 46080 : i32
      %broadcast_in_dim3A = vector.broadcast %jit3A : i32 to vector<16xi32>
      %select_n3A_186 = arith.select %lt3A_185, %select_n3A_182, %broadcast_in_dim3A : vector<16xi1>, vector<16xi32>
      %mul3A_187 = arith.constant 16 : i32
      %mul3A_188 = arith.muli %scan3A_103, %mul3A_187 : i32
      %multiple_of3A_189 = tpu.assume_multiple %mul3A_188, 16 : i32
      %swap3A = arith.index_cast %multiple_of3A_189 : i32 to index
      %swap3A_190 = tpu.vector_load %arg16[%swap3A] {strides = array<i32>} : memref<256xi32, #tpu.memory_space<vmem>>, vector<16xi32>,
      %swap3A_191 = vector.shape_cast %swap3A_190 : vector<16xi32> to vector<16xi32>
      %swap3A_192 = vector.shape_cast %select_n3A_186 : vector<16xi32> to vector<16xi32>
      tpu.vector_store %arg16[%swap3A], %swap3A_192 {strides = array<i32>} : memref<256xi32, #tpu.memory_space<vmem>>, vector<16xi32>,
      %broadcast_in_dim3A_193 = arith.constant 0 : i32
      %broadcast_in_dim3A_194 = vector.broadcast %broadcast_in_dim3A_193 : i32 to vector<16xi32>
      %swap3A_195 = arith.index_cast %multiple_of3A_189 : i32 to index
      %swap3A_196 = tpu.vector_load %arg17[%swap3A_195] {strides = array<i32>} : memref<256xi32, #tpu.memory_space<vmem>>, vector<16xi32>,
      %swap3A_197 = vector.shape_cast %swap3A_196 : vector<16xi32> to vector<16xi32>
      %swap3A_198 = vector.shape_cast %broadcast_in_dim3A_194 : vector<16xi32> to vector<16xi32>
      tpu.vector_store %arg17[%swap3A_195], %swap3A_198 {strides = array<i32>} : memref<256xi32, #tpu.memory_space<vmem>>, vector<16xi32>,
      %broadcast_in_dim3A_199 = arith.constant 0.000000e+00 : f32
      %broadcast_in_dim3A_200 = vector.broadcast %broadcast_in_dim3A_199 : f32 to vector<16xf32>
      %swap3A_201 = arith.index_cast %multiple_of3A_189 : i32 to index
      %swap3A_202 = tpu.vector_load %arg18[%swap3A_201] {strides = array<i32>} : memref<256xf32, #tpu.memory_space<vmem>>, vector<16xf32>,
      %swap3A_203 = vector.shape_cast %swap3A_202 : vector<16xf32> to vector<16xf32>
      %swap3A_204 = vector.shape_cast %broadcast_in_dim3A_200 : vector<16xf32> to vector<16xf32>
      tpu.vector_store %arg18[%swap3A_201], %swap3A_204 {strides = array<i32>} : memref<256xf32, #tpu.memory_space<vmem>>, vector<16xf32>,
    }
    %scan3A_93 = arith.constant 16 : i32
    %dma_wait3A = tpu.memref_slice %arg3[%multiple_of3A] : memref<20480xi32, #tpu.memory_space<hbm>> -> memref<640xi32, #tpu.memory_space<hbm>>
    %dma_wait3A_94 = tpu.memref_slice %arg3[%multiple_of3A] : memref<20480xi32, #tpu.memory_space<hbm>> -> memref<640xi32, #tpu.memory_space<hbm>>
    tpu.wait_dma2 semaphore(%arg20 : memref<!tpu.dma_semaphore, #tpu.memory_space<semaphore_mem>>) src(%dma_wait3A_94 : memref<640xi32, #tpu.memory_space<hbm>>) dst(%arg11 : memref<640xi32, #tpu.memory_space<vmem>>)
    %dma_wait3A_95 = tpu.memref_slice %arg4[%multiple_of3A] : memref<20480xi32, #tpu.memory_space<hbm>> -> memref<640xi32, #tpu.memory_space<hbm>>
    %dma_wait3A_96 = tpu.memref_slice %arg4[%multiple_of3A] : memref<20480xi32, #tpu.memory_space<hbm>> -> memref<640xi32, #tpu.memory_space<hbm>>
    tpu.wait_dma2 semaphore(%arg20 : memref<!tpu.dma_semaphore, #tpu.memory_space<semaphore_mem>>) src(%dma_wait3A_96 : memref<640xi32, #tpu.memory_space<hbm>>) dst(%arg12 : memref<640xi32, #tpu.memory_space<vmem>>)
    %dma_wait3A_97 = tpu.memref_slice %arg5[%multiple_of3A] : memref<20480xf32, #tpu.memory_space<hbm>> -> memref<640xf32, #tpu.memory_space<hbm>>
    %dma_wait3A_98 = tpu.memref_slice %arg5[%multiple_of3A] : memref<20480xf32, #tpu.memory_space<hbm>> -> memref<640xf32, #tpu.memory_space<hbm>>
    tpu.wait_dma2 semaphore(%arg20 : memref<!tpu.dma_semaphore, #tpu.memory_space<semaphore_mem>>) src(%dma_wait3A_98 : memref<640xf32, #tpu.memory_space<hbm>>) dst(%arg14 : memref<640xf32, #tpu.memory_space<vmem>>)
    %dma_wait3A_99 = tpu.memref_slice %arg6[%multiple_of3A] : memref<20480xf32, #tpu.memory_space<hbm>> -> memref<640xf32, #tpu.memory_space<hbm>>
    %dma_wait3A_100 = tpu.memref_slice %arg6[%multiple_of3A] : memref<20480xf32, #tpu.memory_space<hbm>> -> memref<640xf32, #tpu.memory_space<hbm>>
    tpu.wait_dma2 semaphore(%arg20 : memref<!tpu.dma_semaphore, #tpu.memory_space<semaphore_mem>>) src(%dma_wait3A_100 : memref<640xf32, #tpu.memory_space<hbm>>) dst(%arg15 : memref<640xf32, #tpu.memory_space<vmem>>)
    %eq3A = arith.constant 0 : i32
    %eq3A_101 = arith.cmpi eq, %add3A, %eq3A : i32
    %convert_element_type3A = arith.extui %eq3A_101 : i1 to i32
    %cond3A = arith.constant 0 : i32
    %cond3A_102 = arith.cmpi ne, %convert_element_type3A, %cond3A : i32
    scf.if %cond3A_102 {
      %scan3A_103 = arith.constant 0 : i32
      %scan3A_104 = arith.constant 0 : i32
      %scan3A_105 = arith.constant 6 : i32
      %scan3A_106 = arith.addi %scan3A_104, %scan3A_105 : i32
      %scan3A_107 = arith.constant 1 : i32
      scf.for %scan3A_109 = %scan3A_104 to %scan3A_106 step %scan3A_107  : i32 {
        %mul3A_110 = arith.constant 16 : i32
        %mul3A_111 = arith.muli %scan3A_109, %mul3A_110 : i32
        %add3A_112 = vector.broadcast %mul3A_111 : i32 to vector<16xi32>
        %add3A_113 = arith.addi %iota3A, %add3A_112 : vector<16xi32>
        %shift_left3A = arith.constant 9 : i32
        %shift_left3A_114 = vector.broadcast %shift_left3A : i32 to vector<16xi32>
        %shift_left3A_115 = arith.shli %add3A_113, %shift_left3A_114 : vector<16xi32>
        %broadcast_in_dim3A = arith.constant 0 : i32
        %broadcast_in_dim3A_116 = vector.broadcast %broadcast_in_dim3A : i32 to vector<16xi32>
        %slice3A_117 = vector.extract_strided_slice %get3A_2 {offsets = [0], sizes = [1], strides = [1]} : vector<16xi32> to vector<1xi32>
        %squeeze3A_118 = vector.extract %slice3A_117[0] : i32 from vector<1xi32>
        %ge3A = vector.broadcast %squeeze3A_118 : i32 to vector<16xi32>
        %ge3A_119 = arith.cmpi sge, %shift_left3A_115, %ge3A : vector<16xi32>
        %jit3A = arith.constant 1 : i32
        %jit3A_120 = arith.constant 0 : i32
        %broadcast_in_dim3A_121 = vector.broadcast %jit3A : i32 to vector<16xi32>
        %broadcast_in_dim3A_122 = vector.broadcast %jit3A_120 : i32 to vector<16xi32>
        %select_n3A = arith.select %ge3A_119, %broadcast_in_dim3A_121, %broadcast_in_dim3A_122 : vector<16xi1>, vector<16xi32>
        %add3A_123 = arith.addi %broadcast_in_dim3A_116, %select_n3A : vector<16xi32>
        %slice3A_124 = vector.extract_strided_slice %get3A_2 {offsets = [1], sizes = [1], strides = [1]} : vector<16xi32> to vector<1xi32>
        %squeeze3A_125 = vector.extract %slice3A_124[0] : i32 from vector<1xi32>
        %ge3A_126 = vector.broadcast %squeeze3A_125 : i32 to vector<16xi32>
        %ge3A_127 = arith.cmpi sge, %shift_left3A_115, %ge3A_126 : vector<16xi32>
        %jit3A_128 = arith.constant 1 : i32
        %jit3A_129 = arith.constant 0 : i32
        %broadcast_in_dim3A_130 = vector.broadcast %jit3A_128 : i32 to vector<16xi32>
        %broadcast_in_dim3A_131 = vector.broadcast %jit3A_129 : i32 to vector<16xi32>
        %select_n3A_132 = arith.select %ge3A_127, %broadcast_in_dim3A_130, %broadcast_in_dim3A_131 : vector<16xi1>, vector<16xi32>
        %add3A_133 = arith.addi %add3A_123, %select_n3A_132 : vector<16xi32>
        %slice3A_134 = vector.extract_strided_slice %get3A_2 {offsets = [2], sizes = [1], strides = [1]} : vector<16xi32> to vector<1xi32>
        %squeeze3A_135 = vector.extract %slice3A_134[0] : i32 from vector<1xi32>
        %ge3A_136 = vector.broadcast %squeeze3A_135 : i32 to vector<16xi32>
        %ge3A_137 = arith.cmpi sge, %shift_left3A_115, %ge3A_136 : vector<16xi32>
        %jit3A_138 = arith.constant 1 : i32
        %jit3A_139 = arith.constant 0 : i32
        %broadcast_in_dim3A_140 = vector.broadcast %jit3A_138 : i32 to vector<16xi32>
        %broadcast_in_dim3A_141 = vector.broadcast %jit3A_139 : i32 to vector<16xi32>
        %select_n3A_142 = arith.select %ge3A_137, %broadcast_in_dim3A_140, %broadcast_in_dim3A_141 : vector<16xi1>, vector<16xi32>
        %add3A_143 = arith.addi %add3A_133, %select_n3A_142 : vector<16xi32>
        %slice3A_144 = vector.extract_strided_slice %get3A_2 {offsets = [3], sizes = [1], strides = [1]} : vector<16xi32> to vector<1xi32>
        %squeeze3A_145 = vector.extract %slice3A_144[0] : i32 from vector<1xi32>
        %ge3A_146 = vector.broadcast %squeeze3A_145 : i32 to vector<16xi32>
        %ge3A_147 = arith.cmpi sge, %shift_left3A_115, %ge3A_146 : vector<16xi32>
        %jit3A_148 = arith.constant 1 : i32
        %jit3A_149 = arith.constant 0 : i32
        %broadcast_in_dim3A_150 = vector.broadcast %jit3A_148 : i32 to vector<16xi32>
        %broadcast_in_dim3A_151 = vector.broadcast %jit3A_149 : i32 to vector<16xi32>
        %select_n3A_152 = arith.select %ge3A_147, %broadcast_in_dim3A_150, %broadcast_in_dim3A_151 : vector<16xi1>, vector<16xi32>
        %add3A_153 = arith.addi %add3A_143, %select_n3A_152 : vector<16xi32>
        %slice3A_154 = vector.extract_strided_slice %get3A_2 {offsets = [4], sizes = [1], strides = [1]} : vector<16xi32> to vector<1xi32>
        %squeeze3A_155 = vector.extract %slice3A_154[0] : i32 from vector<1xi32>
        %ge3A_156 = vector.broadcast %squeeze3A_155 : i32 to vector<16xi32>
        %ge3A_157 = arith.cmpi sge, %shift_left3A_115, %ge3A_156 : vector<16xi32>
        %jit3A_158 = arith.constant 1 : i32
        %jit3A_159 = arith.constant 0 : i32
        %broadcast_in_dim3A_160 = vector.broadcast %jit3A_158 : i32 to vector<16xi32>
        %broadcast_in_dim3A_161 = vector.broadcast %jit3A_159 : i32 to vector<16xi32>
        %select_n3A_162 = arith.select %ge3A_157, %broadcast_in_dim3A_160, %broadcast_in_dim3A_161 : vector<16xi1>, vector<16xi32>
        %add3A_163 = arith.addi %add3A_153, %select_n3A_162 : vector<16xi32>
        %slice3A_164 = vector.extract_strided_slice %get3A_2 {offsets = [5], sizes = [1], strides = [1]} : vector<16xi32> to vector<1xi32>
        %squeeze3A_165 = vector.extract %slice3A_164[0] : i32 from vector<1xi32>
        %ge3A_166 = vector.broadcast %squeeze3A_165 : i32 to vector<16xi32>
        %ge3A_167 = arith.cmpi sge, %shift_left3A_115, %ge3A_166 : vector<16xi32>
        %jit3A_168 = arith.constant 1 : i32
        %jit3A_169 = arith.constant 0 : i32
        %broadcast_in_dim3A_170 = vector.broadcast %jit3A_168 : i32 to vector<16xi32>
        %broadcast_in_dim3A_171 = vector.broadcast %jit3A_169 : i32 to vector<16xi32>
        %select_n3A_172 = arith.select %ge3A_167, %broadcast_in_dim3A_170, %broadcast_in_dim3A_171 : vector<16xi1>, vector<16xi32>
        %add3A_173 = arith.addi %add3A_163, %select_n3A_172 : vector<16xi32>
        %slice3A_174 = vector.extract_strided_slice %get3A_2 {offsets = [6], sizes = [1], strides = [1]} : vector<16xi32> to vector<1xi32>
        %squeeze3A_175 = vector.extract %slice3A_174[0] : i32 from vector<1xi32>
        %ge3A_176 = vector.broadcast %squeeze3A_175 : i32 to vector<16xi32>
        %ge3A_177 = arith.cmpi sge, %shift_left3A_115, %ge3A_176 : vector<16xi32>
        %jit3A_178 = arith.constant 1 : i32
        %jit3A_179 = arith.constant 0 : i32
        %broadcast_in_dim3A_180 = vector.broadcast %jit3A_178 : i32 to vector<16xi32>
        %broadcast_in_dim3A_181 = vector.broadcast %jit3A_179 : i32 to vector<16xi32>
        %select_n3A_182 = arith.select %ge3A_177, %broadcast_in_dim3A_180, %broadcast_in_dim3A_181 : vector<16xi1>, vector<16xi32>
        %add3A_183 = arith.addi %add3A_173, %select_n3A_182 : vector<16xi32>
        %slice3A_184 = vector.extract_strided_slice %get3A_2 {offsets = [7], sizes = [1], strides = [1]} : vector<16xi32> to vector<1xi32>
        %squeeze3A_185 = vector.extract %slice3A_184[0] : i32 from vector<1xi32>
        %ge3A_186 = vector.broadcast %squeeze3A_185 : i32 to vector<16xi32>
        %ge3A_187 = arith.cmpi sge, %shift_left3A_115, %ge3A_186 : vector<16xi32>
        %jit3A_188 = arith.constant 1 : i32
        %jit3A_189 = arith.constant 0 : i32
        %broadcast_in_dim3A_190 = vector.broadcast %jit3A_188 : i32 to vector<16xi32>
        %broadcast_in_dim3A_191 = vector.broadcast %jit3A_189 : i32 to vector<16xi32>
        %select_n3A_192 = arith.select %ge3A_187, %broadcast_in_dim3A_190, %broadcast_in_dim3A_191 : vector<16xi1>, vector<16xi32>
        %add3A_193 = arith.addi %add3A_183, %select_n3A_192 : vector<16xi32>
        %slice3A_194 = vector.extract_strided_slice %get3A_2 {offsets = [8], sizes = [1], strides = [1]} : vector<16xi32> to vector<1xi32>
        %squeeze3A_195 = vector.extract %slice3A_194[0] : i32 from vector<1xi32>
        %ge3A_196 = vector.broadcast %squeeze3A_195 : i32 to vector<16xi32>
        %ge3A_197 = arith.cmpi sge, %shift_left3A_115, %ge3A_196 : vector<16xi32>
        %jit3A_198 = arith.constant 1 : i32
        %jit3A_199 = arith.constant 0 : i32
        %broadcast_in_dim3A_200 = vector.broadcast %jit3A_198 : i32 to vector<16xi32>
        %broadcast_in_dim3A_201 = vector.broadcast %jit3A_199 : i32 to vector<16xi32>
        %select_n3A_202 = arith.select %ge3A_197, %broadcast_in_dim3A_200, %broadcast_in_dim3A_201 : vector<16xi1>, vector<16xi32>
        %add3A_203 = arith.addi %add3A_193, %select_n3A_202 : vector<16xi32>
        %slice3A_204 = vector.extract_strided_slice %get3A_2 {offsets = [9], sizes = [1], strides = [1]} : vector<16xi32> to vector<1xi32>
        %squeeze3A_205 = vector.extract %slice3A_204[0] : i32 from vector<1xi32>
        %ge3A_206 = vector.broadcast %squeeze3A_205 : i32 to vector<16xi32>
        %ge3A_207 = arith.cmpi sge, %shift_left3A_115, %ge3A_206 : vector<16xi32>
        %jit3A_208 = arith.constant 1 : i32
        %jit3A_209 = arith.constant 0 : i32
        %broadcast_in_dim3A_210 = vector.broadcast %jit3A_208 : i32 to vector<16xi32>
        %broadcast_in_dim3A_211 = vector.broadcast %jit3A_209 : i32 to vector<16xi32>
        %select_n3A_212 = arith.select %ge3A_207, %broadcast_in_dim3A_210, %broadcast_in_dim3A_211 : vector<16xi1>, vector<16xi32>
        %add3A_213 = arith.addi %add3A_203, %select_n3A_212 : vector<16xi32>
        %mul3A_214 = arith.constant 16 : i32
        %mul3A_215 = arith.muli %scan3A_109, %mul3A_214 : i32
        %multiple_of3A_216 = tpu.assume_multiple %mul3A_215, 16 : i32
        %ge3A_217 = arith.constant 10 : i32
        %ge3A_218 = vector.broadcast %ge3A_217 : i32 to vector<16xi32>
        %ge3A_219 = arith.cmpi sge, %add3A_213, %ge3A_218 : vector<16xi32>
        %jit3A_220 = arith.constant 0 : i32
        %broadcast_in_dim3A_221 = vector.broadcast %jit3A_220 : i32 to vector<16xi32>
        %select_n3A_222 = arith.select %ge3A_219, %broadcast_in_dim3A_221, %add3A_213 : vector<16xi1>, vector<16xi32>
        %swap3A = arith.index_cast %multiple_of3A_216 : i32 to index
        %swap3A_223 = tpu.vector_load %arg19[%swap3A] {strides = array<i32>} : memref<96xi32, #tpu.memory_space<vmem>>, vector<16xi32>,
        %swap3A_224 = vector.shape_cast %swap3A_223 : vector<16xi32> to vector<16xi32>
        %swap3A_225 = vector.shape_cast %select_n3A_222 : vector<16xi32> to vector<16xi32>
        tpu.vector_store %arg19[%swap3A], %swap3A_225 {strides = array<i32>} : memref<96xi32, #tpu.memory_space<vmem>>, vector<16xi32>,
      }
      %scan3A_108 = arith.constant 6 : i32
      "tpu.region"() ({
        %run_scoped3A = tpu.sem_alloc : memref<!tpu.dma_semaphore, #tpu.memory_space<semaphore_mem>>
        tpu.enqueue_dma source(%arg19 : memref<96xi32, #tpu.memory_space<vmem>>) target(%arg9 : memref<96xi32, #tpu.memory_space<hbm>>) target_semaphore(%run_scoped3A : memref<!tpu.dma_semaphore, #tpu.memory_space<semaphore_mem>>)
        tpu.wait_dma2 semaphore(%run_scoped3A : memref<!tpu.dma_semaphore, #tpu.memory_space<semaphore_mem>>) src(%arg19 : memref<96xi32, #tpu.memory_space<vmem>>) dst(%arg9 : memref<96xi32, #tpu.memory_space<hbm>>)
        tpu.yield
      }) : () -> ()
    } else {
    }
    return
  }
}

#map = affine_map<(d0, d1) -> (0)>
#map1 = affine_map<(d0, d1) -> (0, 0)>
module attributes {stable_mosaic.version = 14 : i64} {
  func.func @_gather_sc(%arg0: i32, %arg1: i32, %arg2: memref<46208xi32, #tpu.memory_space<hbm>>, %arg3: memref<20000x128xf32, #tpu.memory_space<hbm>>, %arg4: memref<46080x128xf32, #tpu.memory_space<hbm>>, %arg5: memref<1440xi32, #tpu.memory_space<vmem>>, %arg6: memref<128xi32, #tpu.memory_space<vmem>>, %arg7: memref<128x128xf32, #tpu.memory_space<vmem>>, %arg8: memref<!tpu.dma_semaphore, #tpu.memory_space<semaphore_mem>>) attributes {dimension_semantics = [#tpu.dimension_semantics<core_parallel>, #tpu.dimension_semantics<subcore_parallel>], iteration_bounds = array<i64: 2, 16>, scalar_prefetch = 0 : i64, scratch_operands = 4 : i64, tpu.core_type = #tpu.core_type<sc_vector_subcore>, window_params = [{transform_indices = #map}, {transform_indices = #map1}, {transform_indices = #map1}]} {
    %mul3A = arith.constant 2 : i32
    %mul3A_0 = arith.muli %arg1, %mul3A : i32
    %add3A = arith.addi %mul3A_0, %arg0 : i32
    %mul3A_1 = arith.constant 1440 : i32
    %mul3A_2 = arith.muli %add3A, %mul3A_1 : i32
    %multiple_of3A = tpu.assume_multiple %mul3A_2, 8 : i32
    "tpu.region"() ({
      %run_scoped3A = tpu.sem_alloc : memref<!tpu.dma_semaphore, #tpu.memory_space<semaphore_mem>>
      %dma_start3A_30 = tpu.memref_slice %arg2[%multiple_of3A] : memref<46208xi32, #tpu.memory_space<hbm>> -> memref<1440xi32, #tpu.memory_space<hbm>>
      %dma_start3A_31 = tpu.memref_slice %arg2[%multiple_of3A] : memref<46208xi32, #tpu.memory_space<hbm>> -> memref<1440xi32, #tpu.memory_space<hbm>>
      tpu.enqueue_dma source(%dma_start3A_31 : memref<1440xi32, #tpu.memory_space<hbm>>) target(%arg5 : memref<1440xi32, #tpu.memory_space<vmem>>) target_semaphore(%run_scoped3A : memref<!tpu.dma_semaphore, #tpu.memory_space<semaphore_mem>>)
      %dma_wait3A_32 = tpu.memref_slice %arg2[%multiple_of3A] : memref<46208xi32, #tpu.memory_space<hbm>> -> memref<1440xi32, #tpu.memory_space<hbm>>
      %dma_wait3A_33 = tpu.memref_slice %arg2[%multiple_of3A] : memref<46208xi32, #tpu.memory_space<hbm>> -> memref<1440xi32, #tpu.memory_space<hbm>>
      tpu.wait_dma2 semaphore(%run_scoped3A : memref<!tpu.dma_semaphore, #tpu.memory_space<semaphore_mem>>) src(%dma_wait3A_33 : memref<1440xi32, #tpu.memory_space<hbm>>) dst(%arg5 : memref<1440xi32, #tpu.memory_space<vmem>>)
      tpu.yield
    }) : () -> ()
    %scan3A = arith.constant 0 : i32
    %scan3A_3 = arith.constant 0 : i32
    %scan3A_4 = arith.constant 90 : i32
    %scan3A_5 = arith.addi %scan3A_3, %scan3A_4 : i32
    %scan3A_6 = arith.constant 1 : i32
    scf.for %scan3A_30 = %scan3A_3 to %scan3A_5 step %scan3A_6  : i32 {
      %mul3A_31 = arith.constant 16 : i32
      %mul3A_32 = arith.muli %scan3A_30, %mul3A_31 : i32
      %multiple_of3A_33 = tpu.assume_multiple %mul3A_32, 16 : i32
      %get3A = arith.index_cast %multiple_of3A_33 : i32 to index
      %get3A_34 = tpu.vector_load %arg5[%get3A] {strides = array<i32>} : memref<1440xi32, #tpu.memory_space<vmem>>, vector<16xi32>,
      %get3A_35 = vector.shape_cast %get3A_34 : vector<16xi32> to vector<16xi32>
      %max3A = arith.constant 0 : i32
      %max3A_36 = vector.broadcast %max3A : i32 to vector<16xi32>
      %max3A_37 = arith.maxsi %get3A_35, %max3A_36 : vector<16xi32>
      %min3A = arith.constant 19999 : i32
      %min3A_38 = vector.broadcast %min3A : i32 to vector<16xi32>
      %min3A_39 = arith.minsi %max3A_37, %min3A_38 : vector<16xi32>
      %swap3A = arith.index_cast %multiple_of3A_33 : i32 to index
      %swap3A_40 = tpu.vector_load %arg5[%swap3A] {strides = array<i32>} : memref<1440xi32, #tpu.memory_space<vmem>>, vector<16xi32>,
      %swap3A_41 = vector.shape_cast %swap3A_40 : vector<16xi32> to vector<16xi32>
      %swap3A_42 = vector.shape_cast %min3A_39 : vector<16xi32> to vector<16xi32>
      tpu.vector_store %arg5[%swap3A], %swap3A_42 {strides = array<i32>} : memref<1440xi32, #tpu.memory_space<vmem>>, vector<16xi32>,
    }
    %scan3A_7 = arith.constant 90 : i32
    %scan3A_8 = arith.constant 0 : i32
    %scan3A_9 = arith.constant 0 : i32
    %scan3A_10 = arith.constant 11 : i32
    %scan3A_11 = arith.addi %scan3A_9, %scan3A_10 : i32
    %scan3A_12 = arith.constant 1 : i32
    scf.for %scan3A_30 = %scan3A_9 to %scan3A_11 step %scan3A_12  : i32 {
      %mul3A_31 = arith.constant 128 : i32
      %mul3A_32 = arith.muli %scan3A_30, %mul3A_31 : i32
      %multiple_of3A_33 = tpu.assume_multiple %mul3A_32, 128 : i32
      %dma_start3A_34 = tpu.memref_slice %arg5[%multiple_of3A_33] : memref<1440xi32, #tpu.memory_space<vmem>> -> memref<128xi32, #tpu.memory_space<vmem>>
      %dma_start3A_35 = arith.constant 0 : i32
      %dma_start3A_36 = arith.constant 0 : i32
      %dma_start3A_37 = tpu.memref_slice %arg3[%dma_start3A_35, %dma_start3A_36] : memref<20000x128xf32, #tpu.memory_space<hbm>> -> memref<20000x128xf32, #tpu.memory_space<hbm>>
      tpu.enqueue_indirect_dma source(%dma_start3A_37 : memref<20000x128xf32, #tpu.memory_space<hbm>>) target(%arg7 : memref<128x128xf32, #tpu.memory_space<vmem>>) offsets(%dma_start3A_34 : memref<128xi32, #tpu.memory_space<vmem>>) semaphore(%arg8 : memref<!tpu.dma_semaphore, #tpu.memory_space<semaphore_mem>>)
      %dma_wait3A_38 = tpu.memref_slice %arg5[%multiple_of3A_33] : memref<1440xi32, #tpu.memory_space<vmem>> -> memref<128xi32, #tpu.memory_space<vmem>>
      %dma_wait3A_39 = arith.constant 0 : i32
      %dma_wait3A_40 = arith.constant 0 : i32
      %dma_wait3A_41 = tpu.memref_slice %arg3[%dma_wait3A_39, %dma_wait3A_40] : memref<20000x128xf32, #tpu.memory_space<hbm>> -> memref<20000x128xf32, #tpu.memory_space<hbm>>
      tpu.wait_indirect_dma semaphore(%arg8 : memref<!tpu.dma_semaphore, #tpu.memory_space<semaphore_mem>>) src(%dma_wait3A_41 : memref<20000x128xf32, #tpu.memory_space<hbm>>) dst(%arg7 : memref<128x128xf32, #tpu.memory_space<vmem>>)
      %add3A_42 = arith.addi %multiple_of3A, %multiple_of3A_33 : i32
      "tpu.region"() ({
        %run_scoped3A = tpu.sem_alloc : memref<!tpu.dma_semaphore, #tpu.memory_space<semaphore_mem>>
        %dma_start3A_43 = arith.constant 0 : i32
        %dma_start3A_44 = tpu.memref_slice %arg4[%add3A_42, %dma_start3A_43] : memref<46080x128xf32, #tpu.memory_space<hbm>> -> memref<128x128xf32, #tpu.memory_space<hbm>>
        %dma_start3A_45 = arith.constant 0 : i32
        %dma_start3A_46 = tpu.memref_slice %arg4[%add3A_42, %dma_start3A_45] : memref<46080x128xf32, #tpu.memory_space<hbm>> -> memref<128x128xf32, #tpu.memory_space<hbm>>
        tpu.enqueue_dma source(%arg7 : memref<128x128xf32, #tpu.memory_space<vmem>>) target(%dma_start3A_46 : memref<128x128xf32, #tpu.memory_space<hbm>>) target_semaphore(%run_scoped3A : memref<!tpu.dma_semaphore, #tpu.memory_space<semaphore_mem>>)
        %dma_wait3A_47 = arith.constant 0 : i32
        %dma_wait3A_48 = tpu.memref_slice %arg4[%add3A_42, %dma_wait3A_47] : memref<46080x128xf32, #tpu.memory_space<hbm>> -> memref<128x128xf32, #tpu.memory_space<hbm>>
        %dma_wait3A_49 = arith.constant 0 : i32
        %dma_wait3A_50 = tpu.memref_slice %arg4[%add3A_42, %dma_wait3A_49] : memref<46080x128xf32, #tpu.memory_space<hbm>> -> memref<128x128xf32, #tpu.memory_space<hbm>>
        tpu.wait_dma2 semaphore(%run_scoped3A : memref<!tpu.dma_semaphore, #tpu.memory_space<semaphore_mem>>) src(%arg7 : memref<128x128xf32, #tpu.memory_space<vmem>>) dst(%dma_wait3A_50 : memref<128x128xf32, #tpu.memory_space<hbm>>)
        tpu.yield
      }) : () -> ()
    }
    %scan3A_13 = arith.constant 11 : i32
    %dma_start3A = arith.constant 0 : i32
    %dma_start3A_14 = arith.constant 0 : i32
    %dma_start3A_15 = tpu.memref_slice %arg7[%dma_start3A, %dma_start3A_14] : memref<128x128xf32, #tpu.memory_space<vmem>> -> memref<32x128xf32, #tpu.memory_space<vmem>>
    %dma_start3A_16 = arith.constant 1408 : i32
    %dma_start3A_17 = tpu.memref_slice %arg5[%dma_start3A_16] : memref<1440xi32, #tpu.memory_space<vmem>> -> memref<32xi32, #tpu.memory_space<vmem>>
    %dma_start3A_18 = arith.constant 0 : i32
    %dma_start3A_19 = arith.constant 0 : i32
    %dma_start3A_20 = tpu.memref_slice %arg3[%dma_start3A_18, %dma_start3A_19] : memref<20000x128xf32, #tpu.memory_space<hbm>> -> memref<20000x128xf32, #tpu.memory_space<hbm>>
    tpu.enqueue_indirect_dma source(%dma_start3A_20 : memref<20000x128xf32, #tpu.memory_space<hbm>>) target(%dma_start3A_15 : memref<32x128xf32, #tpu.memory_space<vmem>>) offsets(%dma_start3A_17 : memref<32xi32, #tpu.memory_space<vmem>>) semaphore(%arg8 : memref<!tpu.dma_semaphore, #tpu.memory_space<semaphore_mem>>)
    %dma_wait3A = arith.constant 0 : i32
    %dma_wait3A_21 = arith.constant 0 : i32
    %dma_wait3A_22 = tpu.memref_slice %arg7[%dma_wait3A, %dma_wait3A_21] : memref<128x128xf32, #tpu.memory_space<vmem>> -> memref<32x128xf32, #tpu.memory_space<vmem>>
    %dma_wait3A_23 = arith.constant 1408 : i32
    %dma_wait3A_24 = tpu.memref_slice %arg5[%dma_wait3A_23] : memref<1440xi32, #tpu.memory_space<vmem>> -> memref<32xi32, #tpu.memory_space<vmem>>
    %dma_wait3A_25 = arith.constant 0 : i32
    %dma_wait3A_26 = arith.constant 0 : i32
    %dma_wait3A_27 = tpu.memref_slice %arg3[%dma_wait3A_25, %dma_wait3A_26] : memref<20000x128xf32, #tpu.memory_space<hbm>> -> memref<20000x128xf32, #tpu.memory_space<hbm>>
    tpu.wait_indirect_dma semaphore(%arg8 : memref<!tpu.dma_semaphore, #tpu.memory_space<semaphore_mem>>) src(%dma_wait3A_27 : memref<20000x128xf32, #tpu.memory_space<hbm>>) dst(%dma_wait3A_22 : memref<32x128xf32, #tpu.memory_space<vmem>>)
    %add3A_28 = arith.constant 1408 : i32
    %add3A_29 = arith.addi %multiple_of3A, %add3A_28 : i32
    "tpu.region"() ({
      %run_scoped3A = tpu.sem_alloc : memref<!tpu.dma_semaphore, #tpu.memory_space<semaphore_mem>>
      %dma_start3A_30 = arith.constant 0 : i32
      %dma_start3A_31 = arith.constant 0 : i32
      %dma_start3A_32 = tpu.memref_slice %arg7[%dma_start3A_30, %dma_start3A_31] : memref<128x128xf32, #tpu.memory_space<vmem>> -> memref<32x128xf32, #tpu.memory_space<vmem>>
      %dma_start3A_33 = arith.constant 0 : i32
      %dma_start3A_34 = tpu.memref_slice %arg4[%add3A_29, %dma_start3A_33] : memref<46080x128xf32, #tpu.memory_space<hbm>> -> memref<32x128xf32, #tpu.memory_space<hbm>>
      %dma_start3A_35 = arith.constant 0 : i32
      %dma_start3A_36 = tpu.memref_slice %arg4[%add3A_29, %dma_start3A_35] : memref<46080x128xf32, #tpu.memory_space<hbm>> -> memref<32x128xf32, #tpu.memory_space<hbm>>
      %dma_start3A_37 = arith.constant 0 : i32
      %dma_start3A_38 = arith.constant 0 : i32
      %dma_start3A_39 = tpu.memref_slice %arg7[%dma_start3A_37, %dma_start3A_38] : memref<128x128xf32, #tpu.memory_space<vmem>> -> memref<32x128xf32, #tpu.memory_space<vmem>>
      tpu.enqueue_dma source(%dma_start3A_39 : memref<32x128xf32, #tpu.memory_space<vmem>>) target(%dma_start3A_36 : memref<32x128xf32, #tpu.memory_space<hbm>>) target_semaphore(%run_scoped3A : memref<!tpu.dma_semaphore, #tpu.memory_space<semaphore_mem>>)
      %dma_wait3A_40 = arith.constant 0 : i32
      %dma_wait3A_41 = arith.constant 0 : i32
      %dma_wait3A_42 = tpu.memref_slice %arg7[%dma_wait3A_40, %dma_wait3A_41] : memref<128x128xf32, #tpu.memory_space<vmem>> -> memref<32x128xf32, #tpu.memory_space<vmem>>
      %dma_wait3A_43 = arith.constant 0 : i32
      %dma_wait3A_44 = tpu.memref_slice %arg4[%add3A_29, %dma_wait3A_43] : memref<46080x128xf32, #tpu.memory_space<hbm>> -> memref<32x128xf32, #tpu.memory_space<hbm>>
      %dma_wait3A_45 = arith.constant 0 : i32
      %dma_wait3A_46 = tpu.memref_slice %arg4[%add3A_29, %dma_wait3A_45] : memref<46080x128xf32, #tpu.memory_space<hbm>> -> memref<32x128xf32, #tpu.memory_space<hbm>>
      %dma_wait3A_47 = arith.constant 0 : i32
      %dma_wait3A_48 = arith.constant 0 : i32
      %dma_wait3A_49 = tpu.memref_slice %arg7[%dma_wait3A_47, %dma_wait3A_48] : memref<128x128xf32, #tpu.memory_space<vmem>> -> memref<32x128xf32, #tpu.memory_space<vmem>>
      tpu.wait_dma2 semaphore(%run_scoped3A : memref<!tpu.dma_semaphore, #tpu.memory_space<semaphore_mem>>) src(%dma_wait3A_49 : memref<32x128xf32, #tpu.memory_space<vmem>>) dst(%dma_wait3A_46 : memref<32x128xf32, #tpu.memory_space<hbm>>)
      tpu.yield
    }) : () -> ()
    return
  }
}

#map = affine_map<(d0, d1) -> (0)>
#map1 = affine_map<(d0, d1) -> (0, 0)>
module attributes {stable_mosaic.version = 14 : i64} {
  func.func @_combine_sc(%arg0: i32, %arg1: i32, %arg2: memref<20480xi32, #tpu.memory_space<hbm>>, %arg3: memref<20480xi32, #tpu.memory_space<hbm>>, %arg4: memref<46080x128xf32, #tpu.memory_space<hbm>>, %arg5: memref<20000x128xf32, #tpu.memory_space<hbm>>, %arg6: memref<128xi32, #tpu.memory_space<vmem>>, %arg7: memref<128xi32, #tpu.memory_space<vmem>>, %arg8: memref<128x128xf32, #tpu.memory_space<vmem>>, %arg9: memref<!tpu.dma_semaphore, #tpu.memory_space<semaphore_mem>>) attributes {dimension_semantics = [#tpu.dimension_semantics<core_parallel>, #tpu.dimension_semantics<subcore_parallel>], iteration_bounds = array<i64: 2, 16>, scalar_prefetch = 0 : i64, scratch_operands = 4 : i64, tpu.core_type = #tpu.core_type<sc_vector_subcore>, window_params = [{transform_indices = #map}, {transform_indices = #map}, {transform_indices = #map1}, {transform_indices = #map1}]} {
    %mul3A = arith.constant 2 : i32
    %mul3A_0 = arith.muli %arg1, %mul3A : i32
    %add3A = arith.addi %mul3A_0, %arg0 : i32
    %add3A_1 = arith.constant 0 : i32
    %add3A_2 = arith.addi %add3A_1, %add3A : i32
    %mul3A_3 = arith.constant 128 : i32
    %mul3A_4 = arith.muli %add3A_2, %mul3A_3 : i32
    %multiple_of3A = tpu.assume_multiple %mul3A_4, 8 : i32
    "tpu.region"() ({
      %run_scoped3A = tpu.sem_alloc : memref<!tpu.dma_semaphore, #tpu.memory_space<semaphore_mem>>
      %dma_start3A_86 = tpu.memref_slice %arg2[%multiple_of3A] : memref<20480xi32, #tpu.memory_space<hbm>> -> memref<128xi32, #tpu.memory_space<hbm>>
      %dma_start3A_87 = tpu.memref_slice %arg2[%multiple_of3A] : memref<20480xi32, #tpu.memory_space<hbm>> -> memref<128xi32, #tpu.memory_space<hbm>>
      tpu.enqueue_dma source(%dma_start3A_87 : memref<128xi32, #tpu.memory_space<hbm>>) target(%arg6 : memref<128xi32, #tpu.memory_space<vmem>>) target_semaphore(%run_scoped3A : memref<!tpu.dma_semaphore, #tpu.memory_space<semaphore_mem>>)
      %dma_wait3A_88 = tpu.memref_slice %arg2[%multiple_of3A] : memref<20480xi32, #tpu.memory_space<hbm>> -> memref<128xi32, #tpu.memory_space<hbm>>
      %dma_wait3A_89 = tpu.memref_slice %arg2[%multiple_of3A] : memref<20480xi32, #tpu.memory_space<hbm>> -> memref<128xi32, #tpu.memory_space<hbm>>
      tpu.wait_dma2 semaphore(%run_scoped3A : memref<!tpu.dma_semaphore, #tpu.memory_space<semaphore_mem>>) src(%dma_wait3A_89 : memref<128xi32, #tpu.memory_space<hbm>>) dst(%arg6 : memref<128xi32, #tpu.memory_space<vmem>>)
      tpu.yield
    }) : () -> ()
    "tpu.region"() ({
      %run_scoped3A = tpu.sem_alloc : memref<!tpu.dma_semaphore, #tpu.memory_space<semaphore_mem>>
      %dma_start3A_86 = tpu.memref_slice %arg3[%multiple_of3A] : memref<20480xi32, #tpu.memory_space<hbm>> -> memref<128xi32, #tpu.memory_space<hbm>>
      %dma_start3A_87 = tpu.memref_slice %arg3[%multiple_of3A] : memref<20480xi32, #tpu.memory_space<hbm>> -> memref<128xi32, #tpu.memory_space<hbm>>
      tpu.enqueue_dma source(%dma_start3A_87 : memref<128xi32, #tpu.memory_space<hbm>>) target(%arg7 : memref<128xi32, #tpu.memory_space<vmem>>) target_semaphore(%run_scoped3A : memref<!tpu.dma_semaphore, #tpu.memory_space<semaphore_mem>>)
      %dma_wait3A_88 = tpu.memref_slice %arg3[%multiple_of3A] : memref<20480xi32, #tpu.memory_space<hbm>> -> memref<128xi32, #tpu.memory_space<hbm>>
      %dma_wait3A_89 = tpu.memref_slice %arg3[%multiple_of3A] : memref<20480xi32, #tpu.memory_space<hbm>> -> memref<128xi32, #tpu.memory_space<hbm>>
      tpu.wait_dma2 semaphore(%run_scoped3A : memref<!tpu.dma_semaphore, #tpu.memory_space<semaphore_mem>>) src(%dma_wait3A_89 : memref<128xi32, #tpu.memory_space<hbm>>) dst(%arg7 : memref<128xi32, #tpu.memory_space<vmem>>)
      tpu.yield
    }) : () -> ()
    %dma_start3A = arith.constant 0 : i32
    %dma_start3A_5 = arith.constant 0 : i32
    %dma_start3A_6 = tpu.memref_slice %arg4[%dma_start3A, %dma_start3A_5] : memref<46080x128xf32, #tpu.memory_space<hbm>> -> memref<46080x128xf32, #tpu.memory_space<hbm>>
    tpu.enqueue_indirect_dma source(%dma_start3A_6 : memref<46080x128xf32, #tpu.memory_space<hbm>>) target(%arg8 : memref<128x128xf32, #tpu.memory_space<vmem>>) offsets(%arg6 : memref<128xi32, #tpu.memory_space<vmem>>) semaphore(%arg9 : memref<!tpu.dma_semaphore, #tpu.memory_space<semaphore_mem>>)
    %dma_wait3A = arith.constant 0 : i32
    %dma_wait3A_7 = arith.constant 0 : i32
    %dma_wait3A_8 = tpu.memref_slice %arg4[%dma_wait3A, %dma_wait3A_7] : memref<46080x128xf32, #tpu.memory_space<hbm>> -> memref<46080x128xf32, #tpu.memory_space<hbm>>
    tpu.wait_indirect_dma semaphore(%arg9 : memref<!tpu.dma_semaphore, #tpu.memory_space<semaphore_mem>>) src(%dma_wait3A_8 : memref<46080x128xf32, #tpu.memory_space<hbm>>) dst(%arg8 : memref<128x128xf32, #tpu.memory_space<vmem>>)
    %dma_start3A_9 = arith.constant 0 : i32
    %dma_start3A_10 = arith.constant 0 : i32
    %dma_start3A_11 = tpu.memref_slice %arg4[%dma_start3A_9, %dma_start3A_10] : memref<46080x128xf32, #tpu.memory_space<hbm>> -> memref<46080x128xf32, #tpu.memory_space<hbm>>
    tpu.enqueue_indirect_dma source(%dma_start3A_11 : memref<46080x128xf32, #tpu.memory_space<hbm>>) target(%arg8 : memref<128x128xf32, #tpu.memory_space<vmem>>) offsets(%arg7 : memref<128xi32, #tpu.memory_space<vmem>>) semaphore(%arg9 : memref<!tpu.dma_semaphore, #tpu.memory_space<semaphore_mem>>) {add = true}
    %dma_wait3A_12 = arith.constant 0 : i32
    %dma_wait3A_13 = arith.constant 0 : i32
    %dma_wait3A_14 = tpu.memref_slice %arg4[%dma_wait3A_12, %dma_wait3A_13] : memref<46080x128xf32, #tpu.memory_space<hbm>> -> memref<46080x128xf32, #tpu.memory_space<hbm>>
    tpu.wait_indirect_dma semaphore(%arg9 : memref<!tpu.dma_semaphore, #tpu.memory_space<semaphore_mem>>) src(%dma_wait3A_14 : memref<46080x128xf32, #tpu.memory_space<hbm>>) dst(%arg8 : memref<128x128xf32, #tpu.memory_space<vmem>>)
    %mul3A_15 = arith.constant 128 : i32
    %mul3A_16 = arith.muli %add3A_2, %mul3A_15 : i32
    %multiple_of3A_17 = tpu.assume_multiple %mul3A_16, 8 : i32
    "tpu.region"() ({
      %run_scoped3A = tpu.sem_alloc : memref<!tpu.dma_semaphore, #tpu.memory_space<semaphore_mem>>
      %dma_start3A_86 = arith.constant 0 : i32
      %dma_start3A_87 = arith.constant 0 : i32
      %dma_start3A_88 = tpu.memref_slice %arg8[%dma_start3A_86, %dma_start3A_87] : memref<128x128xf32, #tpu.memory_space<vmem>> -> memref<128x128xf32, #tpu.memory_space<vmem>>
      %dma_start3A_89 = arith.constant 0 : i32
      %dma_start3A_90 = tpu.memref_slice %arg5[%multiple_of3A_17, %dma_start3A_89] : memref<20000x128xf32, #tpu.memory_space<hbm>> -> memref<128x128xf32, #tpu.memory_space<hbm>>
      %dma_start3A_91 = arith.constant 0 : i32
      %dma_start3A_92 = tpu.memref_slice %arg5[%multiple_of3A_17, %dma_start3A_91] : memref<20000x128xf32, #tpu.memory_space<hbm>> -> memref<128x128xf32, #tpu.memory_space<hbm>>
      %dma_start3A_93 = arith.constant 0 : i32
      %dma_start3A_94 = arith.constant 0 : i32
      %dma_start3A_95 = tpu.memref_slice %arg8[%dma_start3A_93, %dma_start3A_94] : memref<128x128xf32, #tpu.memory_space<vmem>> -> memref<128x128xf32, #tpu.memory_space<vmem>>
      tpu.enqueue_dma source(%dma_start3A_95 : memref<128x128xf32, #tpu.memory_space<vmem>>) target(%dma_start3A_92 : memref<128x128xf32, #tpu.memory_space<hbm>>) target_semaphore(%run_scoped3A : memref<!tpu.dma_semaphore, #tpu.memory_space<semaphore_mem>>)
      %dma_wait3A_96 = arith.constant 0 : i32
      %dma_wait3A_97 = arith.constant 0 : i32
      %dma_wait3A_98 = tpu.memref_slice %arg8[%dma_wait3A_96, %dma_wait3A_97] : memref<128x128xf32, #tpu.memory_space<vmem>> -> memref<128x128xf32, #tpu.memory_space<vmem>>
      %dma_wait3A_99 = arith.constant 0 : i32
      %dma_wait3A_100 = tpu.memref_slice %arg5[%multiple_of3A_17, %dma_wait3A_99] : memref<20000x128xf32, #tpu.memory_space<hbm>> -> memref<128x128xf32, #tpu.memory_space<hbm>>
      %dma_wait3A_101 = arith.constant 0 : i32
      %dma_wait3A_102 = tpu.memref_slice %arg5[%multiple_of3A_17, %dma_wait3A_101] : memref<20000x128xf32, #tpu.memory_space<hbm>> -> memref<128x128xf32, #tpu.memory_space<hbm>>
      %dma_wait3A_103 = arith.constant 0 : i32
      %dma_wait3A_104 = arith.constant 0 : i32
      %dma_wait3A_105 = tpu.memref_slice %arg8[%dma_wait3A_103, %dma_wait3A_104] : memref<128x128xf32, #tpu.memory_space<vmem>> -> memref<128x128xf32, #tpu.memory_space<vmem>>
      tpu.wait_dma2 semaphore(%run_scoped3A : memref<!tpu.dma_semaphore, #tpu.memory_space<semaphore_mem>>) src(%dma_wait3A_105 : memref<128x128xf32, #tpu.memory_space<vmem>>) dst(%dma_wait3A_102 : memref<128x128xf32, #tpu.memory_space<hbm>>)
      tpu.yield
    }) : () -> ()
    %add3A_18 = arith.constant 32 : i32
    %add3A_19 = arith.addi %add3A_18, %add3A : i32
    %mul3A_20 = arith.constant 128 : i32
    %mul3A_21 = arith.muli %add3A_19, %mul3A_20 : i32
    %multiple_of3A_22 = tpu.assume_multiple %mul3A_21, 8 : i32
    "tpu.region"() ({
      %run_scoped3A = tpu.sem_alloc : memref<!tpu.dma_semaphore, #tpu.memory_space<semaphore_mem>>
      %dma_start3A_86 = tpu.memref_slice %arg2[%multiple_of3A_22] : memref<20480xi32, #tpu.memory_space<hbm>> -> memref<128xi32, #tpu.memory_space<hbm>>
      %dma_start3A_87 = tpu.memref_slice %arg2[%multiple_of3A_22] : memref<20480xi32, #tpu.memory_space<hbm>> -> memref<128xi32, #tpu.memory_space<hbm>>
      tpu.enqueue_dma source(%dma_start3A_87 : memref<128xi32, #tpu.memory_space<hbm>>) target(%arg6 : memref<128xi32, #tpu.memory_space<vmem>>) target_semaphore(%run_scoped3A : memref<!tpu.dma_semaphore, #tpu.memory_space<semaphore_mem>>)
      %dma_wait3A_88 = tpu.memref_slice %arg2[%multiple_of3A_22] : memref<20480xi32, #tpu.memory_space<hbm>> -> memref<128xi32, #tpu.memory_space<hbm>>
      %dma_wait3A_89 = tpu.memref_slice %arg2[%multiple_of3A_22] : memref<20480xi32, #tpu.memory_space<hbm>> -> memref<128xi32, #tpu.memory_space<hbm>>
      tpu.wait_dma2 semaphore(%run_scoped3A : memref<!tpu.dma_semaphore, #tpu.memory_space<semaphore_mem>>) src(%dma_wait3A_89 : memref<128xi32, #tpu.memory_space<hbm>>) dst(%arg6 : memref<128xi32, #tpu.memory_space<vmem>>)
      tpu.yield
    }) : () -> ()
    "tpu.region"() ({
      %run_scoped3A = tpu.sem_alloc : memref<!tpu.dma_semaphore, #tpu.memory_space<semaphore_mem>>
      %dma_start3A_86 = tpu.memref_slice %arg3[%multiple_of3A_22] : memref<20480xi32, #tpu.memory_space<hbm>> -> memref<128xi32, #tpu.memory_space<hbm>>
      %dma_start3A_87 = tpu.memref_slice %arg3[%multiple_of3A_22] : memref<20480xi32, #tpu.memory_space<hbm>> -> memref<128xi32, #tpu.memory_space<hbm>>
      tpu.enqueue_dma source(%dma_start3A_87 : memref<128xi32, #tpu.memory_space<hbm>>) target(%arg7 : memref<128xi32, #tpu.memory_space<vmem>>) target_semaphore(%run_scoped3A : memref<!tpu.dma_semaphore, #tpu.memory_space<semaphore_mem>>)
      %dma_wait3A_88 = tpu.memref_slice %arg3[%multiple_of3A_22] : memref<20480xi32, #tpu.memory_space<hbm>> -> memref<128xi32, #tpu.memory_space<hbm>>
      %dma_wait3A_89 = tpu.memref_slice %arg3[%multiple_of3A_22] : memref<20480xi32, #tpu.memory_space<hbm>> -> memref<128xi32, #tpu.memory_space<hbm>>
      tpu.wait_dma2 semaphore(%run_scoped3A : memref<!tpu.dma_semaphore, #tpu.memory_space<semaphore_mem>>) src(%dma_wait3A_89 : memref<128xi32, #tpu.memory_space<hbm>>) dst(%arg7 : memref<128xi32, #tpu.memory_space<vmem>>)
      tpu.yield
    }) : () -> ()
    %dma_start3A_23 = arith.constant 0 : i32
    %dma_start3A_24 = arith.constant 0 : i32
    %dma_start3A_25 = tpu.memref_slice %arg4[%dma_start3A_23, %dma_start3A_24] : memref<46080x128xf32, #tpu.memory_space<hbm>> -> memref<46080x128xf32, #tpu.memory_space<hbm>>
    tpu.enqueue_indirect_dma source(%dma_start3A_25 : memref<46080x128xf32, #tpu.memory_space<hbm>>) target(%arg8 : memref<128x128xf32, #tpu.memory_space<vmem>>) offsets(%arg6 : memref<128xi32, #tpu.memory_space<vmem>>) semaphore(%arg9 : memref<!tpu.dma_semaphore, #tpu.memory_space<semaphore_mem>>)
    %dma_wait3A_26 = arith.constant 0 : i32
    %dma_wait3A_27 = arith.constant 0 : i32
    %dma_wait3A_28 = tpu.memref_slice %arg4[%dma_wait3A_26, %dma_wait3A_27] : memref<46080x128xf32, #tpu.memory_space<hbm>> -> memref<46080x128xf32, #tpu.memory_space<hbm>>
    tpu.wait_indirect_dma semaphore(%arg9 : memref<!tpu.dma_semaphore, #tpu.memory_space<semaphore_mem>>) src(%dma_wait3A_28 : memref<46080x128xf32, #tpu.memory_space<hbm>>) dst(%arg8 : memref<128x128xf32, #tpu.memory_space<vmem>>)
    %dma_start3A_29 = arith.constant 0 : i32
    %dma_start3A_30 = arith.constant 0 : i32
    %dma_start3A_31 = tpu.memref_slice %arg4[%dma_start3A_29, %dma_start3A_30] : memref<46080x128xf32, #tpu.memory_space<hbm>> -> memref<46080x128xf32, #tpu.memory_space<hbm>>
    tpu.enqueue_indirect_dma source(%dma_start3A_31 : memref<46080x128xf32, #tpu.memory_space<hbm>>) target(%arg8 : memref<128x128xf32, #tpu.memory_space<vmem>>) offsets(%arg7 : memref<128xi32, #tpu.memory_space<vmem>>) semaphore(%arg9 : memref<!tpu.dma_semaphore, #tpu.memory_space<semaphore_mem>>) {add = true}
    %dma_wait3A_32 = arith.constant 0 : i32
    %dma_wait3A_33 = arith.constant 0 : i32
    %dma_wait3A_34 = tpu.memref_slice %arg4[%dma_wait3A_32, %dma_wait3A_33] : memref<46080x128xf32, #tpu.memory_space<hbm>> -> memref<46080x128xf32, #tpu.memory_space<hbm>>
    tpu.wait_indirect_dma semaphore(%arg9 : memref<!tpu.dma_semaphore, #tpu.memory_space<semaphore_mem>>) src(%dma_wait3A_34 : memref<46080x128xf32, #tpu.memory_space<hbm>>) dst(%arg8 : memref<128x128xf32, #tpu.memory_space<vmem>>)
    %mul3A_35 = arith.constant 128 : i32
    %mul3A_36 = arith.muli %add3A_19, %mul3A_35 : i32
    %multiple_of3A_37 = tpu.assume_multiple %mul3A_36, 8 : i32
    "tpu.region"() ({
      %run_scoped3A = tpu.sem_alloc : memref<!tpu.dma_semaphore, #tpu.memory_space<semaphore_mem>>
      %dma_start3A_86 = arith.constant 0 : i32
      %dma_start3A_87 = arith.constant 0 : i32
      %dma_start3A_88 = tpu.memref_slice %arg8[%dma_start3A_86, %dma_start3A_87] : memref<128x128xf32, #tpu.memory_space<vmem>> -> memref<128x128xf32, #tpu.memory_space<vmem>>
      %dma_start3A_89 = arith.constant 0 : i32
      %dma_start3A_90 = tpu.memref_slice %arg5[%multiple_of3A_37, %dma_start3A_89] : memref<20000x128xf32, #tpu.memory_space<hbm>> -> memref<128x128xf32, #tpu.memory_space<hbm>>
      %dma_start3A_91 = arith.constant 0 : i32
      %dma_start3A_92 = tpu.memref_slice %arg5[%multiple_of3A_37, %dma_start3A_91] : memref<20000x128xf32, #tpu.memory_space<hbm>> -> memref<128x128xf32, #tpu.memory_space<hbm>>
      %dma_start3A_93 = arith.constant 0 : i32
      %dma_start3A_94 = arith.constant 0 : i32
      %dma_start3A_95 = tpu.memref_slice %arg8[%dma_start3A_93, %dma_start3A_94] : memref<128x128xf32, #tpu.memory_space<vmem>> -> memref<128x128xf32, #tpu.memory_space<vmem>>
      tpu.enqueue_dma source(%dma_start3A_95 : memref<128x128xf32, #tpu.memory_space<vmem>>) target(%dma_start3A_92 : memref<128x128xf32, #tpu.memory_space<hbm>>) target_semaphore(%run_scoped3A : memref<!tpu.dma_semaphore, #tpu.memory_space<semaphore_mem>>)
      %dma_wait3A_96 = arith.constant 0 : i32
      %dma_wait3A_97 = arith.constant 0 : i32
      %dma_wait3A_98 = tpu.memref_slice %arg8[%dma_wait3A_96, %dma_wait3A_97] : memref<128x128xf32, #tpu.memory_space<vmem>> -> memref<128x128xf32, #tpu.memory_space<vmem>>
      %dma_wait3A_99 = arith.constant 0 : i32
      %dma_wait3A_100 = tpu.memref_slice %arg5[%multiple_of3A_37, %dma_wait3A_99] : memref<20000x128xf32, #tpu.memory_space<hbm>> -> memref<128x128xf32, #tpu.memory_space<hbm>>
      %dma_wait3A_101 = arith.constant 0 : i32
      %dma_wait3A_102 = tpu.memref_slice %arg5[%multiple_of3A_37, %dma_wait3A_101] : memref<20000x128xf32, #tpu.memory_space<hbm>> -> memref<128x128xf32, #tpu.memory_space<hbm>>
      %dma_wait3A_103 = arith.constant 0 : i32
      %dma_wait3A_104 = arith.constant 0 : i32
      %dma_wait3A_105 = tpu.memref_slice %arg8[%dma_wait3A_103, %dma_wait3A_104] : memref<128x128xf32, #tpu.memory_space<vmem>> -> memref<128x128xf32, #tpu.memory_space<vmem>>
      tpu.wait_dma2 semaphore(%run_scoped3A : memref<!tpu.dma_semaphore, #tpu.memory_space<semaphore_mem>>) src(%dma_wait3A_105 : memref<128x128xf32, #tpu.memory_space<vmem>>) dst(%dma_wait3A_102 : memref<128x128xf32, #tpu.memory_space<hbm>>)
      tpu.yield
    }) : () -> ()
    %add3A_38 = arith.constant 64 : i32
    %add3A_39 = arith.addi %add3A_38, %add3A : i32
    %mul3A_40 = arith.constant 128 : i32
    %mul3A_41 = arith.muli %add3A_39, %mul3A_40 : i32
    %multiple_of3A_42 = tpu.assume_multiple %mul3A_41, 8 : i32
    "tpu.region"() ({
      %run_scoped3A = tpu.sem_alloc : memref<!tpu.dma_semaphore, #tpu.memory_space<semaphore_mem>>
      %dma_start3A_86 = tpu.memref_slice %arg2[%multiple_of3A_42] : memref<20480xi32, #tpu.memory_space<hbm>> -> memref<128xi32, #tpu.memory_space<hbm>>
      %dma_start3A_87 = tpu.memref_slice %arg2[%multiple_of3A_42] : memref<20480xi32, #tpu.memory_space<hbm>> -> memref<128xi32, #tpu.memory_space<hbm>>
      tpu.enqueue_dma source(%dma_start3A_87 : memref<128xi32, #tpu.memory_space<hbm>>) target(%arg6 : memref<128xi32, #tpu.memory_space<vmem>>) target_semaphore(%run_scoped3A : memref<!tpu.dma_semaphore, #tpu.memory_space<semaphore_mem>>)
      %dma_wait3A_88 = tpu.memref_slice %arg2[%multiple_of3A_42] : memref<20480xi32, #tpu.memory_space<hbm>> -> memref<128xi32, #tpu.memory_space<hbm>>
      %dma_wait3A_89 = tpu.memref_slice %arg2[%multiple_of3A_42] : memref<20480xi32, #tpu.memory_space<hbm>> -> memref<128xi32, #tpu.memory_space<hbm>>
      tpu.wait_dma2 semaphore(%run_scoped3A : memref<!tpu.dma_semaphore, #tpu.memory_space<semaphore_mem>>) src(%dma_wait3A_89 : memref<128xi32, #tpu.memory_space<hbm>>) dst(%arg6 : memref<128xi32, #tpu.memory_space<vmem>>)
      tpu.yield
    }) : () -> ()
    "tpu.region"() ({
      %run_scoped3A = tpu.sem_alloc : memref<!tpu.dma_semaphore, #tpu.memory_space<semaphore_mem>>
      %dma_start3A_86 = tpu.memref_slice %arg3[%multiple_of3A_42] : memref<20480xi32, #tpu.memory_space<hbm>> -> memref<128xi32, #tpu.memory_space<hbm>>
      %dma_start3A_87 = tpu.memref_slice %arg3[%multiple_of3A_42] : memref<20480xi32, #tpu.memory_space<hbm>> -> memref<128xi32, #tpu.memory_space<hbm>>
      tpu.enqueue_dma source(%dma_start3A_87 : memref<128xi32, #tpu.memory_space<hbm>>) target(%arg7 : memref<128xi32, #tpu.memory_space<vmem>>) target_semaphore(%run_scoped3A : memref<!tpu.dma_semaphore, #tpu.memory_space<semaphore_mem>>)
      %dma_wait3A_88 = tpu.memref_slice %arg3[%multiple_of3A_42] : memref<20480xi32, #tpu.memory_space<hbm>> -> memref<128xi32, #tpu.memory_space<hbm>>
      %dma_wait3A_89 = tpu.memref_slice %arg3[%multiple_of3A_42] : memref<20480xi32, #tpu.memory_space<hbm>> -> memref<128xi32, #tpu.memory_space<hbm>>
      tpu.wait_dma2 semaphore(%run_scoped3A : memref<!tpu.dma_semaphore, #tpu.memory_space<semaphore_mem>>) src(%dma_wait3A_89 : memref<128xi32, #tpu.memory_space<hbm>>) dst(%arg7 : memref<128xi32, #tpu.memory_space<vmem>>)
      tpu.yield
    }) : () -> ()
    %dma_start3A_43 = arith.constant 0 : i32
    %dma_start3A_44 = arith.constant 0 : i32
    %dma_start3A_45 = tpu.memref_slice %arg4[%dma_start3A_43, %dma_start3A_44] : memref<46080x128xf32, #tpu.memory_space<hbm>> -> memref<46080x128xf32, #tpu.memory_space<hbm>>
    tpu.enqueue_indirect_dma source(%dma_start3A_45 : memref<46080x128xf32, #tpu.memory_space<hbm>>) target(%arg8 : memref<128x128xf32, #tpu.memory_space<vmem>>) offsets(%arg6 : memref<128xi32, #tpu.memory_space<vmem>>) semaphore(%arg9 : memref<!tpu.dma_semaphore, #tpu.memory_space<semaphore_mem>>)
    %dma_wait3A_46 = arith.constant 0 : i32
    %dma_wait3A_47 = arith.constant 0 : i32
    %dma_wait3A_48 = tpu.memref_slice %arg4[%dma_wait3A_46, %dma_wait3A_47] : memref<46080x128xf32, #tpu.memory_space<hbm>> -> memref<46080x128xf32, #tpu.memory_space<hbm>>
    tpu.wait_indirect_dma semaphore(%arg9 : memref<!tpu.dma_semaphore, #tpu.memory_space<semaphore_mem>>) src(%dma_wait3A_48 : memref<46080x128xf32, #tpu.memory_space<hbm>>) dst(%arg8 : memref<128x128xf32, #tpu.memory_space<vmem>>)
    %dma_start3A_49 = arith.constant 0 : i32
    %dma_start3A_50 = arith.constant 0 : i32
    %dma_start3A_51 = tpu.memref_slice %arg4[%dma_start3A_49, %dma_start3A_50] : memref<46080x128xf32, #tpu.memory_space<hbm>> -> memref<46080x128xf32, #tpu.memory_space<hbm>>
    tpu.enqueue_indirect_dma source(%dma_start3A_51 : memref<46080x128xf32, #tpu.memory_space<hbm>>) target(%arg8 : memref<128x128xf32, #tpu.memory_space<vmem>>) offsets(%arg7 : memref<128xi32, #tpu.memory_space<vmem>>) semaphore(%arg9 : memref<!tpu.dma_semaphore, #tpu.memory_space<semaphore_mem>>) {add = true}
    %dma_wait3A_52 = arith.constant 0 : i32
    %dma_wait3A_53 = arith.constant 0 : i32
    %dma_wait3A_54 = tpu.memref_slice %arg4[%dma_wait3A_52, %dma_wait3A_53] : memref<46080x128xf32, #tpu.memory_space<hbm>> -> memref<46080x128xf32, #tpu.memory_space<hbm>>
    tpu.wait_indirect_dma semaphore(%arg9 : memref<!tpu.dma_semaphore, #tpu.memory_space<semaphore_mem>>) src(%dma_wait3A_54 : memref<46080x128xf32, #tpu.memory_space<hbm>>) dst(%arg8 : memref<128x128xf32, #tpu.memory_space<vmem>>)
    %mul3A_55 = arith.constant 128 : i32
    %mul3A_56 = arith.muli %add3A_39, %mul3A_55 : i32
    %multiple_of3A_57 = tpu.assume_multiple %mul3A_56, 8 : i32
    "tpu.region"() ({
      %run_scoped3A = tpu.sem_alloc : memref<!tpu.dma_semaphore, #tpu.memory_space<semaphore_mem>>
      %dma_start3A_86 = arith.constant 0 : i32
      %dma_start3A_87 = arith.constant 0 : i32
      %dma_start3A_88 = tpu.memref_slice %arg8[%dma_start3A_86, %dma_start3A_87] : memref<128x128xf32, #tpu.memory_space<vmem>> -> memref<128x128xf32, #tpu.memory_space<vmem>>
      %dma_start3A_89 = arith.constant 0 : i32
      %dma_start3A_90 = tpu.memref_slice %arg5[%multiple_of3A_57, %dma_start3A_89] : memref<20000x128xf32, #tpu.memory_space<hbm>> -> memref<128x128xf32, #tpu.memory_space<hbm>>
      %dma_start3A_91 = arith.constant 0 : i32
      %dma_start3A_92 = tpu.memref_slice %arg5[%multiple_of3A_57, %dma_start3A_91] : memref<20000x128xf32, #tpu.memory_space<hbm>> -> memref<128x128xf32, #tpu.memory_space<hbm>>
      %dma_start3A_93 = arith.constant 0 : i32
      %dma_start3A_94 = arith.constant 0 : i32
      %dma_start3A_95 = tpu.memref_slice %arg8[%dma_start3A_93, %dma_start3A_94] : memref<128x128xf32, #tpu.memory_space<vmem>> -> memref<128x128xf32, #tpu.memory_space<vmem>>
      tpu.enqueue_dma source(%dma_start3A_95 : memref<128x128xf32, #tpu.memory_space<vmem>>) target(%dma_start3A_92 : memref<128x128xf32, #tpu.memory_space<hbm>>) target_semaphore(%run_scoped3A : memref<!tpu.dma_semaphore, #tpu.memory_space<semaphore_mem>>)
      %dma_wait3A_96 = arith.constant 0 : i32
      %dma_wait3A_97 = arith.constant 0 : i32
      %dma_wait3A_98 = tpu.memref_slice %arg8[%dma_wait3A_96, %dma_wait3A_97] : memref<128x128xf32, #tpu.memory_space<vmem>> -> memref<128x128xf32, #tpu.memory_space<vmem>>
      %dma_wait3A_99 = arith.constant 0 : i32
      %dma_wait3A_100 = tpu.memref_slice %arg5[%multiple_of3A_57, %dma_wait3A_99] : memref<20000x128xf32, #tpu.memory_space<hbm>> -> memref<128x128xf32, #tpu.memory_space<hbm>>
      %dma_wait3A_101 = arith.constant 0 : i32
      %dma_wait3A_102 = tpu.memref_slice %arg5[%multiple_of3A_57, %dma_wait3A_101] : memref<20000x128xf32, #tpu.memory_space<hbm>> -> memref<128x128xf32, #tpu.memory_space<hbm>>
      %dma_wait3A_103 = arith.constant 0 : i32
      %dma_wait3A_104 = arith.constant 0 : i32
      %dma_wait3A_105 = tpu.memref_slice %arg8[%dma_wait3A_103, %dma_wait3A_104] : memref<128x128xf32, #tpu.memory_space<vmem>> -> memref<128x128xf32, #tpu.memory_space<vmem>>
      tpu.wait_dma2 semaphore(%run_scoped3A : memref<!tpu.dma_semaphore, #tpu.memory_space<semaphore_mem>>) src(%dma_wait3A_105 : memref<128x128xf32, #tpu.memory_space<vmem>>) dst(%dma_wait3A_102 : memref<128x128xf32, #tpu.memory_space<hbm>>)
      tpu.yield
    }) : () -> ()
    %add3A_58 = arith.constant 96 : i32
    %add3A_59 = arith.addi %add3A_58, %add3A : i32
    %mul3A_60 = arith.constant 128 : i32
    %mul3A_61 = arith.muli %add3A_59, %mul3A_60 : i32
    %multiple_of3A_62 = tpu.assume_multiple %mul3A_61, 8 : i32
    "tpu.region"() ({
      %run_scoped3A = tpu.sem_alloc : memref<!tpu.dma_semaphore, #tpu.memory_space<semaphore_mem>>
      %dma_start3A_86 = tpu.memref_slice %arg2[%multiple_of3A_62] : memref<20480xi32, #tpu.memory_space<hbm>> -> memref<128xi32, #tpu.memory_space<hbm>>
      %dma_start3A_87 = tpu.memref_slice %arg2[%multiple_of3A_62] : memref<20480xi32, #tpu.memory_space<hbm>> -> memref<128xi32, #tpu.memory_space<hbm>>
      tpu.enqueue_dma source(%dma_start3A_87 : memref<128xi32, #tpu.memory_space<hbm>>) target(%arg6 : memref<128xi32, #tpu.memory_space<vmem>>) target_semaphore(%run_scoped3A : memref<!tpu.dma_semaphore, #tpu.memory_space<semaphore_mem>>)
      %dma_wait3A_88 = tpu.memref_slice %arg2[%multiple_of3A_62] : memref<20480xi32, #tpu.memory_space<hbm>> -> memref<128xi32, #tpu.memory_space<hbm>>
      %dma_wait3A_89 = tpu.memref_slice %arg2[%multiple_of3A_62] : memref<20480xi32, #tpu.memory_space<hbm>> -> memref<128xi32, #tpu.memory_space<hbm>>
      tpu.wait_dma2 semaphore(%run_scoped3A : memref<!tpu.dma_semaphore, #tpu.memory_space<semaphore_mem>>) src(%dma_wait3A_89 : memref<128xi32, #tpu.memory_space<hbm>>) dst(%arg6 : memref<128xi32, #tpu.memory_space<vmem>>)
      tpu.yield
    }) : () -> ()
    "tpu.region"() ({
      %run_scoped3A = tpu.sem_alloc : memref<!tpu.dma_semaphore, #tpu.memory_space<semaphore_mem>>
      %dma_start3A_86 = tpu.memref_slice %arg3[%multiple_of3A_62] : memref<20480xi32, #tpu.memory_space<hbm>> -> memref<128xi32, #tpu.memory_space<hbm>>
      %dma_start3A_87 = tpu.memref_slice %arg3[%multiple_of3A_62] : memref<20480xi32, #tpu.memory_space<hbm>> -> memref<128xi32, #tpu.memory_space<hbm>>
      tpu.enqueue_dma source(%dma_start3A_87 : memref<128xi32, #tpu.memory_space<hbm>>) target(%arg7 : memref<128xi32, #tpu.memory_space<vmem>>) target_semaphore(%run_scoped3A : memref<!tpu.dma_semaphore, #tpu.memory_space<semaphore_mem>>)
      %dma_wait3A_88 = tpu.memref_slice %arg3[%multiple_of3A_62] : memref<20480xi32, #tpu.memory_space<hbm>> -> memref<128xi32, #tpu.memory_space<hbm>>
      %dma_wait3A_89 = tpu.memref_slice %arg3[%multiple_of3A_62] : memref<20480xi32, #tpu.memory_space<hbm>> -> memref<128xi32, #tpu.memory_space<hbm>>
      tpu.wait_dma2 semaphore(%run_scoped3A : memref<!tpu.dma_semaphore, #tpu.memory_space<semaphore_mem>>) src(%dma_wait3A_89 : memref<128xi32, #tpu.memory_space<hbm>>) dst(%arg7 : memref<128xi32, #tpu.memory_space<vmem>>)
      tpu.yield
    }) : () -> ()
    %dma_start3A_63 = arith.constant 0 : i32
    %dma_start3A_64 = arith.constant 0 : i32
    %dma_start3A_65 = tpu.memref_slice %arg4[%dma_start3A_63, %dma_start3A_64] : memref<46080x128xf32, #tpu.memory_space<hbm>> -> memref<46080x128xf32, #tpu.memory_space<hbm>>
    tpu.enqueue_indirect_dma source(%dma_start3A_65 : memref<46080x128xf32, #tpu.memory_space<hbm>>) target(%arg8 : memref<128x128xf32, #tpu.memory_space<vmem>>) offsets(%arg6 : memref<128xi32, #tpu.memory_space<vmem>>) semaphore(%arg9 : memref<!tpu.dma_semaphore, #tpu.memory_space<semaphore_mem>>)
    %dma_wait3A_66 = arith.constant 0 : i32
    %dma_wait3A_67 = arith.constant 0 : i32
    %dma_wait3A_68 = tpu.memref_slice %arg4[%dma_wait3A_66, %dma_wait3A_67] : memref<46080x128xf32, #tpu.memory_space<hbm>> -> memref<46080x128xf32, #tpu.memory_space<hbm>>
    tpu.wait_indirect_dma semaphore(%arg9 : memref<!tpu.dma_semaphore, #tpu.memory_space<semaphore_mem>>) src(%dma_wait3A_68 : memref<46080x128xf32, #tpu.memory_space<hbm>>) dst(%arg8 : memref<128x128xf32, #tpu.memory_space<vmem>>)
    %dma_start3A_69 = arith.constant 0 : i32
    %dma_start3A_70 = arith.constant 0 : i32
    %dma_start3A_71 = tpu.memref_slice %arg4[%dma_start3A_69, %dma_start3A_70] : memref<46080x128xf32, #tpu.memory_space<hbm>> -> memref<46080x128xf32, #tpu.memory_space<hbm>>
    tpu.enqueue_indirect_dma source(%dma_start3A_71 : memref<46080x128xf32, #tpu.memory_space<hbm>>) target(%arg8 : memref<128x128xf32, #tpu.memory_space<vmem>>) offsets(%arg7 : memref<128xi32, #tpu.memory_space<vmem>>) semaphore(%arg9 : memref<!tpu.dma_semaphore, #tpu.memory_space<semaphore_mem>>) {add = true}
    %dma_wait3A_72 = arith.constant 0 : i32
    %dma_wait3A_73 = arith.constant 0 : i32
    %dma_wait3A_74 = tpu.memref_slice %arg4[%dma_wait3A_72, %dma_wait3A_73] : memref<46080x128xf32, #tpu.memory_space<hbm>> -> memref<46080x128xf32, #tpu.memory_space<hbm>>
    tpu.wait_indirect_dma semaphore(%arg9 : memref<!tpu.dma_semaphore, #tpu.memory_space<semaphore_mem>>) src(%dma_wait3A_74 : memref<46080x128xf32, #tpu.memory_space<hbm>>) dst(%arg8 : memref<128x128xf32, #tpu.memory_space<vmem>>)
    %mul3A_75 = arith.constant 128 : i32
    %mul3A_76 = arith.muli %add3A_59, %mul3A_75 : i32
    %multiple_of3A_77 = tpu.assume_multiple %mul3A_76, 8 : i32
    "tpu.region"() ({
      %run_scoped3A = tpu.sem_alloc : memref<!tpu.dma_semaphore, #tpu.memory_space<semaphore_mem>>
      %dma_start3A_86 = arith.constant 0 : i32
      %dma_start3A_87 = arith.constant 0 : i32
      %dma_start3A_88 = tpu.memref_slice %arg8[%dma_start3A_86, %dma_start3A_87] : memref<128x128xf32, #tpu.memory_space<vmem>> -> memref<128x128xf32, #tpu.memory_space<vmem>>
      %dma_start3A_89 = arith.constant 0 : i32
      %dma_start3A_90 = tpu.memref_slice %arg5[%multiple_of3A_77, %dma_start3A_89] : memref<20000x128xf32, #tpu.memory_space<hbm>> -> memref<128x128xf32, #tpu.memory_space<hbm>>
      %dma_start3A_91 = arith.constant 0 : i32
      %dma_start3A_92 = tpu.memref_slice %arg5[%multiple_of3A_77, %dma_start3A_91] : memref<20000x128xf32, #tpu.memory_space<hbm>> -> memref<128x128xf32, #tpu.memory_space<hbm>>
      %dma_start3A_93 = arith.constant 0 : i32
      %dma_start3A_94 = arith.constant 0 : i32
      %dma_start3A_95 = tpu.memref_slice %arg8[%dma_start3A_93, %dma_start3A_94] : memref<128x128xf32, #tpu.memory_space<vmem>> -> memref<128x128xf32, #tpu.memory_space<vmem>>
      tpu.enqueue_dma source(%dma_start3A_95 : memref<128x128xf32, #tpu.memory_space<vmem>>) target(%dma_start3A_92 : memref<128x128xf32, #tpu.memory_space<hbm>>) target_semaphore(%run_scoped3A : memref<!tpu.dma_semaphore, #tpu.memory_space<semaphore_mem>>)
      %dma_wait3A_96 = arith.constant 0 : i32
      %dma_wait3A_97 = arith.constant 0 : i32
      %dma_wait3A_98 = tpu.memref_slice %arg8[%dma_wait3A_96, %dma_wait3A_97] : memref<128x128xf32, #tpu.memory_space<vmem>> -> memref<128x128xf32, #tpu.memory_space<vmem>>
      %dma_wait3A_99 = arith.constant 0 : i32
      %dma_wait3A_100 = tpu.memref_slice %arg5[%multiple_of3A_77, %dma_wait3A_99] : memref<20000x128xf32, #tpu.memory_space<hbm>> -> memref<128x128xf32, #tpu.memory_space<hbm>>
      %dma_wait3A_101 = arith.constant 0 : i32
      %dma_wait3A_102 = tpu.memref_slice %arg5[%multiple_of3A_77, %dma_wait3A_101] : memref<20000x128xf32, #tpu.memory_space<hbm>> -> memref<128x128xf32, #tpu.memory_space<hbm>>
      %dma_wait3A_103 = arith.constant 0 : i32
      %dma_wait3A_104 = arith.constant 0 : i32
      %dma_wait3A_105 = tpu.memref_slice %arg8[%dma_wait3A_103, %dma_wait3A_104] : memref<128x128xf32, #tpu.memory_space<vmem>> -> memref<128x128xf32, #tpu.memory_space<vmem>>
      tpu.wait_dma2 semaphore(%run_scoped3A : memref<!tpu.dma_semaphore, #tpu.memory_space<semaphore_mem>>) src(%dma_wait3A_105 : memref<128x128xf32, #tpu.memory_space<vmem>>) dst(%dma_wait3A_102 : memref<128x128xf32, #tpu.memory_space<hbm>>)
      tpu.yield
    }) : () -> ()
    %add3A_78 = arith.constant 128 : i32
    %add3A_79 = arith.addi %add3A_78, %add3A : i32
    %lt3A = arith.constant 156 : i32
    %lt3A_80 = arith.cmpi slt, %add3A_79, %lt3A : i32
    %convert_element_type3A = arith.extui %lt3A_80 : i1 to i32
    %cond3A = arith.constant 0 : i32
    %cond3A_81 = arith.cmpi ne, %convert_element_type3A, %cond3A : i32
    scf.if %cond3A_81 {
      %mul3A_86 = arith.constant 128 : i32
      %mul3A_87 = arith.muli %add3A_79, %mul3A_86 : i32
      %multiple_of3A_88 = tpu.assume_multiple %mul3A_87, 8 : i32
      "tpu.region"() ({
        %run_scoped3A = tpu.sem_alloc : memref<!tpu.dma_semaphore, #tpu.memory_space<semaphore_mem>>
        %dma_start3A_104 = tpu.memref_slice %arg2[%multiple_of3A_88] : memref<20480xi32, #tpu.memory_space<hbm>> -> memref<128xi32, #tpu.memory_space<hbm>>
        %dma_start3A_105 = tpu.memref_slice %arg2[%multiple_of3A_88] : memref<20480xi32, #tpu.memory_space<hbm>> -> memref<128xi32, #tpu.memory_space<hbm>>
        tpu.enqueue_dma source(%dma_start3A_105 : memref<128xi32, #tpu.memory_space<hbm>>) target(%arg6 : memref<128xi32, #tpu.memory_space<vmem>>) target_semaphore(%run_scoped3A : memref<!tpu.dma_semaphore, #tpu.memory_space<semaphore_mem>>)
        %dma_wait3A_106 = tpu.memref_slice %arg2[%multiple_of3A_88] : memref<20480xi32, #tpu.memory_space<hbm>> -> memref<128xi32, #tpu.memory_space<hbm>>
        %dma_wait3A_107 = tpu.memref_slice %arg2[%multiple_of3A_88] : memref<20480xi32, #tpu.memory_space<hbm>> -> memref<128xi32, #tpu.memory_space<hbm>>
        tpu.wait_dma2 semaphore(%run_scoped3A : memref<!tpu.dma_semaphore, #tpu.memory_space<semaphore_mem>>) src(%dma_wait3A_107 : memref<128xi32, #tpu.memory_space<hbm>>) dst(%arg6 : memref<128xi32, #tpu.memory_space<vmem>>)
        tpu.yield
      }) : () -> ()
      "tpu.region"() ({
        %run_scoped3A = tpu.sem_alloc : memref<!tpu.dma_semaphore, #tpu.memory_space<semaphore_mem>>
        %dma_start3A_104 = tpu.memref_slice %arg3[%multiple_of3A_88] : memref<20480xi32, #tpu.memory_space<hbm>> -> memref<128xi32, #tpu.memory_space<hbm>>
        %dma_start3A_105 = tpu.memref_slice %arg3[%multiple_of3A_88] : memref<20480xi32, #tpu.memory_space<hbm>> -> memref<128xi32, #tpu.memory_space<hbm>>
        tpu.enqueue_dma source(%dma_start3A_105 : memref<128xi32, #tpu.memory_space<hbm>>) target(%arg7 : memref<128xi32, #tpu.memory_space<vmem>>) target_semaphore(%run_scoped3A : memref<!tpu.dma_semaphore, #tpu.memory_space<semaphore_mem>>)
        %dma_wait3A_106 = tpu.memref_slice %arg3[%multiple_of3A_88] : memref<20480xi32, #tpu.memory_space<hbm>> -> memref<128xi32, #tpu.memory_space<hbm>>
        %dma_wait3A_107 = tpu.memref_slice %arg3[%multiple_of3A_88] : memref<20480xi32, #tpu.memory_space<hbm>> -> memref<128xi32, #tpu.memory_space<hbm>>
        tpu.wait_dma2 semaphore(%run_scoped3A : memref<!tpu.dma_semaphore, #tpu.memory_space<semaphore_mem>>) src(%dma_wait3A_107 : memref<128xi32, #tpu.memory_space<hbm>>) dst(%arg7 : memref<128xi32, #tpu.memory_space<vmem>>)
        tpu.yield
      }) : () -> ()
      %dma_start3A_89 = arith.constant 0 : i32
      %dma_start3A_90 = arith.constant 0 : i32
      %dma_start3A_91 = tpu.memref_slice %arg4[%dma_start3A_89, %dma_start3A_90] : memref<46080x128xf32, #tpu.memory_space<hbm>> -> memref<46080x128xf32, #tpu.memory_space<hbm>>
      tpu.enqueue_indirect_dma source(%dma_start3A_91 : memref<46080x128xf32, #tpu.memory_space<hbm>>) target(%arg8 : memref<128x128xf32, #tpu.memory_space<vmem>>) offsets(%arg6 : memref<128xi32, #tpu.memory_space<vmem>>) semaphore(%arg9 : memref<!tpu.dma_semaphore, #tpu.memory_space<semaphore_mem>>)
      %dma_wait3A_92 = arith.constant 0 : i32
      %dma_wait3A_93 = arith.constant 0 : i32
      %dma_wait3A_94 = tpu.memref_slice %arg4[%dma_wait3A_92, %dma_wait3A_93] : memref<46080x128xf32, #tpu.memory_space<hbm>> -> memref<46080x128xf32, #tpu.memory_space<hbm>>
      tpu.wait_indirect_dma semaphore(%arg9 : memref<!tpu.dma_semaphore, #tpu.memory_space<semaphore_mem>>) src(%dma_wait3A_94 : memref<46080x128xf32, #tpu.memory_space<hbm>>) dst(%arg8 : memref<128x128xf32, #tpu.memory_space<vmem>>)
      %dma_start3A_95 = arith.constant 0 : i32
      %dma_start3A_96 = arith.constant 0 : i32
      %dma_start3A_97 = tpu.memref_slice %arg4[%dma_start3A_95, %dma_start3A_96] : memref<46080x128xf32, #tpu.memory_space<hbm>> -> memref<46080x128xf32, #tpu.memory_space<hbm>>
      tpu.enqueue_indirect_dma source(%dma_start3A_97 : memref<46080x128xf32, #tpu.memory_space<hbm>>) target(%arg8 : memref<128x128xf32, #tpu.memory_space<vmem>>) offsets(%arg7 : memref<128xi32, #tpu.memory_space<vmem>>) semaphore(%arg9 : memref<!tpu.dma_semaphore, #tpu.memory_space<semaphore_mem>>) {add = true}
      %dma_wait3A_98 = arith.constant 0 : i32
      %dma_wait3A_99 = arith.constant 0 : i32
      %dma_wait3A_100 = tpu.memref_slice %arg4[%dma_wait3A_98, %dma_wait3A_99] : memref<46080x128xf32, #tpu.memory_space<hbm>> -> memref<46080x128xf32, #tpu.memory_space<hbm>>
      tpu.wait_indirect_dma semaphore(%arg9 : memref<!tpu.dma_semaphore, #tpu.memory_space<semaphore_mem>>) src(%dma_wait3A_100 : memref<46080x128xf32, #tpu.memory_space<hbm>>) dst(%arg8 : memref<128x128xf32, #tpu.memory_space<vmem>>)
      %mul3A_101 = arith.constant 128 : i32
      %mul3A_102 = arith.muli %add3A_79, %mul3A_101 : i32
      %multiple_of3A_103 = tpu.assume_multiple %mul3A_102, 8 : i32
      "tpu.region"() ({
        %run_scoped3A = tpu.sem_alloc : memref<!tpu.dma_semaphore, #tpu.memory_space<semaphore_mem>>
        %dma_start3A_104 = arith.constant 0 : i32
        %dma_start3A_105 = arith.constant 0 : i32
        %dma_start3A_106 = tpu.memref_slice %arg8[%dma_start3A_104, %dma_start3A_105] : memref<128x128xf32, #tpu.memory_space<vmem>> -> memref<128x128xf32, #tpu.memory_space<vmem>>
        %dma_start3A_107 = arith.constant 0 : i32
        %dma_start3A_108 = tpu.memref_slice %arg5[%multiple_of3A_103, %dma_start3A_107] : memref<20000x128xf32, #tpu.memory_space<hbm>> -> memref<128x128xf32, #tpu.memory_space<hbm>>
        %dma_start3A_109 = arith.constant 0 : i32
        %dma_start3A_110 = tpu.memref_slice %arg5[%multiple_of3A_103, %dma_start3A_109] : memref<20000x128xf32, #tpu.memory_space<hbm>> -> memref<128x128xf32, #tpu.memory_space<hbm>>
        %dma_start3A_111 = arith.constant 0 : i32
        %dma_start3A_112 = arith.constant 0 : i32
        %dma_start3A_113 = tpu.memref_slice %arg8[%dma_start3A_111, %dma_start3A_112] : memref<128x128xf32, #tpu.memory_space<vmem>> -> memref<128x128xf32, #tpu.memory_space<vmem>>
        tpu.enqueue_dma source(%dma_start3A_113 : memref<128x128xf32, #tpu.memory_space<vmem>>) target(%dma_start3A_110 : memref<128x128xf32, #tpu.memory_space<hbm>>) target_semaphore(%run_scoped3A : memref<!tpu.dma_semaphore, #tpu.memory_space<semaphore_mem>>)
        %dma_wait3A_114 = arith.constant 0 : i32
        %dma_wait3A_115 = arith.constant 0 : i32
        %dma_wait3A_116 = tpu.memref_slice %arg8[%dma_wait3A_114, %dma_wait3A_115] : memref<128x128xf32, #tpu.memory_space<vmem>> -> memref<128x128xf32, #tpu.memory_space<vmem>>
        %dma_wait3A_117 = arith.constant 0 : i32
        %dma_wait3A_118 = tpu.memref_slice %arg5[%multiple_of3A_103, %dma_wait3A_117] : memref<20000x128xf32, #tpu.memory_space<hbm>> -> memref<128x128xf32, #tpu.memory_space<hbm>>
        %dma_wait3A_119 = arith.constant 0 : i32
        %dma_wait3A_120 = tpu.memref_slice %arg5[%multiple_of3A_103, %dma_wait3A_119] : memref<20000x128xf32, #tpu.memory_space<hbm>> -> memref<128x128xf32, #tpu.memory_space<hbm>>
        %dma_wait3A_121 = arith.constant 0 : i32
        %dma_wait3A_122 = arith.constant 0 : i32
        %dma_wait3A_123 = tpu.memref_slice %arg8[%dma_wait3A_121, %dma_wait3A_122] : memref<128x128xf32, #tpu.memory_space<vmem>> -> memref<128x128xf32, #tpu.memory_space<vmem>>
        tpu.wait_dma2 semaphore(%run_scoped3A : memref<!tpu.dma_semaphore, #tpu.memory_space<semaphore_mem>>) src(%dma_wait3A_123 : memref<128x128xf32, #tpu.memory_space<vmem>>) dst(%dma_wait3A_120 : memref<128x128xf32, #tpu.memory_space<hbm>>)
        tpu.yield
      }) : () -> ()
    } else {
    }
    %eq3A = arith.constant 156 : i32
    %eq3A_82 = arith.cmpi eq, %add3A_79, %eq3A : i32
    %convert_element_type3A_83 = arith.extui %eq3A_82 : i1 to i32
    %cond3A_84 = arith.constant 0 : i32
    %cond3A_85 = arith.cmpi ne, %convert_element_type3A_83, %cond3A_84 : i32
    scf.if %cond3A_85 {
      %mul3A_86 = arith.constant 128 : i32
      %mul3A_87 = arith.muli %add3A_79, %mul3A_86 : i32
      %multiple_of3A_88 = tpu.assume_multiple %mul3A_87, 8 : i32
      "tpu.region"() ({
        %run_scoped3A = tpu.sem_alloc : memref<!tpu.dma_semaphore, #tpu.memory_space<semaphore_mem>>
        %dma_start3A_104 = tpu.memref_slice %arg2[%multiple_of3A_88] : memref<20480xi32, #tpu.memory_space<hbm>> -> memref<128xi32, #tpu.memory_space<hbm>>
        %dma_start3A_105 = tpu.memref_slice %arg2[%multiple_of3A_88] : memref<20480xi32, #tpu.memory_space<hbm>> -> memref<128xi32, #tpu.memory_space<hbm>>
        tpu.enqueue_dma source(%dma_start3A_105 : memref<128xi32, #tpu.memory_space<hbm>>) target(%arg6 : memref<128xi32, #tpu.memory_space<vmem>>) target_semaphore(%run_scoped3A : memref<!tpu.dma_semaphore, #tpu.memory_space<semaphore_mem>>)
        %dma_wait3A_106 = tpu.memref_slice %arg2[%multiple_of3A_88] : memref<20480xi32, #tpu.memory_space<hbm>> -> memref<128xi32, #tpu.memory_space<hbm>>
        %dma_wait3A_107 = tpu.memref_slice %arg2[%multiple_of3A_88] : memref<20480xi32, #tpu.memory_space<hbm>> -> memref<128xi32, #tpu.memory_space<hbm>>
        tpu.wait_dma2 semaphore(%run_scoped3A : memref<!tpu.dma_semaphore, #tpu.memory_space<semaphore_mem>>) src(%dma_wait3A_107 : memref<128xi32, #tpu.memory_space<hbm>>) dst(%arg6 : memref<128xi32, #tpu.memory_space<vmem>>)
        tpu.yield
      }) : () -> ()
      "tpu.region"() ({
        %run_scoped3A = tpu.sem_alloc : memref<!tpu.dma_semaphore, #tpu.memory_space<semaphore_mem>>
        %dma_start3A_104 = tpu.memref_slice %arg3[%multiple_of3A_88] : memref<20480xi32, #tpu.memory_space<hbm>> -> memref<128xi32, #tpu.memory_space<hbm>>
        %dma_start3A_105 = tpu.memref_slice %arg3[%multiple_of3A_88] : memref<20480xi32, #tpu.memory_space<hbm>> -> memref<128xi32, #tpu.memory_space<hbm>>
        tpu.enqueue_dma source(%dma_start3A_105 : memref<128xi32, #tpu.memory_space<hbm>>) target(%arg7 : memref<128xi32, #tpu.memory_space<vmem>>) target_semaphore(%run_scoped3A : memref<!tpu.dma_semaphore, #tpu.memory_space<semaphore_mem>>)
        %dma_wait3A_106 = tpu.memref_slice %arg3[%multiple_of3A_88] : memref<20480xi32, #tpu.memory_space<hbm>> -> memref<128xi32, #tpu.memory_space<hbm>>
        %dma_wait3A_107 = tpu.memref_slice %arg3[%multiple_of3A_88] : memref<20480xi32, #tpu.memory_space<hbm>> -> memref<128xi32, #tpu.memory_space<hbm>>
        tpu.wait_dma2 semaphore(%run_scoped3A : memref<!tpu.dma_semaphore, #tpu.memory_space<semaphore_mem>>) src(%dma_wait3A_107 : memref<128xi32, #tpu.memory_space<hbm>>) dst(%arg7 : memref<128xi32, #tpu.memory_space<vmem>>)
        tpu.yield
      }) : () -> ()
      %dma_start3A_89 = arith.constant 0 : i32
      %dma_start3A_90 = arith.constant 0 : i32
      %dma_start3A_91 = tpu.memref_slice %arg4[%dma_start3A_89, %dma_start3A_90] : memref<46080x128xf32, #tpu.memory_space<hbm>> -> memref<46080x128xf32, #tpu.memory_space<hbm>>
      tpu.enqueue_indirect_dma source(%dma_start3A_91 : memref<46080x128xf32, #tpu.memory_space<hbm>>) target(%arg8 : memref<128x128xf32, #tpu.memory_space<vmem>>) offsets(%arg6 : memref<128xi32, #tpu.memory_space<vmem>>) semaphore(%arg9 : memref<!tpu.dma_semaphore, #tpu.memory_space<semaphore_mem>>)
      %dma_wait3A_92 = arith.constant 0 : i32
      %dma_wait3A_93 = arith.constant 0 : i32
      %dma_wait3A_94 = tpu.memref_slice %arg4[%dma_wait3A_92, %dma_wait3A_93] : memref<46080x128xf32, #tpu.memory_space<hbm>> -> memref<46080x128xf32, #tpu.memory_space<hbm>>
      tpu.wait_indirect_dma semaphore(%arg9 : memref<!tpu.dma_semaphore, #tpu.memory_space<semaphore_mem>>) src(%dma_wait3A_94 : memref<46080x128xf32, #tpu.memory_space<hbm>>) dst(%arg8 : memref<128x128xf32, #tpu.memory_space<vmem>>)
      %dma_start3A_95 = arith.constant 0 : i32
      %dma_start3A_96 = arith.constant 0 : i32
      %dma_start3A_97 = tpu.memref_slice %arg4[%dma_start3A_95, %dma_start3A_96] : memref<46080x128xf32, #tpu.memory_space<hbm>> -> memref<46080x128xf32, #tpu.memory_space<hbm>>
      tpu.enqueue_indirect_dma source(%dma_start3A_97 : memref<46080x128xf32, #tpu.memory_space<hbm>>) target(%arg8 : memref<128x128xf32, #tpu.memory_space<vmem>>) offsets(%arg7 : memref<128xi32, #tpu.memory_space<vmem>>) semaphore(%arg9 : memref<!tpu.dma_semaphore, #tpu.memory_space<semaphore_mem>>) {add = true}
      %dma_wait3A_98 = arith.constant 0 : i32
      %dma_wait3A_99 = arith.constant 0 : i32
      %dma_wait3A_100 = tpu.memref_slice %arg4[%dma_wait3A_98, %dma_wait3A_99] : memref<46080x128xf32, #tpu.memory_space<hbm>> -> memref<46080x128xf32, #tpu.memory_space<hbm>>
      tpu.wait_indirect_dma semaphore(%arg9 : memref<!tpu.dma_semaphore, #tpu.memory_space<semaphore_mem>>) src(%dma_wait3A_100 : memref<46080x128xf32, #tpu.memory_space<hbm>>) dst(%arg8 : memref<128x128xf32, #tpu.memory_space<vmem>>)
      %mul3A_101 = arith.constant 128 : i32
      %mul3A_102 = arith.muli %add3A_79, %mul3A_101 : i32
      %multiple_of3A_103 = tpu.assume_multiple %mul3A_102, 8 : i32
      "tpu.region"() ({
        %run_scoped3A = tpu.sem_alloc : memref<!tpu.dma_semaphore, #tpu.memory_space<semaphore_mem>>
        %dma_start3A_104 = arith.constant 0 : i32
        %dma_start3A_105 = arith.constant 0 : i32
        %dma_start3A_106 = tpu.memref_slice %arg8[%dma_start3A_104, %dma_start3A_105] : memref<128x128xf32, #tpu.memory_space<vmem>> -> memref<32x128xf32, #tpu.memory_space<vmem>>
        %dma_start3A_107 = arith.constant 0 : i32
        %dma_start3A_108 = tpu.memref_slice %arg5[%multiple_of3A_103, %dma_start3A_107] : memref<20000x128xf32, #tpu.memory_space<hbm>> -> memref<32x128xf32, #tpu.memory_space<hbm>>
        %dma_start3A_109 = arith.constant 0 : i32
        %dma_start3A_110 = tpu.memref_slice %arg5[%multiple_of3A_103, %dma_start3A_109] : memref<20000x128xf32, #tpu.memory_space<hbm>> -> memref<32x128xf32, #tpu.memory_space<hbm>>
        %dma_start3A_111 = arith.constant 0 : i32
        %dma_start3A_112 = arith.constant 0 : i32
        %dma_start3A_113 = tpu.memref_slice %arg8[%dma_start3A_111, %dma_start3A_112] : memref<128x128xf32, #tpu.memory_space<vmem>> -> memref<32x128xf32, #tpu.memory_space<vmem>>
        tpu.enqueue_dma source(%dma_start3A_113 : memref<32x128xf32, #tpu.memory_space<vmem>>) target(%dma_start3A_110 : memref<32x128xf32, #tpu.memory_space<hbm>>) target_semaphore(%run_scoped3A : memref<!tpu.dma_semaphore, #tpu.memory_space<semaphore_mem>>)
        %dma_wait3A_114 = arith.constant 0 : i32
        %dma_wait3A_115 = arith.constant 0 : i32
        %dma_wait3A_116 = tpu.memref_slice %arg8[%dma_wait3A_114, %dma_wait3A_115] : memref<128x128xf32, #tpu.memory_space<vmem>> -> memref<32x128xf32, #tpu.memory_space<vmem>>
        %dma_wait3A_117 = arith.constant 0 : i32
        %dma_wait3A_118 = tpu.memref_slice %arg5[%multiple_of3A_103, %dma_wait3A_117] : memref<20000x128xf32, #tpu.memory_space<hbm>> -> memref<32x128xf32, #tpu.memory_space<hbm>>
        %dma_wait3A_119 = arith.constant 0 : i32
        %dma_wait3A_120 = tpu.memref_slice %arg5[%multiple_of3A_103, %dma_wait3A_119] : memref<20000x128xf32, #tpu.memory_space<hbm>> -> memref<32x128xf32, #tpu.memory_space<hbm>>
        %dma_wait3A_121 = arith.constant 0 : i32
        %dma_wait3A_122 = arith.constant 0 : i32
        %dma_wait3A_123 = tpu.memref_slice %arg8[%dma_wait3A_121, %dma_wait3A_122] : memref<128x128xf32, #tpu.memory_space<vmem>> -> memref<32x128xf32, #tpu.memory_space<vmem>>
        tpu.wait_dma2 semaphore(%run_scoped3A : memref<!tpu.dma_semaphore, #tpu.memory_space<semaphore_mem>>) src(%dma_wait3A_123 : memref<32x128xf32, #tpu.memory_space<vmem>>) dst(%dma_wait3A_120 : memref<32x128xf32, #tpu.memory_space<hbm>>)
        tpu.yield
      }) : () -> ()
    } else {
    }
    return
  }
}

module attributes {stable_mosaic.version = 14 : i64} {
  func.func @_offsets_tc(%arg0: memref<32x1x16xi32, #tpu.memory_space<vmem>>, %arg1: memref<32x16xi32, #tpu.memory_space<vmem>>, %arg2: memref<8x16xi32, #tpu.memory_space<vmem>>) attributes {dimension_semantics = [], scalar_prefetch = 0 : i64, scratch_operands = 0 : i64, tpu.core_type = #tpu.core_type<tc>} {
    %get3A = arith.constant 0 : index
    %get3A_0 = arith.constant 0 : index
    %get3A_1 = arith.constant 0 : index
    %get3A_2 = vector.load %arg0[%get3A, %get3A_0, %get3A_1] : memref<32x1x16xi32, #tpu.memory_space<vmem>>, vector<32x1x16xi32>
    %reshape3A = vector.shape_cast %get3A_2 : vector<32x1x16xi32> to vector<32x16xi32>
    %convert_element_type3A = arith.sitofp %reshape3A : vector<32x16xi32> to vector<32x16xf32>
    %reduce_sum3A = arith.constant dense<0.000000e+00> : vector<16xf32>
    %reduce_sum3A_3 = vector.multi_reduction <add>, %convert_element_type3A, %reduce_sum3A [0] : vector<32x16xf32> to vector<16xf32>
    %broadcast_in_dim3A = vector.shape_cast %reduce_sum3A_3 : vector<16xf32> to vector<1x16xf32>
    %div3A = arith.constant 5.120000e+02 : f32
    %div3A_4 = vector.broadcast %div3A : f32 to vector<1x16xf32>
    %div3A_5 = arith.divf %broadcast_in_dim3A, %div3A_4 : vector<1x16xf32>
    %sub3A = arith.constant 9.765625E-4 : f32
    %sub3A_6 = vector.broadcast %sub3A : f32 to vector<1x16xf32>
    %sub3A_7 = arith.subf %div3A_5, %sub3A_6 : vector<1x16xf32>
    %floor3A = math.floor %sub3A_7 : vector<1x16xf32>
    %mul3A = arith.constant 5.120000e+02 : f32
    %mul3A_8 = vector.broadcast %mul3A : f32 to vector<1x16xf32>
    %mul3A_9 = arith.mulf %floor3A, %mul3A_8 : vector<1x16xf32>
    %add3A = arith.constant 5.120000e+02 : f32
    %add3A_10 = vector.broadcast %add3A : f32 to vector<1x16xf32>
    %add3A_11 = arith.addf %mul3A_9, %add3A_10 : vector<1x16xf32>
    %iota3A = tpu.iota {dimensions = array<i32: 0>} : vector<16x16xi32>
    %iota3A_12 = tpu.iota {dimensions = array<i32: 1>} : vector<16x16xi32>
    %le3A = arith.cmpi sle, %iota3A, %iota3A_12 : vector<16x16xi32>
    %convert_element_type3A_13 = arith.extui %le3A : vector<16x16xi1> to vector<16x16xi32>
    %convert_element_type3A_14 = arith.sitofp %convert_element_type3A_13 : vector<16x16xi32> to vector<16x16xf32>
    %dot_general3A = arith.constant dense<0.000000e+00> : vector<1x16xf32>
    %dot_general3A_15 = tpu.matmul %add3A_11, %convert_element_type3A_14, %dot_general3A {dimension_numbers = #tpu.dot_dimension_numbers<[1], [0], [0], [1], [0, 0, 1, 1], [], []>, precision = #tpu.contract_precision<fp32>, transpose_lhs_hint = false} : vector<1x16xf32>, vector<16x16xf32>, vector<1x16xf32> -> vector<1x16xf32>
    %sub3A_16 = arith.subf %dot_general3A_15, %add3A_11 : vector<1x16xf32>
    %iota3A_17 = tpu.iota {dimensions = array<i32: 0>} : vector<32x32xi32>
    %iota3A_18 = tpu.iota {dimensions = array<i32: 1>} : vector<32x32xi32>
    %gt3A = arith.cmpi sgt, %iota3A_17, %iota3A_18 : vector<32x32xi32>
    %convert_element_type3A_19 = arith.extui %gt3A : vector<32x32xi1> to vector<32x32xi32>
    %convert_element_type3A_20 = arith.sitofp %convert_element_type3A_19 : vector<32x32xi32> to vector<32x32xf32>
    %dot_general3A_21 = arith.constant dense<0.000000e+00> : vector<32x16xf32>
    %dot_general3A_22 = tpu.matmul %convert_element_type3A_20, %convert_element_type3A, %dot_general3A_21 {dimension_numbers = #tpu.dot_dimension_numbers<[1], [0], [0], [1], [0, 0, 1, 1], [], []>, precision = #tpu.contract_precision<fp32>, transpose_lhs_hint = false} : vector<32x32xf32>, vector<32x16xf32>, vector<32x16xf32> -> vector<32x16xf32>
    %add3A_23 = vector.broadcast %sub3A_16 : vector<1x16xf32> to vector<32x16xf32>
    %add3A_24 = arith.addf %add3A_23, %dot_general3A_22 : vector<32x16xf32>
    %convert_element_type3A_25 = arith.fptosi %add3A_24 : vector<32x16xf32> to vector<32x16xi32>
    %swap3A = arith.constant 0 : index
    %swap3A_26 = arith.constant 0 : index
    %swap3A_27 = vector.load %arg1[%swap3A, %swap3A_26] : memref<32x16xi32, #tpu.memory_space<vmem>>, vector<32x16xi32>
    tpu.vector_store %arg1[%swap3A, %swap3A_26], %convert_element_type3A_25 {strides = array<i32>} : memref<32x16xi32, #tpu.memory_space<vmem>>, vector<32x16xi32>,
    %add3A_28 = arith.addf %sub3A_16, %broadcast_in_dim3A : vector<1x16xf32>
    %sub3A_29 = arith.subf %add3A_11, %broadcast_in_dim3A : vector<1x16xf32>
    %dot_general3A_30 = arith.constant dense<0.000000e+00> : vector<1x16xf32>
    %dot_general3A_31 = tpu.matmul %sub3A_29, %convert_element_type3A_14, %dot_general3A_30 {dimension_numbers = #tpu.dot_dimension_numbers<[1], [0], [0], [1], [0, 0, 1, 1], [], []>, precision = #tpu.contract_precision<fp32>, transpose_lhs_hint = false} : vector<1x16xf32>, vector<16x16xf32>, vector<1x16xf32> -> vector<1x16xf32>
    %sub3A_32 = arith.subf %dot_general3A_31, %sub3A_29 : vector<1x16xf32>
    %concatenate3A = tpu.concatenate %dot_general3A_15, %add3A_28, %dot_general3A_31, %sub3A_32, %broadcast_in_dim3A, %add3A_11, %sub3A_16, %sub3A_16 in 0 : vector<1x16xf32>, vector<1x16xf32>, vector<1x16xf32>, vector<1x16xf32>, vector<1x16xf32>, vector<1x16xf32>, vector<1x16xf32>, vector<1x16xf32> -> vector<8x16xf32>
    %convert_element_type3A_33 = arith.fptosi %concatenate3A : vector<8x16xf32> to vector<8x16xi32>
    %swap3A_34 = arith.constant 0 : index
    %swap3A_35 = arith.constant 0 : index
    %swap3A_36 = vector.load %arg2[%swap3A_34, %swap3A_35] : memref<8x16xi32, #tpu.memory_space<vmem>>, vector<8x16xi32>
    tpu.vector_store %arg2[%swap3A_34, %swap3A_35], %convert_element_type3A_33 {strides = array<i32>} : memref<8x16xi32, #tpu.memory_space<vmem>>, vector<8x16xi32>,
    return
  }
}

module attributes {stable_mosaic.version = 14 : i64} {
  func.func @_router_tc(%arg0: i32, %arg1: memref<640x128xf32, #tpu.memory_space<vmem>>, %arg2: memref<128x128xf32, #tpu.memory_space<vmem>>, %arg3: memref<128xf32, #tpu.memory_space<vmem>>, %arg4: memref<128x10xf32, #tpu.memory_space<vmem>>, %arg5: memref<10xf32, #tpu.memory_space<vmem>>, %arg6: memref<640x1xi32, #tpu.memory_space<vmem>>, %arg7: memref<640x1xi32, #tpu.memory_space<vmem>>, %arg8: memref<640x1xi32, #tpu.memory_space<vmem>>, %arg9: memref<640x1xi32, #tpu.memory_space<vmem>>, %arg10: memref<640x1xf32, #tpu.memory_space<vmem>>, %arg11: memref<640x1xf32, #tpu.memory_space<vmem>>, %arg12: memref<1x1x16xi32, #tpu.memory_space<vmem>>) attributes {dimension_semantics = [#tpu.dimension_semantics<arbitrary>], iteration_bounds = array<i64: 32>, scalar_prefetch = 0 : i64, scratch_operands = 0 : i64, tpu.core_type = #tpu.core_type<tc>, window_params = [{transform_indices = @transform_0, window_bounds = array<i64: 640, 128>}, {pipeline_mode = #tpu.pipeline_mode<synchronous>, transform_indices = @transform_1, window_bounds = array<i64: 128, 128>}, {pipeline_mode = #tpu.pipeline_mode<synchronous>, transform_indices = @transform_2, window_bounds = array<i64: 128>}, {pipeline_mode = #tpu.pipeline_mode<synchronous>, transform_indices = @transform_3, window_bounds = array<i64: 128, 10>}, {pipeline_mode = #tpu.pipeline_mode<synchronous>, transform_indices = @transform_4, window_bounds = array<i64: 10>}, {transform_indices = @transform_5, window_bounds = array<i64: 640, 1>}, {transform_indices = @transform_6, window_bounds = array<i64: 640, 1>}, {transform_indices = @transform_7, window_bounds = array<i64: 640, 1>}, {transform_indices = @transform_8, window_bounds = array<i64: 640, 1>}, {transform_indices = @transform_9, window_bounds = array<i64: 640, 1>}, {transform_indices = @transform_10, window_bounds = array<i64: 640, 1>}, {transform_indices = @transform_11, window_bounds = array<i64: 1, 1, 16>}]} {
    %get3A = arith.constant 0 : index
    %get3A_0 = arith.constant 0 : index
    %get3A_1 = vector.load %arg1[%get3A, %get3A_0] : memref<640x128xf32, #tpu.memory_space<vmem>>, vector<640x128xf32>
    %get3A_2 = arith.constant 0 : index
    %get3A_3 = arith.constant 0 : index
    %get3A_4 = vector.load %arg2[%get3A_2, %get3A_3] : memref<128x128xf32, #tpu.memory_space<vmem>>, vector<128x128xf32>
    %dot_general3A = arith.constant dense<0.000000e+00> : vector<640x128xf32>
    %dot_general3A_5 = tpu.matmul %get3A_1, %get3A_4, %dot_general3A {dimension_numbers = #tpu.dot_dimension_numbers<[1], [0], [0], [1], [0, 0, 1, 1], [], []>, transpose_lhs_hint = false} : vector<640x128xf32>, vector<128x128xf32>, vector<640x128xf32> -> vector<640x128xf32>
    %get3A_6 = arith.constant 0 : index
    %get3A_7 = vector.load %arg3[%get3A_6] : memref<128xf32, #tpu.memory_space<vmem>>, vector<128xf32>
    %broadcast_in_dim3A = vector.shape_cast %get3A_7 : vector<128xf32> to vector<1x128xf32>
    %add3A = vector.broadcast %broadcast_in_dim3A : vector<1x128xf32> to vector<640x128xf32>
    %add3A_8 = arith.addf %dot_general3A_5, %add3A : vector<640x128xf32>
    %max3A = arith.constant 0.000000e+00 : f32
    %max3A_9 = vector.broadcast %max3A : f32 to vector<640x128xf32>
    %max3A_10 = arith.maximumf %add3A_8, %max3A_9 : vector<640x128xf32>
    %get3A_11 = arith.constant 0 : index
    %get3A_12 = arith.constant 0 : index
    %get3A_13 = vector.load %arg4[%get3A_11, %get3A_12] : memref<128x10xf32, #tpu.memory_space<vmem>>, vector<128x10xf32>
    %dot_general3A_14 = arith.constant dense<0.000000e+00> : vector<640x10xf32>
    %dot_general3A_15 = tpu.matmul %max3A_10, %get3A_13, %dot_general3A_14 {dimension_numbers = #tpu.dot_dimension_numbers<[1], [0], [0], [1], [0, 0, 1, 1], [], []>, transpose_lhs_hint = false} : vector<640x128xf32>, vector<128x10xf32>, vector<640x10xf32> -> vector<640x10xf32>
    %get3A_16 = arith.constant 0 : index
    %get3A_17 = vector.load %arg5[%get3A_16] : memref<10xf32, #tpu.memory_space<vmem>>, vector<10xf32>
    %broadcast_in_dim3A_18 = vector.shape_cast %get3A_17 : vector<10xf32> to vector<1x10xf32>
    %add3A_19 = vector.broadcast %broadcast_in_dim3A_18 : vector<1x10xf32> to vector<640x10xf32>
    %add3A_20 = arith.addf %dot_general3A_15, %add3A_19 : vector<640x10xf32>
    %iota3A = tpu.iota {dimensions = array<i32: 1>} : vector<640x10xi32>
    %reduce_max3A = arith.constant dense<0xFF800000> : vector<640xf32>
    %reduce_max3A_21 = vector.multi_reduction <maximumf>, %add3A_20, %reduce_max3A [1] : vector<640x10xf32> to vector<640xf32>
    %broadcast_in_dim3A_22 = vector.shape_cast %reduce_max3A_21 : vector<640xf32> to vector<640x1xf32>
    %eq3A = vector.broadcast %broadcast_in_dim3A_22 : vector<640x1xf32> to vector<640x10xf32>
    %eq3A_23 = arith.cmpf oeq, %add3A_20, %eq3A : vector<640x10xf32>
    %jit3A = arith.constant 10 : i32
    %broadcast_in_dim3A_24 = vector.broadcast %jit3A : i32 to vector<640x10xi32>
    %select_n3A = arith.select %eq3A_23, %iota3A, %broadcast_in_dim3A_24 : vector<640x10xi1>, vector<640x10xi32>
    %reduce_min3A = arith.constant dense<2147483647> : vector<640xi32>
    %reduce_min3A_25 = vector.multi_reduction <minsi>, %select_n3A, %reduce_min3A [1] : vector<640x10xi32> to vector<640xi32>
    %broadcast_in_dim3A_26 = vector.shape_cast %reduce_min3A_25 : vector<640xi32> to vector<640x1xi32>
    %min3A = arith.constant 9 : i32
    %min3A_27 = vector.broadcast %min3A : i32 to vector<640x1xi32>
    %min3A_28 = arith.minsi %broadcast_in_dim3A_26, %min3A_27 : vector<640x1xi32>
    %eq3A_29 = vector.broadcast %min3A_28 : vector<640x1xi32> to vector<640x10xi32>
    %eq3A_30 = arith.cmpi eq, %iota3A, %eq3A_29 : vector<640x10xi32>
    %jit3A_31 = arith.constant 0xFF800000 : f32
    %broadcast_in_dim3A_32 = vector.broadcast %jit3A_31 : f32 to vector<640x10xf32>
    %select_n3A_33 = arith.select %eq3A_30, %broadcast_in_dim3A_32, %add3A_20 : vector<640x10xi1>, vector<640x10xf32>
    %reduce_max3A_34 = arith.constant dense<0xFF800000> : vector<640xf32>
    %reduce_max3A_35 = vector.multi_reduction <maximumf>, %select_n3A_33, %reduce_max3A_34 [1] : vector<640x10xf32> to vector<640xf32>
    %broadcast_in_dim3A_36 = vector.shape_cast %reduce_max3A_35 : vector<640xf32> to vector<640x1xf32>
    %eq3A_37 = vector.broadcast %broadcast_in_dim3A_36 : vector<640x1xf32> to vector<640x10xf32>
    %eq3A_38 = arith.cmpf oeq, %select_n3A_33, %eq3A_37 : vector<640x10xf32>
    %jit3A_39 = arith.constant 10 : i32
    %broadcast_in_dim3A_40 = vector.broadcast %jit3A_39 : i32 to vector<640x10xi32>
    %select_n3A_41 = arith.select %eq3A_38, %iota3A, %broadcast_in_dim3A_40 : vector<640x10xi1>, vector<640x10xi32>
    %reduce_min3A_42 = arith.constant dense<2147483647> : vector<640xi32>
    %reduce_min3A_43 = vector.multi_reduction <minsi>, %select_n3A_41, %reduce_min3A_42 [1] : vector<640x10xi32> to vector<640xi32>
    %broadcast_in_dim3A_44 = vector.shape_cast %reduce_min3A_43 : vector<640xi32> to vector<640x1xi32>
    %min3A_45 = arith.constant 9 : i32
    %min3A_46 = vector.broadcast %min3A_45 : i32 to vector<640x1xi32>
    %min3A_47 = arith.minsi %broadcast_in_dim3A_44, %min3A_46 : vector<640x1xi32>
    %sub3A = arith.subf %broadcast_in_dim3A_36, %broadcast_in_dim3A_22 : vector<640x1xf32>
    %exp3A = math.exp %sub3A : vector<640x1xf32>
    %add3A_48 = arith.constant 1.000000e+00 : f32
    %add3A_49 = vector.broadcast %add3A_48 : f32 to vector<640x1xf32>
    %add3A_50 = arith.addf %add3A_49, %exp3A : vector<640x1xf32>
    %div3A = arith.constant 1.000000e+00 : f32
    %div3A_51 = vector.broadcast %div3A : f32 to vector<640x1xf32>
    %div3A_52 = arith.divf %div3A_51, %add3A_50 : vector<640x1xf32>
    %mul3A = arith.mulf %exp3A, %div3A_52 : vector<640x1xf32>
    %iota3A_53 = tpu.iota {dimensions = array<i32: 1>} : vector<640x16xi32>
    %eq3A_54 = vector.broadcast %min3A_28 : vector<640x1xi32> to vector<640x16xi32>
    %eq3A_55 = arith.cmpi eq, %iota3A_53, %eq3A_54 : vector<640x16xi32>
    %convert_element_type3A = arith.extui %eq3A_55 : vector<640x16xi1> to vector<640x16xi32>
    %convert_element_type3A_56 = arith.sitofp %convert_element_type3A : vector<640x16xi32> to vector<640x16xf32>
    %eq3A_57 = vector.broadcast %min3A_47 : vector<640x1xi32> to vector<640x16xi32>
    %eq3A_58 = arith.cmpi eq, %iota3A_53, %eq3A_57 : vector<640x16xi32>
    %convert_element_type3A_59 = arith.extui %eq3A_58 : vector<640x16xi1> to vector<640x16xi32>
    %convert_element_type3A_60 = arith.sitofp %convert_element_type3A_59 : vector<640x16xi32> to vector<640x16xf32>
    %iota3A_61 = tpu.iota {dimensions = array<i32: 0>} : vector<640x640xi32>
    %iota3A_62 = tpu.iota {dimensions = array<i32: 1>} : vector<640x640xi32>
    %gt3A = arith.cmpi sgt, %iota3A_61, %iota3A_62 : vector<640x640xi32>
    %convert_element_type3A_63 = arith.extui %gt3A : vector<640x640xi1> to vector<640x640xi32>
    %convert_element_type3A_64 = arith.sitofp %convert_element_type3A_63 : vector<640x640xi32> to vector<640x640xf32>
    %dot_general3A_65 = arith.constant dense<0.000000e+00> : vector<640x16xf32>
    %dot_general3A_66 = tpu.matmul %convert_element_type3A_64, %convert_element_type3A_56, %dot_general3A_65 {dimension_numbers = #tpu.dot_dimension_numbers<[1], [0], [0], [1], [0, 0, 1, 1], [], []>, precision = #tpu.contract_precision<fp32>, transpose_lhs_hint = false} : vector<640x640xf32>, vector<640x16xf32>, vector<640x16xf32> -> vector<640x16xf32>
    %dot_general3A_67 = arith.constant dense<0.000000e+00> : vector<640x16xf32>
    %dot_general3A_68 = tpu.matmul %convert_element_type3A_64, %convert_element_type3A_60, %dot_general3A_67 {dimension_numbers = #tpu.dot_dimension_numbers<[1], [0], [0], [1], [0, 0, 1, 1], [], []>, precision = #tpu.contract_precision<fp32>, transpose_lhs_hint = false} : vector<640x640xf32>, vector<640x16xf32>, vector<640x16xf32> -> vector<640x16xf32>
    %reduce_sum3A = arith.constant dense<0.000000e+00> : vector<16xf32>
    %reduce_sum3A_69 = vector.multi_reduction <add>, %convert_element_type3A_56, %reduce_sum3A [0] : vector<640x16xf32> to vector<16xf32>
    %broadcast_in_dim3A_70 = vector.shape_cast %reduce_sum3A_69 : vector<16xf32> to vector<1x16xf32>
    %reduce_sum3A_71 = arith.constant dense<0.000000e+00> : vector<16xf32>
    %reduce_sum3A_72 = vector.multi_reduction <add>, %convert_element_type3A_60, %reduce_sum3A_71 [0] : vector<640x16xf32> to vector<16xf32>
    %broadcast_in_dim3A_73 = vector.shape_cast %reduce_sum3A_72 : vector<16xf32> to vector<1x16xf32>
    %mul3A_74 = arith.mulf %dot_general3A_66, %convert_element_type3A_56 : vector<640x16xf32>
    %reduce_sum3A_75 = arith.constant dense<0.000000e+00> : vector<640xf32>
    %reduce_sum3A_76 = vector.multi_reduction <add>, %mul3A_74, %reduce_sum3A_75 [1] : vector<640x16xf32> to vector<640xf32>
    %broadcast_in_dim3A_77 = vector.shape_cast %reduce_sum3A_76 : vector<640xf32> to vector<640x1xf32>
    %add3A_78 = vector.broadcast %broadcast_in_dim3A_70 : vector<1x16xf32> to vector<640x16xf32>
    %add3A_79 = arith.addf %dot_general3A_68, %add3A_78 : vector<640x16xf32>
    %mul3A_80 = arith.mulf %add3A_79, %convert_element_type3A_60 : vector<640x16xf32>
    %reduce_sum3A_81 = arith.constant dense<0.000000e+00> : vector<640xf32>
    %reduce_sum3A_82 = vector.multi_reduction <add>, %mul3A_80, %reduce_sum3A_81 [1] : vector<640x16xf32> to vector<640xf32>
    %broadcast_in_dim3A_83 = vector.shape_cast %reduce_sum3A_82 : vector<640xf32> to vector<640x1xf32>
    %swap3A = arith.constant 0 : index
    %swap3A_84 = arith.constant 0 : index
    %swap3A_85 = vector.load %arg6[%swap3A, %swap3A_84] : memref<640x1xi32, #tpu.memory_space<vmem>>, vector<640x1xi32>
    tpu.vector_store %arg6[%swap3A, %swap3A_84], %min3A_28 {strides = array<i32>} : memref<640x1xi32, #tpu.memory_space<vmem>>, vector<640x1xi32>,
    %swap3A_86 = arith.constant 0 : index
    %swap3A_87 = arith.constant 0 : index
    %swap3A_88 = vector.load %arg7[%swap3A_86, %swap3A_87] : memref<640x1xi32, #tpu.memory_space<vmem>>, vector<640x1xi32>
    tpu.vector_store %arg7[%swap3A_86, %swap3A_87], %min3A_47 {strides = array<i32>} : memref<640x1xi32, #tpu.memory_space<vmem>>, vector<640x1xi32>,
    %convert_element_type3A_89 = arith.fptosi %broadcast_in_dim3A_77 : vector<640x1xf32> to vector<640x1xi32>
    %swap3A_90 = arith.constant 0 : index
    %swap3A_91 = arith.constant 0 : index
    %swap3A_92 = vector.load %arg8[%swap3A_90, %swap3A_91] : memref<640x1xi32, #tpu.memory_space<vmem>>, vector<640x1xi32>
    tpu.vector_store %arg8[%swap3A_90, %swap3A_91], %convert_element_type3A_89 {strides = array<i32>} : memref<640x1xi32, #tpu.memory_space<vmem>>, vector<640x1xi32>,
    %convert_element_type3A_93 = arith.fptosi %broadcast_in_dim3A_83 : vector<640x1xf32> to vector<640x1xi32>
    %swap3A_94 = arith.constant 0 : index
    %swap3A_95 = arith.constant 0 : index
    %swap3A_96 = vector.load %arg9[%swap3A_94, %swap3A_95] : memref<640x1xi32, #tpu.memory_space<vmem>>, vector<640x1xi32>
    tpu.vector_store %arg9[%swap3A_94, %swap3A_95], %convert_element_type3A_93 {strides = array<i32>} : memref<640x1xi32, #tpu.memory_space<vmem>>, vector<640x1xi32>,
    %swap3A_97 = arith.constant 0 : index
    %swap3A_98 = arith.constant 0 : index
    %swap3A_99 = vector.load %arg10[%swap3A_97, %swap3A_98] : memref<640x1xf32, #tpu.memory_space<vmem>>, vector<640x1xf32>
    tpu.vector_store %arg10[%swap3A_97, %swap3A_98], %div3A_52 {strides = array<i32>} : memref<640x1xf32, #tpu.memory_space<vmem>>, vector<640x1xf32>,
    %swap3A_100 = arith.constant 0 : index
    %swap3A_101 = arith.constant 0 : index
    %swap3A_102 = vector.load %arg11[%swap3A_100, %swap3A_101] : memref<640x1xf32, #tpu.memory_space<vmem>>, vector<640x1xf32>
    tpu.vector_store %arg11[%swap3A_100, %swap3A_101], %mul3A {strides = array<i32>} : memref<640x1xf32, #tpu.memory_space<vmem>>, vector<640x1xf32>,
    %add3A_103 = arith.addf %broadcast_in_dim3A_70, %broadcast_in_dim3A_73 : vector<1x16xf32>
    %convert_element_type3A_104 = arith.fptosi %add3A_103 : vector<1x16xf32> to vector<1x16xi32>
    %broadcast_in_dim3A_105 = vector.shape_cast %convert_element_type3A_104 : vector<1x16xi32> to vector<1x1x16xi32>
    %swap3A_106 = arith.constant 0 : index
    %swap3A_107 = arith.constant 0 : index
    %swap3A_108 = arith.constant 0 : index
    %swap3A_109 = vector.load %arg12[%swap3A_106, %swap3A_107, %swap3A_108] : memref<1x1x16xi32, #tpu.memory_space<vmem>>, vector<1x1x16xi32>
    tpu.vector_store %arg12[%swap3A_106, %swap3A_107, %swap3A_108], %broadcast_in_dim3A_105 {strides = array<i32>} : memref<1x1x16xi32, #tpu.memory_space<vmem>>, vector<1x1x16xi32>,
    return
  }
  func.func @transform_0(%arg0: i32) -> (i32, i32) {
    %c0_i32 = arith.constant 0 : i32
    %c0_i32_0 = arith.constant 0 : i32
    return %arg0, %c0_i32 : i32, i32
  }
  func.func @transform_1(%arg0: i32) -> (i32, i32) {
    %c0_i32 = arith.constant 0 : i32
    %c0_i32_0 = arith.constant 0 : i32
    %c0_i32_1 = arith.constant 0 : i32
    return %c0_i32, %c0_i32_0 : i32, i32
  }
  func.func @transform_2(%arg0: i32) -> i32 {
    %c0_i32 = arith.constant 0 : i32
    %c0_i32_0 = arith.constant 0 : i32
    return %c0_i32 : i32
  }
  func.func @transform_3(%arg0: i32) -> (i32, i32) {
    %c0_i32 = arith.constant 0 : i32
    %c0_i32_0 = arith.constant 0 : i32
    %c0_i32_1 = arith.constant 0 : i32
    return %c0_i32, %c0_i32_0 : i32, i32
  }
  func.func @transform_4(%arg0: i32) -> i32 {
    %c0_i32 = arith.constant 0 : i32
    %c0_i32_0 = arith.constant 0 : i32
    return %c0_i32 : i32
  }
  func.func @transform_5(%arg0: i32) -> (i32, i32) {
    %c0_i32 = arith.constant 0 : i32
    %c0_i32_0 = arith.constant 0 : i32
    return %arg0, %c0_i32 : i32, i32
  }
  func.func @transform_6(%arg0: i32) -> (i32, i32) {
    %c0_i32 = arith.constant 0 : i32
    %c0_i32_0 = arith.constant 0 : i32
    return %arg0, %c0_i32 : i32, i32
  }
  func.func @transform_7(%arg0: i32) -> (i32, i32) {
    %c0_i32 = arith.constant 0 : i32
    %c0_i32_0 = arith.constant 0 : i32
    return %arg0, %c0_i32 : i32, i32
  }
  func.func @transform_8(%arg0: i32) -> (i32, i32) {
    %c0_i32 = arith.constant 0 : i32
    %c0_i32_0 = arith.constant 0 : i32
    return %arg0, %c0_i32 : i32, i32
  }
  func.func @transform_9(%arg0: i32) -> (i32, i32) {
    %c0_i32 = arith.constant 0 : i32
    %c0_i32_0 = arith.constant 0 : i32
    return %arg0, %c0_i32 : i32, i32
  }
  func.func @transform_10(%arg0: i32) -> (i32, i32) {
    %c0_i32 = arith.constant 0 : i32
    %c0_i32_0 = arith.constant 0 : i32
    return %arg0, %c0_i32 : i32, i32
  }
  func.func @transform_11(%arg0: i32) -> (i32, i32, i32) {
    %c0_i32 = arith.constant 0 : i32
    %c0_i32_0 = arith.constant 0 : i32
    %c0_i32_1 = arith.constant 0 : i32
    return %arg0, %c0_i32, %c0_i32_0 : i32, i32, i32
  }
}

module attributes {stable_mosaic.version = 14 : i64} {
  func.func @_dest_tc(%arg0: i32, %arg1: memref<1x1x16xi32, #tpu.memory_space<vmem>>, %arg2: memref<640x1xi32, #tpu.memory_space<vmem>>, %arg3: memref<640x1xi32, #tpu.memory_space<vmem>>, %arg4: memref<640x1xi32, #tpu.memory_space<vmem>>, %arg5: memref<640x1xi32, #tpu.memory_space<vmem>>, %arg6: memref<640x1xi32, #tpu.memory_space<vmem>>, %arg7: memref<640x1xi32, #tpu.memory_space<vmem>>) attributes {dimension_semantics = [#tpu.dimension_semantics<arbitrary>], iteration_bounds = array<i64: 32>, scalar_prefetch = 0 : i64, scratch_operands = 0 : i64, tpu.core_type = #tpu.core_type<tc>, window_params = [{transform_indices = @transform_0, window_bounds = array<i64: 1, 1, 16>}, {transform_indices = @transform_1, window_bounds = array<i64: 640, 1>}, {transform_indices = @transform_2, window_bounds = array<i64: 640, 1>}, {transform_indices = @transform_3, window_bounds = array<i64: 640, 1>}, {transform_indices = @transform_4, window_bounds = array<i64: 640, 1>}, {transform_indices = @transform_5, window_bounds = array<i64: 640, 1>}, {transform_indices = @transform_6, window_bounds = array<i64: 640, 1>}]} {
    %get3A = arith.constant 0 : index
    %get3A_0 = arith.constant 0 : index
    %get3A_1 = arith.constant 0 : index
    %get3A_2 = vector.load %arg1[%get3A, %get3A_0, %get3A_1] : memref<1x1x16xi32, #tpu.memory_space<vmem>>, vector<1x1x16xi32>
    %get3A_3 = vector.shape_cast %get3A_2 : vector<1x1x16xi32> to vector<1x16xi32>
    %convert_element_type3A = arith.sitofp %get3A_3 : vector<1x16xi32> to vector<1x16xf32>
    %iota3A = tpu.iota {dimensions = array<i32: 1>} : vector<640x16xi32>
    %get3A_4 = arith.constant 0 : index
    %get3A_5 = arith.constant 0 : index
    %get3A_6 = vector.load %arg2[%get3A_4, %get3A_5] : memref<640x1xi32, #tpu.memory_space<vmem>>, vector<640x1xi32>
    %eq3A = vector.broadcast %get3A_6 : vector<640x1xi32> to vector<640x16xi32>
    %eq3A_7 = arith.cmpi eq, %iota3A, %eq3A : vector<640x16xi32>
    %convert_element_type3A_8 = arith.extui %eq3A_7 : vector<640x16xi1> to vector<640x16xi32>
    %convert_element_type3A_9 = arith.sitofp %convert_element_type3A_8 : vector<640x16xi32> to vector<640x16xf32>
    %get3A_10 = arith.constant 0 : index
    %get3A_11 = arith.constant 0 : index
    %get3A_12 = vector.load %arg3[%get3A_10, %get3A_11] : memref<640x1xi32, #tpu.memory_space<vmem>>, vector<640x1xi32>
    %eq3A_13 = vector.broadcast %get3A_12 : vector<640x1xi32> to vector<640x16xi32>
    %eq3A_14 = arith.cmpi eq, %iota3A, %eq3A_13 : vector<640x16xi32>
    %convert_element_type3A_15 = arith.extui %eq3A_14 : vector<640x16xi1> to vector<640x16xi32>
    %convert_element_type3A_16 = arith.sitofp %convert_element_type3A_15 : vector<640x16xi32> to vector<640x16xf32>
    %mul3A = vector.broadcast %convert_element_type3A : vector<1x16xf32> to vector<640x16xf32>
    %mul3A_17 = arith.mulf %convert_element_type3A_9, %mul3A : vector<640x16xf32>
    %reduce_sum3A = arith.constant dense<0.000000e+00> : vector<640xf32>
    %reduce_sum3A_18 = vector.multi_reduction <add>, %mul3A_17, %reduce_sum3A [1] : vector<640x16xf32> to vector<640xf32>
    %broadcast_in_dim3A = vector.shape_cast %reduce_sum3A_18 : vector<640xf32> to vector<640x1xf32>
    %mul3A_19 = vector.broadcast %convert_element_type3A : vector<1x16xf32> to vector<640x16xf32>
    %mul3A_20 = arith.mulf %convert_element_type3A_16, %mul3A_19 : vector<640x16xf32>
    %reduce_sum3A_21 = arith.constant dense<0.000000e+00> : vector<640xf32>
    %reduce_sum3A_22 = vector.multi_reduction <add>, %mul3A_20, %reduce_sum3A_21 [1] : vector<640x16xf32> to vector<640xf32>
    %broadcast_in_dim3A_23 = vector.shape_cast %reduce_sum3A_22 : vector<640xf32> to vector<640x1xf32>
    %convert_element_type3A_24 = arith.fptosi %broadcast_in_dim3A : vector<640x1xf32> to vector<640x1xi32>
    %get3A_25 = arith.constant 0 : index
    %get3A_26 = arith.constant 0 : index
    %get3A_27 = vector.load %arg4[%get3A_25, %get3A_26] : memref<640x1xi32, #tpu.memory_space<vmem>>, vector<640x1xi32>
    %add3A = arith.addi %convert_element_type3A_24, %get3A_27 : vector<640x1xi32>
    %swap3A = arith.constant 0 : index
    %swap3A_28 = arith.constant 0 : index
    %swap3A_29 = vector.load %arg6[%swap3A, %swap3A_28] : memref<640x1xi32, #tpu.memory_space<vmem>>, vector<640x1xi32>
    tpu.vector_store %arg6[%swap3A, %swap3A_28], %add3A {strides = array<i32>} : memref<640x1xi32, #tpu.memory_space<vmem>>, vector<640x1xi32>,
    %convert_element_type3A_30 = arith.fptosi %broadcast_in_dim3A_23 : vector<640x1xf32> to vector<640x1xi32>
    %get3A_31 = arith.constant 0 : index
    %get3A_32 = arith.constant 0 : index
    %get3A_33 = vector.load %arg5[%get3A_31, %get3A_32] : memref<640x1xi32, #tpu.memory_space<vmem>>, vector<640x1xi32>
    %add3A_34 = arith.addi %convert_element_type3A_30, %get3A_33 : vector<640x1xi32>
    %swap3A_35 = arith.constant 0 : index
    %swap3A_36 = arith.constant 0 : index
    %swap3A_37 = vector.load %arg7[%swap3A_35, %swap3A_36] : memref<640x1xi32, #tpu.memory_space<vmem>>, vector<640x1xi32>
    tpu.vector_store %arg7[%swap3A_35, %swap3A_36], %add3A_34 {strides = array<i32>} : memref<640x1xi32, #tpu.memory_space<vmem>>, vector<640x1xi32>,
    return
  }
  func.func @transform_0(%arg0: i32) -> (i32, i32, i32) {
    %c0_i32 = arith.constant 0 : i32
    %c0_i32_0 = arith.constant 0 : i32
    %c0_i32_1 = arith.constant 0 : i32
    return %arg0, %c0_i32, %c0_i32_0 : i32, i32, i32
  }
  func.func @transform_1(%arg0: i32) -> (i32, i32) {
    %c0_i32 = arith.constant 0 : i32
    %c0_i32_0 = arith.constant 0 : i32
    return %arg0, %c0_i32 : i32, i32
  }
  func.func @transform_2(%arg0: i32) -> (i32, i32) {
    %c0_i32 = arith.constant 0 : i32
    %c0_i32_0 = arith.constant 0 : i32
    return %arg0, %c0_i32 : i32, i32
  }
  func.func @transform_3(%arg0: i32) -> (i32, i32) {
    %c0_i32 = arith.constant 0 : i32
    %c0_i32_0 = arith.constant 0 : i32
    return %arg0, %c0_i32 : i32, i32
  }
  func.func @transform_4(%arg0: i32) -> (i32, i32) {
    %c0_i32 = arith.constant 0 : i32
    %c0_i32_0 = arith.constant 0 : i32
    return %arg0, %c0_i32 : i32, i32
  }
  func.func @transform_5(%arg0: i32) -> (i32, i32) {
    %c0_i32 = arith.constant 0 : i32
    %c0_i32_0 = arith.constant 0 : i32
    return %arg0, %c0_i32 : i32, i32
  }
  func.func @transform_6(%arg0: i32) -> (i32, i32) {
    %c0_i32 = arith.constant 0 : i32
    %c0_i32_0 = arith.constant 0 : i32
    return %arg0, %c0_i32 : i32, i32
  }
}

module attributes {stable_mosaic.version = 14 : i64} {
  func.func @_expert_tc(%arg0: i32, %arg1: memref<96xi32, #tpu.memory_space<smem>>, %arg2: memref<512x128xf32, #tpu.memory_space<vmem>>, %arg3: memref<1x128x256xf32, #tpu.memory_space<vmem>>, %arg4: memref<1x1x256xf32, #tpu.memory_space<vmem>>, %arg5: memref<1x256x256xf32, #tpu.memory_space<vmem>>, %arg6: memref<1x1x256xf32, #tpu.memory_space<vmem>>, %arg7: memref<1x256x128xf32, #tpu.memory_space<vmem>>, %arg8: memref<1x1x128xf32, #tpu.memory_space<vmem>>, %arg9: memref<512x1xf32, #tpu.memory_space<vmem>>, %arg10: memref<512x128xf32, #tpu.memory_space<vmem>>) attributes {dimension_semantics = [#tpu.dimension_semantics<arbitrary>], iteration_bounds = array<i64: 90>, scalar_prefetch = 1 : i64, scratch_operands = 0 : i64, tpu.core_type = #tpu.core_type<tc>, window_params = [{transform_indices = @transform_0, window_bounds = array<i64: 512, 128>}, {transform_indices = @transform_1, window_bounds = array<i64: 1, 128, 256>}, {transform_indices = @transform_2, window_bounds = array<i64: 1, 1, 256>}, {transform_indices = @transform_3, window_bounds = array<i64: 1, 256, 256>}, {transform_indices = @transform_4, window_bounds = array<i64: 1, 1, 256>}, {transform_indices = @transform_5, window_bounds = array<i64: 1, 256, 128>}, {transform_indices = @transform_6, window_bounds = array<i64: 1, 1, 128>}, {transform_indices = @transform_7, window_bounds = array<i64: 512, 1>}, {transform_indices = @transform_8, window_bounds = array<i64: 512, 128>}]} {
    %get3A = arith.constant 0 : index
    %get3A_0 = arith.constant 0 : index
    %get3A_1 = vector.load %arg2[%get3A, %get3A_0] : memref<512x128xf32, #tpu.memory_space<vmem>>, vector<512x128xf32>
    %get3A_2 = arith.constant 0 : index
    %get3A_3 = arith.constant 0 : index
    %get3A_4 = arith.constant 0 : index
    %get3A_5 = vector.load %arg3[%get3A_2, %get3A_3, %get3A_4] : memref<1x128x256xf32, #tpu.memory_space<vmem>>, vector<1x128x256xf32>
    %get3A_6 = vector.shape_cast %get3A_5 : vector<1x128x256xf32> to vector<128x256xf32>
    %dot_general3A = arith.constant dense<0.000000e+00> : vector<512x256xf32>
    %dot_general3A_7 = tpu.matmul %get3A_1, %get3A_6, %dot_general3A {dimension_numbers = #tpu.dot_dimension_numbers<[1], [0], [0], [1], [0, 0, 1, 1], [], []>, transpose_lhs_hint = false} : vector<512x128xf32>, vector<128x256xf32>, vector<512x256xf32> -> vector<512x256xf32>
    %get3A_8 = arith.constant 0 : index
    %get3A_9 = arith.constant 0 : index
    %get3A_10 = arith.constant 0 : index
    %get3A_11 = vector.load %arg4[%get3A_8, %get3A_9, %get3A_10] : memref<1x1x256xf32, #tpu.memory_space<vmem>>, vector<1x1x256xf32>
    %get3A_12 = vector.shape_cast %get3A_11 : vector<1x1x256xf32> to vector<1x256xf32>
    %add3A = vector.broadcast %get3A_12 : vector<1x256xf32> to vector<512x256xf32>
    %add3A_13 = arith.addf %dot_general3A_7, %add3A : vector<512x256xf32>
    %max3A = arith.constant 0.000000e+00 : f32
    %max3A_14 = vector.broadcast %max3A : f32 to vector<512x256xf32>
    %max3A_15 = arith.maximumf %add3A_13, %max3A_14 : vector<512x256xf32>
    %get3A_16 = arith.constant 0 : index
    %get3A_17 = arith.constant 0 : index
    %get3A_18 = arith.constant 0 : index
    %get3A_19 = vector.load %arg5[%get3A_16, %get3A_17, %get3A_18] : memref<1x256x256xf32, #tpu.memory_space<vmem>>, vector<1x256x256xf32>
    %get3A_20 = vector.shape_cast %get3A_19 : vector<1x256x256xf32> to vector<256x256xf32>
    %dot_general3A_21 = arith.constant dense<0.000000e+00> : vector<512x256xf32>
    %dot_general3A_22 = tpu.matmul %max3A_15, %get3A_20, %dot_general3A_21 {dimension_numbers = #tpu.dot_dimension_numbers<[1], [0], [0], [1], [0, 0, 1, 1], [], []>, transpose_lhs_hint = false} : vector<512x256xf32>, vector<256x256xf32>, vector<512x256xf32> -> vector<512x256xf32>
    %get3A_23 = arith.constant 0 : index
    %get3A_24 = arith.constant 0 : index
    %get3A_25 = arith.constant 0 : index
    %get3A_26 = vector.load %arg6[%get3A_23, %get3A_24, %get3A_25] : memref<1x1x256xf32, #tpu.memory_space<vmem>>, vector<1x1x256xf32>
    %get3A_27 = vector.shape_cast %get3A_26 : vector<1x1x256xf32> to vector<1x256xf32>
    %add3A_28 = vector.broadcast %get3A_27 : vector<1x256xf32> to vector<512x256xf32>
    %add3A_29 = arith.addf %dot_general3A_22, %add3A_28 : vector<512x256xf32>
    %max3A_30 = arith.constant 0.000000e+00 : f32
    %max3A_31 = vector.broadcast %max3A_30 : f32 to vector<512x256xf32>
    %max3A_32 = arith.maximumf %add3A_29, %max3A_31 : vector<512x256xf32>
    %get3A_33 = arith.constant 0 : index
    %get3A_34 = arith.constant 0 : index
    %get3A_35 = arith.constant 0 : index
    %get3A_36 = vector.load %arg7[%get3A_33, %get3A_34, %get3A_35] : memref<1x256x128xf32, #tpu.memory_space<vmem>>, vector<1x256x128xf32>
    %get3A_37 = vector.shape_cast %get3A_36 : vector<1x256x128xf32> to vector<256x128xf32>
    %dot_general3A_38 = arith.constant dense<0.000000e+00> : vector<512x128xf32>
    %dot_general3A_39 = tpu.matmul %max3A_32, %get3A_37, %dot_general3A_38 {dimension_numbers = #tpu.dot_dimension_numbers<[1], [0], [0], [1], [0, 0, 1, 1], [], []>, transpose_lhs_hint = false} : vector<512x256xf32>, vector<256x128xf32>, vector<512x128xf32> -> vector<512x128xf32>
    %get3A_40 = arith.constant 0 : index
    %get3A_41 = arith.constant 0 : index
    %get3A_42 = arith.constant 0 : index
    %get3A_43 = vector.load %arg8[%get3A_40, %get3A_41, %get3A_42] : memref<1x1x128xf32, #tpu.memory_space<vmem>>, vector<1x1x128xf32>
    %get3A_44 = vector.shape_cast %get3A_43 : vector<1x1x128xf32> to vector<1x128xf32>
    %add3A_45 = vector.broadcast %get3A_44 : vector<1x128xf32> to vector<512x128xf32>
    %add3A_46 = arith.addf %dot_general3A_39, %add3A_45 : vector<512x128xf32>
    %get3A_47 = arith.constant 0 : index
    %get3A_48 = arith.constant 0 : index
    %get3A_49 = vector.load %arg9[%get3A_47, %get3A_48] : memref<512x1xf32, #tpu.memory_space<vmem>>, vector<512x1xf32>
    %mul3A = vector.broadcast %get3A_49 : vector<512x1xf32> to vector<512x128xf32>
    %mul3A_50 = arith.mulf %add3A_46, %mul3A : vector<512x128xf32>
    %swap3A = arith.constant 0 : index
    %swap3A_51 = arith.constant 0 : index
    %swap3A_52 = vector.load %arg10[%swap3A, %swap3A_51] : memref<512x128xf32, #tpu.memory_space<vmem>>, vector<512x128xf32>
    tpu.vector_store %arg10[%swap3A, %swap3A_51], %mul3A_50 {strides = array<i32>} : memref<512x128xf32, #tpu.memory_space<vmem>>, vector<512x128xf32>,
    return
  }
  func.func @transform_0(%arg0: i32, %arg1: memref<96xi32, #tpu.memory_space<smem>>) -> (i32, i32) {
    %c0_i32 = arith.constant 0 : i32
    %c0_i32_0 = arith.constant 0 : i32
    return %arg0, %c0_i32 : i32, i32
  }
  func.func @transform_1(%arg0: i32, %arg1: memref<96xi32, #tpu.memory_space<smem>>) -> (i32, i32, i32) {
    %get3A = arith.index_cast %arg0 : i32 to index
    %get3A_0 = memref.load %arg1[%get3A] : memref<96xi32, #tpu.memory_space<smem>>
    %c0_i32 = arith.constant 0 : i32
    %c0_i32_1 = arith.constant 0 : i32
    %c0_i32_2 = arith.constant 0 : i32
    return %get3A_0, %c0_i32, %c0_i32_1 : i32, i32, i32
  }
  func.func @transform_2(%arg0: i32, %arg1: memref<96xi32, #tpu.memory_space<smem>>) -> (i32, i32, i32) {
    %get3A = arith.index_cast %arg0 : i32 to index
    %get3A_0 = memref.load %arg1[%get3A] : memref<96xi32, #tpu.memory_space<smem>>
    %c0_i32 = arith.constant 0 : i32
    %c0_i32_1 = arith.constant 0 : i32
    %c0_i32_2 = arith.constant 0 : i32
    return %get3A_0, %c0_i32, %c0_i32_1 : i32, i32, i32
  }
  func.func @transform_3(%arg0: i32, %arg1: memref<96xi32, #tpu.memory_space<smem>>) -> (i32, i32, i32) {
    %get3A = arith.index_cast %arg0 : i32 to index
    %get3A_0 = memref.load %arg1[%get3A] : memref<96xi32, #tpu.memory_space<smem>>
    %c0_i32 = arith.constant 0 : i32
    %c0_i32_1 = arith.constant 0 : i32
    %c0_i32_2 = arith.constant 0 : i32
    return %get3A_0, %c0_i32, %c0_i32_1 : i32, i32, i32
  }
  func.func @transform_4(%arg0: i32, %arg1: memref<96xi32, #tpu.memory_space<smem>>) -> (i32, i32, i32) {
    %get3A = arith.index_cast %arg0 : i32 to index
    %get3A_0 = memref.load %arg1[%get3A] : memref<96xi32, #tpu.memory_space<smem>>
    %c0_i32 = arith.constant 0 : i32
    %c0_i32_1 = arith.constant 0 : i32
    %c0_i32_2 = arith.constant 0 : i32
    return %get3A_0, %c0_i32, %c0_i32_1 : i32, i32, i32
  }
  func.func @transform_5(%arg0: i32, %arg1: memref<96xi32, #tpu.memory_space<smem>>) -> (i32, i32, i32) {
    %get3A = arith.index_cast %arg0 : i32 to index
    %get3A_0 = memref.load %arg1[%get3A] : memref<96xi32, #tpu.memory_space<smem>>
    %c0_i32 = arith.constant 0 : i32
    %c0_i32_1 = arith.constant 0 : i32
    %c0_i32_2 = arith.constant 0 : i32
    return %get3A_0, %c0_i32, %c0_i32_1 : i32, i32, i32
  }
  func.func @transform_6(%arg0: i32, %arg1: memref<96xi32, #tpu.memory_space<smem>>) -> (i32, i32, i32) {
    %get3A = arith.index_cast %arg0 : i32 to index
    %get3A_0 = memref.load %arg1[%get3A] : memref<96xi32, #tpu.memory_space<smem>>
    %c0_i32 = arith.constant 0 : i32
    %c0_i32_1 = arith.constant 0 : i32
    %c0_i32_2 = arith.constant 0 : i32
    return %get3A_0, %c0_i32, %c0_i32_1 : i32, i32, i32
  }
  func.func @transform_7(%arg0: i32, %arg1: memref<96xi32, #tpu.memory_space<smem>>) -> (i32, i32) {
    %c0_i32 = arith.constant 0 : i32
    %c0_i32_0 = arith.constant 0 : i32
    return %arg0, %c0_i32 : i32, i32
  }
  func.func @transform_8(%arg0: i32, %arg1: memref<96xi32, #tpu.memory_space<smem>>) -> (i32, i32) {
    %c0_i32 = arith.constant 0 : i32
    %c0_i32_0 = arith.constant 0 : i32
    return %arg0, %c0_i32 : i32, i32
  }
}

</mosaic_0001>

<sc_bundles>
// kernel: kernel.12.cloned.1.call-start
scs
__scs_entry_jumppad:
0x0: {  	(pc) =	sbr.rel $0x88, $3  }
0x1: {  	(tag) =	ssettag $0x0;
	lr =	simm.s32 $0x1  }
0x2: {  	[smem:$0x3F96] =	sst lr;
	_ =	strace $0xD0000000  }
0x3: {  	_ = 	snop  }
0x4: {  	_ = 	snop  }
0x5: {  	_ = 	snop  }
0x6: {  	_ = 	snop  }
0x7: {  	_ = 	snop  }
__scs_overlays_trampoline_lowered:
0x8: {  	[smem:$0x3FA5] =	sst s0  }
0x9: {  	[smem:$0x3FA6] =	sst s1  }
0xa: {  	[smem:$0x3FA7] =	sst s2  }
0xb: {  	[smem:$0x3FA8] =	sst s3  }
0xc: {  	[smem:$0x3FA9] =	sst s4  }
0xd: {  	[smem:$0x3FAA] =	sst s5  }
0xe: {  	[smem:$0x3FAB] =	sst s6  }
0xf: {  	[smem:$0x3FAC] =	sst s7  }
0x10: {  	[smem:$0x3FAD] =	sst s8  }
0x11: {  	[smem:$0x3FAE] =	sst s9;
	s0 =	simm.s32 @!p0 $0x0  }
0x12: {  	s1 =	sld [smem:$0x3F94];
	s0 =	simm.s32 @p0 $0x1  }
0x13: {  	[smem:$0x3FAF] =	sst s0;
	s0 =	simm.s32 @!p1 $0x0  }
0x14: {  	s2 =	sld [smem:$0x3F93];
	s0 =	simm.s32 @p1 $0x1  }
0x15: {  	[smem:$0x3FB0] =	sst s0;
	s0 =	simm.s32 @!p2 $0x0  }
0x16: {  	s3 =	sld [smem:$0x3FDB];
	s0 =	simm.s32 @p2 $0x1  }
0x17: {  	s4 =	simm.s32 $0x1BF5;
	[smem:$0x3FB2] =	sst s0  }
0x18: {  	s0 =	sld [smem:$0x3F95];
	_ =	swait.ge [sflag:s4], $0x0  }
0x19: {  	s7 =	sld [smem:$0x3F96]  }
0x1a: {  	s8 =	sadd.s32 $0xFFFFE003, lr  }
0x1b: {  	s9 =	sadd.s32 $0xFFFFFEF7, lr;
	s5 =	simm.s32 $0xFFFFFFFF;
	p2 =	slt.u32 s8, $0xFFFFF086  }
0x1c: {  	p1 =	slt.u32 s9, $0xF7A;
	s5 =	simm.s32 @!p2 $0x0  }
0x1d: {  	s5 =	simm.s32 @p1 $0x1;
	p0 =	seq.s32 s7, s2  }
0x1e: {  	s7 =	smul.u32 @!p0 $0xF7A, s2;
	p2 =	seq.s32 @!p0 s5, $0x0  }
0x1f: {  	s9 =	smul.u32 $0xF7A, s1;
	s8 =	simm.s32 @!p0 $0x1BF5;
	p2 =	por !p2, p0  }
0x20: {  	[sflag:s8] =	ssyncset.s32 @!p0 $0xFFFFF086;
	s6 =	sadd.s32 @!p0 s3, s7;
	s7 =	simm.s32 @!p0 $0x108  }
0x21: {  	s3 =	sadd.s32 s3, s9;
	s6 =	sadd.s32 @!p0 $0x88, s6;
	s7 =	simm.s32 @p2 $0x1082  }
0x22: {  	[simem:s7], [sflag:s8] =	dma.local @!p0 [hbm:s6], $0xF7A  }
0x23: {  	s9 =	sor.u32 $0xD0000000, s2;
	s6 =	simm.s32 $0x108;
	_ =	swait.ge @!p0 [sflag:s8], $0x0  }
0x24: {  	s3 =	sadd.s32 $0x88, s3;
	s6 =	simm.s32 @!p1 $0x1082;
	[sflag:s4] =	ssyncset.s32 $0xFFFFF086  }
0x25: {  	[simem:s6], [sflag:s4] =	dma.local [hbm:s3], $0xF7A  }
0x26: {  	[smem:$0x3F96] =	sst s1;
	(tag) =	ssettag s2;
	_ =	strace s9  }
0x27: {  	s1 =	sld [smem:$0x3FA6]  }
0x28: {  	s2 =	sld [smem:$0x3FA7]  }
0x29: {  	s4 =	sld [smem:$0x3FA9]  }
0x2a: {  	p0 =	seq.s32 s5, $0x0;
	s5 =	sld [smem:$0x3FAA]  }
0x2b: {  	s6 =	sld [smem:$0x3FAB]  }
0x2c: {  	s7 =	sld [smem:$0x3FAC]  }
0x2d: {  	s3 =	simm.s32 $0x108;
	s8 =	sld [smem:$0x3FAD]  }
0x2e: {  	s3 =	simm.s32 @!p0 $0x1082;
	s9 =	sld [smem:$0x3FAE]  }
0x2f: {  	lr =	sadd.s32 s0, s3;
	s0 =	sld [smem:$0x3FA5]  }
0x30: {  	s3 =	sld [smem:$0x3FA8]  }
0x31: {  	[smem:$0x3FB1] =	sst s10  }
0x32: {  	s10 =	sld [smem:$0x3FAF];
	_ =	sdelay $0x3  }
0x33: {  	p0 =	seq.s32 s10, $0x1;
	s10 =	sld [smem:$0x3FB1];
	_ =	sdelay $0x3  }
0x34: {  	[smem:$0x3FB1] =	sst s10  }
0x35: {  	s10 =	sld [smem:$0x3FB0];
	_ =	sdelay $0x3  }
0x36: {  	p1 =	seq.s32 s10, $0x1;
	s10 =	sld [smem:$0x3FB1];
	_ =	sdelay $0x3  }
0x37: {  	[smem:$0x3FB1] =	sst s10  }
0x38: {  	s10 =	sld [smem:$0x3FB2]  }
0x39: {  	_ = 	snop;
	(pc) =	sbr.ind lr, $3  }
0x3a: {  	_ = 	snop  }
0x3b: {  	_ = 	snop  }
0x3c: {  	p2 =	seq.s32 s10, $0x1;
	s10 =	sld [smem:$0x3FB1]  }
0x3d: {  	_ =	shalt  }
0x3e: {  	_ =	shalt  }
0x3f: {  	_ =	shalt  }
0x40: {  	_ =	shalt  }
0x41: {  	_ =	shalt  }
0x42: {  	_ =	shalt  }
0x43: {  	_ =	shalt  }
0x44: {  	_ =	shalt  }
0x45: {  	_ =	shalt  }
0x46: {  	_ =	shalt  }
0x47: {  	_ =	shalt  }
0x48: {  	_ =	shalt  }
0x49: {  	_ =	shalt  }
0x4a: {  	_ =	shalt  }
0x4b: {  	_ =	shalt  }
0x4c: {  	_ =	shalt  }
0x4d: {  	_ =	shalt  }
0x4e: {  	_ =	shalt  }
0x4f: {  	_ =	shalt  }
0x50: {  	_ =	shalt  }
0x51: {  	_ =	shalt  }
0x52: {  	_ =	shalt  }
0x53: {  	_ =	shalt  }
0x54: {  	_ =	shalt  }
0x55: {  	_ =	shalt  }
0x56: {  	_ =	shalt  }
0x57: {  	_ =	shalt  }
0x58: {  	_ =	shalt  }
0x59: {  	_ =	shalt  }
0x5a: {  	_ =	shalt  }
0x5b: {  	_ =	shalt  }
0x5c: {  	_ =	shalt  }
0x5d: {  	_ =	shalt  }
0x5e: {  	_ =	shalt  }
0x5f: {  	_ =	shalt  }
0x60: {  	_ =	shalt  }
0x61: {  	_ =	shalt  }
0x62: {  	_ =	shalt  }
0x63: {  	_ =	shalt  }
0x64: {  	_ =	shalt  }
0x65: {  	_ =	shalt  }
0x66: {  	_ =	shalt  }
0x67: {  	_ =	shalt  }
0x68: {  	_ =	shalt  }
0x69: {  	_ =	shalt  }
0x6a: {  	_ =	shalt  }
0x6b: {  	_ =	shalt  }
0x6c: {  	_ =	shalt  }
0x6d: {  	_ =	shalt  }
0x6e: {  	_ =	shalt  }
0x6f: {  	_ =	shalt  }
0x70: {  	_ =	shalt  }
0x71: {  	_ =	shalt  }
0x72: {  	_ =	shalt  }
0x73: {  	_ =	shalt  }
0x74: {  	_ =	shalt  }
0x75: {  	_ =	shalt  }
0x76: {  	_ =	shalt  }
0x77: {  	_ =	shalt  }
0x78: {  	_ =	shalt  }
0x79: {  	_ =	shalt  }
0x7a: {  	_ =	shalt  }
0x7b: {  	_ =	shalt  }
0x7c: {  	_ =	shalt  }
0x7d: {  	_ =	shalt  }
0x7e: {  	_ =	shalt  }
0x7f: {  	_ =	shalt  }
0x80: {  	_ =	shalt  }
0x81: {  	_ =	shalt  }
0x82: {  	_ =	shalt  }
0x83: {  	_ =	shalt  }
0x84: {  	_ =	shalt  }
0x85: {  	_ =	shalt  }
0x86: {  	_ =	shalt  }
0x87: {  	_ =	shalt  }
.Lfunc_end0:
.L_simem_size_0:
called_computation.1_lowered:
.L_overlay_start_0:
0x88: {  	s2 =	sld [smem:$0x3FD9]  }
0x89: {  	s3 =	sld [smem:$0x3FFE];
	_ =	sdelay $0x1  }
0x8a: {  	s1 =	srdreg.scid  }
0x8b: {  	s0 =	sand.u32 $0x1, s1  }
0x8c: {  	s17 =	sshll.u32 s0, $0xA;
	s2 =	sadd.s32 s3, s2  }
0x8d: {  	s2 =	sadd.s32 s2, s17  }
0x8e: {  	[smem:$0x3FBD] =	sst s2  }
0x8f: {  	_ = 	snop  }
0x90: {  	s2 =	sld [smem:$0x3FC9]  }
0x91: {  	s18 =	sld [smem:$0x3FD0];
	(tm) =	ssettm $0x1  }
0x92: {  	s4 =	sld [smem:$0x3FFB];
	_ =	sdelay $0x3  }
0x93: {  	_ =	strace s4  }
0x94: {  	s4 =	sld [smem:$0x3FFC];
	_ =	sdelay $0x3  }
0x95: {  	_ =	strace s4  }
0x96: {  	s4 =	sld [smem:$0x3FFD];
	_ =	sdelay $0x3  }
0x97: {  	_ =	strace s4  }
0x98: {  	_ =	strace $0x8FFFFFFF  }
0x99: {  	s19 =	sld [smem:$0x3FDB];
	_ =	sdelay $0x1  }
0x9a: {  	s5 =	simm.s32 $_scs_section_size  }
0x9b: {  	s6 =	simm.s32 $_size__tile_overlayer_lowered;
	s7 =	simm.s32 $_tile_overlayer_lowered  }
0x9c: {  	s22 =	simm.s32 $0x1BFF;
	s21 =	sshll.u32 s7, $0x1;
	s4 =	sadd.s32 s5, s19  }
0x9d: {  	s8 =	simm.s32 $0x0;
	s20 =	sshll.u32 s6, $0x1;
	s6 =	sadd.s32 s21, s4  }
0x9e: {  	[timem:s8], [sflag:s22] =	dma.local [hbm:s6], s20  }
0x9f: {  	_ =	swait.ge [sflag:s22], s20  }
0xa0: {  	s5 =	ssub.s32 $0x0, s20;
	[sflag:s22] =	ssyncset.done $0x0  }
0xa1: {  	[sflag:s22] =	ssyncadd.s32 s5;
	_ =	sdelay $0x1  }
0xa2: {  	s23 =	simm.s32 $0x1B8B  }
0xa3: {  	_ =	swait.ge [sflag:s23], $0x1  }
0xa4: {  	[sflag:s23] =	ssyncset.done $0x0  }
0xa5: {  	s25 =	simm.s32 $0x1B8E;
	s24 =	sld [smem:$0x3FFE];
	[sflag:s23] =	ssyncadd.s32 $0xFFFFFFFF  }
0xa6: {  	s26 =	simm.s32 $execute0_lowered;
	[smem:$0x3FD2] =	sst s25  }
0xa7: {  	s6 =	sshll.u32 s26, $0x1;
	_ =	strace $0x80000049;
	[dreg:$0x1] =	wrdreg $0xFFFFFFFF  }
0xa8: {  	s28 =	simm.s32 $_size_execute0_lowered;
	s4 =	sadd.s32 s4, s6;
	[dreg:$0x0] =	wrdreg $0x0  }
0xa9: {  	s6 =	sshll.u32 s28, $0x1;
	[dreg:$0x2] =	wrdreg s4  }
0xaa: {  	[dreg:$0x3] =	wrdreg s6  }
0xab: {  	[dreg:$0x4] =	wrdreg $0xC0  }
0xac: {  	_ =	task [dreg:s8], $0x5FFFF  }
0xad: {  	[dreg:$0x1] =	wrdreg $0xFFFFFFFF  }
0xae: {  	[dreg:$0x0] =	wrdreg $0x60  }
0xaf: {  	[dreg:$0x2] =	wrdreg s18  }
0xb0: {  	[dreg:$0x3] =	wrdreg s2  }
0xb1: {  	[dreg:$0x4] =	wrdreg s24  }
0xb2: {  	[dreg:$0x5] =	wrdreg $0x9  }
0xb3: {  	_ =	task.clear_ibuf [dreg:s8], $0x6FFFF;
	_ =	strace $0x90000049  }
0xb4: {  	s29 =	simm.s32 $0x9;
	_ =	strace $0x8000004B  }
0xb5: {  	_ =	swait.ge [sflag:s29], $0x1  }
0xb6: {  	[sflag:s29] =	ssyncadd.s32 $0xFFFFFFFF  }
0xb7: {  	_ =	strace $0x9000004B  }
0xb8: {  	_ =	sfence  }
0xb9: {  	s30 =	sld [smem:$0x0];
	_ =	sdelay $0x2  }
0xba: {  	s31 =	sshll.u32 s1, $0xD;
	s1 =	sshrl.u32 s1, $0x2  }
0xbb: {  	s3 =	sand.u32 $0x4000, s31;
	s1 =	sadd.s32 s1, s30  }
0xbc: {  	s0 =	sor.u32 s3, s0;
	s1 =	sshll.u32 s1, $0x11  }
0xbd: {  	s0 =	sor.u32 s1, s0  }
0xbe: {  	s0 =	sadd.s32 $0x8F2B, s0  }
0xbf: {  	[sflag:s0] =	ssyncadd.remote.s32 $0x1  }
0xc0: {  	_ =	sfence.sel $0xFFFF  }
0xc1: {  	[dreg:$0x0] =	wrdreg $0xFFFFFFFF;
	(pc) =	sbr.abs _section_cstart, $3  }
0xc2: {  	[dreg:$0x1] =	wrdreg $0xFFFFFFFF  }
0xc3: {  	_ =	task.clear_ibuf [dreg:s8], $0x2FFFF;
	_ =	strace $0x9FFFFFFF  }
0xc4: {  	(tm) =	ssettm $0x7FFFFFFF  }
0xc5: {  	_ =	shalt  }
tec
execute0_lowered:
.L_overlay_start_1:
0x0: {  	(tag) =	ssettag $0x1  }
0x1: {  	s4 =	rddreg [dreg:$0x0]  }
0x2: {  	s2 =	rddreg [dreg:$0x1];
	s1 =	srdreg.scid  }
0x3: {  	s0 =	stileid.u32;
	s5 =	rddreg [dreg:$0x2]  }
0x4: {  	s3 =	simm.s32 $0x0;
	s12 =	simm.s32 $0x20;
	s13 =	simm.s32 $0x580  }
0x5: {  	s14 =	simm.s32 $0x0;
	s6 =	sand.u32 $0x1, s1;
	s1 =	rddreg [dreg:$0x3]  }
0x6: {  	s7 =	sshll.u32 s0, $0x1;
	[smem:$0x7FF] =	sst s3;
	s9 =	smul.u32 $0x5A000, s0  }
0x7: {  	s7 =	sor.u32 s6, s7;
	s29 =	ssub.s32 $0x2, s6;
	s6 =	smul.u32 $0x2D000, s6  }
0x8: {  	s10 =	sadd.s32 $0x7600, s5;
	s8 =	smul.u32 $0x2D000, s7;
	s11 =	sshrl.u32 s29, $0x1  }
0x9: {  	_ =	strace $0x8000004A;
	s7 =	smul.u32 $0xB4, s7;
	s11 =	ssub.s32 s29, s11  }
0xa: {  	s6 =	sadd.s32 s6, s9;
	s9 =	simm.s32 $0x80;
	s8 =	sshrl.u32 s8, $0x3  }
0xb: {  	s4 =	sadd.s32 s4, s7;
	s31 =	sshrl.u32 s6, $0x3;
	s6 =	smax.u32 s11, $0x1  }
0xc: {  	s11 =	simm.s32 $0x1;
	s30 =	sadd.s32 s10, s8;
	s7 =	sadd.s32 s31, s10  }
0xd: {  	s8 =	simm.s32 $0x2;
	s10 =	simm.s32 $0x600;
	s5 =	sadd.s32 $0x5800, s30  }
.LBB2_1:
0xe: {  	[tilespmem:s3], [sflag:$0x2] =	stream.linear.gather [hbm4b:s4+s3], $0x5A0, $0x38;
	[tilespmem:$0x4600] =	vst v63  }
0xf: {  	_ =	swait.ge [sflag:s8], $0x5A0  }
0x10: {  	[sflag:s8] =	ssyncset.done $0x0  }
0x11: {  	s15 =	simm.s32 $0x0;
	s16 =	simm.s32 $0x40;
	[sflag:s8] =	ssyncadd.s32 $0xFFFFFA60  }
.LBB2_2:
0x12: {  	p0 =	sne.s32 s16, $0x1640;
	v0 =	vld [tilespmem:s15+$0x0];
	_ =	sdelay $0x3  }
.Ltmp0:
0x13: {  	(pc) =	sbr.rel @p0 .LBB2_2-.Ltmp0, $4  }
0x14: {  	vm0 =	vgt.s32 v0, $0x0  }
0x15: {  	v0 =	vnsel vm0, $0x0, v0  }
0x16: {  	v0 =	vmin.u32 v0, $0x4E1F  }
0x17: {  	[tilespmem:s15+$0x0] =	vst v0;
	s15 =	sshra.s32 s16, $0x2;
	s16 =	sadd.s32 $0x40, s16  }
0x18: {  	v0 =	vld [tilespmem:s15+$0x0];
	_ =	sdelay $0x4  }
0x19: {  	vm0 =	vgt.s32 v0, $0x0  }
0x1a: {  	v0 =	vnsel vm0, $0x0, v0  }
0x1b: {  	v0 =	vmin.u32 v0, $0x4E1F  }
0x1c: {  	s31 =	simm.s32 $0x0;
	[tilespmem:s15+$0x0] =	vst v0  }
0x1d: {  	[tilespmem:s10], [sflag:$0x1] =	stream.indirect.gather [hbm4b:s2+s9], $0x80, s31, s9, $0xb8;
	[tilespmem:$0x4600] =	vst v63  }
0x1e: {  	_ =	swait.ge [sflag:s11], $0x4000  }
0x1f: {  	[sflag:s11] =	ssyncset.done $0x0  }
0x20: {  	[sflag:s11] =	ssyncadd.s32 $0xFFFFC000  }
0x21: {  	[hbm4b:s7+s3] =	stream.linear.scatter [tilespmem:s10], [sflag:$0x2], $0x4000, $0x38;
	[tilespmem:$0x4600] =	vst v63  }
0x22: {  	s16 =	simm.s32 $0x200;
	_ =	swait.ge [sflag:s8], $0x4000  }
0x23: {  	s17 =	simm.s32 $0x400;
	s15 =	sadd.s32 $0x800, s7;
	[sflag:s8] =	ssyncset.done $0x0  }
.LBB2_4:
0x24: {  	s18 =	sshra.s32 s16, $0x2  }
0x25: {  	[sflag:s8] =	ssyncadd.s32 $0xFFFFC000;
	s16 =	smov.u32 s17;
	s19 =	sadd.s32 $0x200, s17  }
0x26: {  	[tilespmem:s10], [sflag:$0x1] =	stream.indirect.gather [hbm4b:s2+s9], $0x80, s18, s9, $0xb8;
	[tilespmem:$0x4600] =	vst v63  }
0x27: {  	p0 =	sne.s32 s17, $0x1400;
	_ =	swait.ge [sflag:s11], $0x4000  }
.Ltmp1:
0x28: {  	[sflag:s11] =	ssyncset.done $0x0;
	(pc) =	sbr.rel @p0 .LBB2_4-.Ltmp1, $4  }
0x29: {  	[sflag:s11] =	ssyncadd.s32 $0xFFFFC000  }
0x2a: {  	[hbm4b:s15+s3] =	stream.linear.scatter [tilespmem:s10], [sflag:$0x2], $0x4000, $0x38;
	[tilespmem:$0x4600] =	vst v63  }
0x2b: {  	_ =	swait.ge [sflag:s8], $0x4000  }
0x2c: {  	s17 =	smov.u32 s19;
	s15 =	sadd.s32 $0x800, s15;
	[sflag:s8] =	ssyncset.done $0x0  }
0x2d: {  	s16 =	sshra.s32 s16, $0x2;
	[sflag:s8] =	ssyncadd.s32 $0xFFFFC000  }
0x2e: {  	[tilespmem:s10], [sflag:$0x1] =	stream.indirect.gather [hbm4b:s2+s9], $0x80, s16, s9, $0xb8;
	[tilespmem:$0x4600] =	vst v63  }
0x2f: {  	_ =	swait.ge [sflag:s11], $0x4000  }
0x30: {  	[sflag:s11] =	ssyncset.done $0x0  }
0x31: {  	[sflag:s11] =	ssyncadd.s32 $0xFFFFC000  }
0x32: {  	[hbm4b:s15+s3] =	stream.linear.scatter [tilespmem:s10], [sflag:$0x2], $0x4000, $0x38;
	[tilespmem:$0x4600] =	vst v63  }
0x33: {  	_ =	swait.ge [sflag:s8], $0x4000  }
0x34: {  	[sflag:s8] =	ssyncset.done $0x0  }
0x35: {  	[sflag:s8] =	ssyncadd.s32 $0xFFFFC000  }
0x36: {  	[tilespmem:s10], [sflag:$0x1] =	stream.indirect.gather [hbm4b:s2+s12], $0x80, s13, s12, $0xb8;
	[tilespmem:$0x4600] =	vst v63  }
0x37: {  	s14 =	sadd.s32 $0x1, s14;
	_ =	swait.ge [sflag:s11], $0x1000  }
0x38: {  	p0 =	sne.s32 s14, s6;
	[sflag:s11] =	ssyncset.done $0x0  }
.Ltmp2:
0x39: {  	[sflag:s11] =	ssyncadd.s32 $0xFFFFF000;
	(pc) =	sbr.rel @p0 .LBB2_1-.Ltmp2, $4  }
0x3a: {  	[hbm4b:s5+s3] =	stream.linear.scatter [tilespmem:s10], [sflag:$0x2], $0x1000, $0x38;
	[tilespmem:$0x4600] =	vst v63  }
0x3b: {  	_ =	swait.ge [sflag:s8], $0x1000  }
0x3c: {  	[sflag:s8] =	ssyncset.done $0x0  }
0x3d: {  	[sflag:s8] =	ssyncadd.s32 $0xFFFFF000  }
0x3e: {  	_ =	sfence.sel $0x180000  }
0x3f: {  	[bflag:$0x0] =	sbarrier.arrive $0xFFFF  }
0x40: {  	p0 =	sne.s32 s0, $0x0;
	_ =	strace $0x9000004A  }
0x41: {  	s0 =	sadd.s32 @!p0 $0x100000, s1;
	[bflag:$0x2] =	sbarrier.arrive $0xFFFF  }
0x42: {  	[sflag:s0] =	ssyncadd.tile.s32 @!p0 $0x1;
	_ =	shalt  }
.Lfunc_end2:
_tile_overlayer_lowered:
.L_overlay_start_2:
0x43: {  	(tag) =	ssettag $0x2  }
0x44: {  	s0 =	rddreg [dreg:$0x0];
	s2 =	stileid.u32  }
0x45: {  	s1 =	rddreg [dreg:$0x1];
	p0 =	sne.s32 s2, $0x0  }
0x46: {  	s3 =	rddreg [dreg:$0x2];
	[bflag:$0x3] =	sbarrier.arrive $0xFFFF;
	s2 =	simm.s32 @!p0 $0x1C02  }
0x47: {  	[timem:s3], [sflag:s2] =	dma.local @!p0 [hbm:s0], s1  }
0x48: {  	s0 =	simm.s32 @!p0 $0x2  }
0x49: {  	_ =	swait.ge @!p0 [sflag:s0], s1  }
0x4a: {  	s1 =	ssub.s32 @!p0 $0x0, s1;
	[sflag:s0] =	ssyncset.done @!p0 $0x0  }
0x4b: {  	[sflag:s0] =	ssyncadd.s32 @!p0 s1  }
0x4c: {  	[bflag:$0x3] =	sbarrier.arrive $0xFFFF  }
0x4d: {  	_ =	shalt  }

// kernel: kernel.15.cloned.1.call-start
scs
__scs_entry_jumppad:
0x0: {  	(pc) =	sbr.rel $0x88, $3  }
0x1: {  	(tag) =	ssettag $0x0;
	lr =	simm.s32 $0x1  }
0x2: {  	[smem:$0x3F96] =	sst lr;
	_ =	strace $0xD0000000  }
0x3: {  	_ = 	snop  }
0x4: {  	_ = 	snop  }
0x5: {  	_ = 	snop  }
0x6: {  	_ = 	snop  }
0x7: {  	_ = 	snop  }
__scs_overlays_trampoline_lowered:
0x8: {  	[smem:$0x3FA5] =	sst s0  }
0x9: {  	[smem:$0x3FA6] =	sst s1  }
0xa: {  	[smem:$0x3FA7] =	sst s2  }
0xb: {  	[smem:$0x3FA8] =	sst s3  }
0xc: {  	[smem:$0x3FA9] =	sst s4  }
0xd: {  	[smem:$0x3FAA] =	sst s5  }
0xe: {  	[smem:$0x3FAB] =	sst s6  }
0xf: {  	[smem:$0x3FAC] =	sst s7  }
0x10: {  	[smem:$0x3FAD] =	sst s8  }
0x11: {  	[smem:$0x3FAE] =	sst s9;
	s0 =	simm.s32 @!p0 $0x0  }
0x12: {  	s1 =	sld [smem:$0x3F94];
	s0 =	simm.s32 @p0 $0x1  }
0x13: {  	[smem:$0x3FAF] =	sst s0;
	s0 =	simm.s32 @!p1 $0x0  }
0x14: {  	s2 =	sld [smem:$0x3F93];
	s0 =	simm.s32 @p1 $0x1  }
0x15: {  	[smem:$0x3FB0] =	sst s0;
	s0 =	simm.s32 @!p2 $0x0  }
0x16: {  	s3 =	sld [smem:$0x3FDB];
	s0 =	simm.s32 @p2 $0x1  }
0x17: {  	s4 =	simm.s32 $0x1BF5;
	[smem:$0x3FB2] =	sst s0  }
0x18: {  	s0 =	sld [smem:$0x3F95];
	_ =	swait.ge [sflag:s4], $0x0  }
0x19: {  	s7 =	sld [smem:$0x3F96]  }
0x1a: {  	s8 =	sadd.s32 $0xFFFFE003, lr  }
0x1b: {  	s9 =	sadd.s32 $0xFFFFFEF7, lr;
	s5 =	simm.s32 $0xFFFFFFFF;
	p2 =	slt.u32 s8, $0xFFFFF086  }
0x1c: {  	p1 =	slt.u32 s9, $0xF7A;
	s5 =	simm.s32 @!p2 $0x0  }
0x1d: {  	s5 =	simm.s32 @p1 $0x1;
	p0 =	seq.s32 s7, s2  }
0x1e: {  	s7 =	smul.u32 @!p0 $0xF7A, s2;
	p2 =	seq.s32 @!p0 s5, $0x0  }
0x1f: {  	s9 =	smul.u32 $0xF7A, s1;
	s8 =	simm.s32 @!p0 $0x1BF5;
	p2 =	por !p2, p0  }
0x20: {  	[sflag:s8] =	ssyncset.s32 @!p0 $0xFFFFF086;
	s6 =	sadd.s32 @!p0 s3, s7;
	s7 =	simm.s32 @!p0 $0x108  }
0x21: {  	s3 =	sadd.s32 s3, s9;
	s6 =	sadd.s32 @!p0 $0x88, s6;
	s7 =	simm.s32 @p2 $0x1082  }
0x22: {  	[simem:s7], [sflag:s8] =	dma.local @!p0 [hbm:s6], $0xF7A  }
0x23: {  	s9 =	sor.u32 $0xD0000000, s2;
	s6 =	simm.s32 $0x108;
	_ =	swait.ge @!p0 [sflag:s8], $0x0  }
0x24: {  	s3 =	sadd.s32 $0x88, s3;
	s6 =	simm.s32 @!p1 $0x1082;
	[sflag:s4] =	ssyncset.s32 $0xFFFFF086  }
0x25: {  	[simem:s6], [sflag:s4] =	dma.local [hbm:s3], $0xF7A  }
0x26: {  	[smem:$0x3F96] =	sst s1;
	(tag) =	ssettag s2;
	_ =	strace s9  }
0x27: {  	s1 =	sld [smem:$0x3FA6]  }
0x28: {  	s2 =	sld [smem:$0x3FA7]  }
0x29: {  	s4 =	sld [smem:$0x3FA9]  }
0x2a: {  	p0 =	seq.s32 s5, $0x0;
	s5 =	sld [smem:$0x3FAA]  }
0x2b: {  	s6 =	sld [smem:$0x3FAB]  }
0x2c: {  	s7 =	sld [smem:$0x3FAC]  }
0x2d: {  	s3 =	simm.s32 $0x108;
	s8 =	sld [smem:$0x3FAD]  }
0x2e: {  	s3 =	simm.s32 @!p0 $0x1082;
	s9 =	sld [smem:$0x3FAE]  }
0x2f: {  	lr =	sadd.s32 s0, s3;
	s0 =	sld [smem:$0x3FA5]  }
0x30: {  	s3 =	sld [smem:$0x3FA8]  }
0x31: {  	[smem:$0x3FB1] =	sst s10  }
0x32: {  	s10 =	sld [smem:$0x3FAF];
	_ =	sdelay $0x3  }
0x33: {  	p0 =	seq.s32 s10, $0x1;
	s10 =	sld [smem:$0x3FB1];
	_ =	sdelay $0x3  }
0x34: {  	[smem:$0x3FB1] =	sst s10  }
0x35: {  	s10 =	sld [smem:$0x3FB0];
	_ =	sdelay $0x3  }
0x36: {  	p1 =	seq.s32 s10, $0x1;
	s10 =	sld [smem:$0x3FB1];
	_ =	sdelay $0x3  }
0x37: {  	[smem:$0x3FB1] =	sst s10  }
0x38: {  	s10 =	sld [smem:$0x3FB2]  }
0x39: {  	_ = 	snop;
	(pc) =	sbr.ind lr, $3  }
0x3a: {  	_ = 	snop  }
0x3b: {  	_ = 	snop  }
0x3c: {  	p2 =	seq.s32 s10, $0x1;
	s10 =	sld [smem:$0x3FB1]  }
0x3d: {  	_ =	shalt  }
0x3e: {  	_ =	shalt  }
0x3f: {  	_ =	shalt  }
0x40: {  	_ =	shalt  }
0x41: {  	_ =	shalt  }
0x42: {  	_ =	shalt  }
0x43: {  	_ =	shalt  }
0x44: {  	_ =	shalt  }
0x45: {  	_ =	shalt  }
0x46: {  	_ =	shalt  }
0x47: {  	_ =	shalt  }
0x48: {  	_ =	shalt  }
0x49: {  	_ =	shalt  }
0x4a: {  	_ =	shalt  }
0x4b: {  	_ =	shalt  }
0x4c: {  	_ =	shalt  }
0x4d: {  	_ =	shalt  }
0x4e: {  	_ =	shalt  }
0x4f: {  	_ =	shalt  }
0x50: {  	_ =	shalt  }
0x51: {  	_ =	shalt  }
0x52: {  	_ =	shalt  }
0x53: {  	_ =	shalt  }
0x54: {  	_ =	shalt  }
0x55: {  	_ =	shalt  }
0x56: {  	_ =	shalt  }
0x57: {  	_ =	shalt  }
0x58: {  	_ =	shalt  }
0x59: {  	_ =	shalt  }
0x5a: {  	_ =	shalt  }
0x5b: {  	_ =	shalt  }
0x5c: {  	_ =	shalt  }
0x5d: {  	_ =	shalt  }
0x5e: {  	_ =	shalt  }
0x5f: {  	_ =	shalt  }
0x60: {  	_ =	shalt  }
0x61: {  	_ =	shalt  }
0x62: {  	_ =	shalt  }
0x63: {  	_ =	shalt  }
0x64: {  	_ =	shalt  }
0x65: {  	_ =	shalt  }
0x66: {  	_ =	shalt  }
0x67: {  	_ =	shalt  }
0x68: {  	_ =	shalt  }
0x69: {  	_ =	shalt  }
0x6a: {  	_ =	shalt  }
0x6b: {  	_ =	shalt  }
0x6c: {  	_ =	shalt  }
0x6d: {  	_ =	shalt  }
0x6e: {  	_ =	shalt  }
0x6f: {  	_ =	shalt  }
0x70: {  	_ =	shalt  }
0x71: {  	_ =	shalt  }
0x72: {  	_ =	shalt  }
0x73: {  	_ =	shalt  }
0x74: {  	_ =	shalt  }
0x75: {  	_ =	shalt  }
0x76: {  	_ =	shalt  }
0x77: {  	_ =	shalt  }
0x78: {  	_ =	shalt  }
0x79: {  	_ =	shalt  }
0x7a: {  	_ =	shalt  }
0x7b: {  	_ =	shalt  }
0x7c: {  	_ =	shalt  }
0x7d: {  	_ =	shalt  }
0x7e: {  	_ =	shalt  }
0x7f: {  	_ =	shalt  }
0x80: {  	_ =	shalt  }
0x81: {  	_ =	shalt  }
0x82: {  	_ =	shalt  }
0x83: {  	_ =	shalt  }
0x84: {  	_ =	shalt  }
0x85: {  	_ =	shalt  }
0x86: {  	_ =	shalt  }
0x87: {  	_ =	shalt  }
.Lfunc_end0:
.L_simem_size_0:
called_computation.2_lowered:
.L_overlay_start_0:
0x88: {  	s2 =	sld [smem:$0x3FD9]  }
0x89: {  	s3 =	sld [smem:$0x3FFE];
	_ =	sdelay $0x1  }
0x8a: {  	s1 =	srdreg.scid  }
0x8b: {  	s0 =	sand.u32 $0x1, s1  }
0x8c: {  	s17 =	sshll.u32 s0, $0xA;
	s2 =	sadd.s32 s3, s2  }
0x8d: {  	s2 =	sadd.s32 s2, s17  }
0x8e: {  	[smem:$0x3FBD] =	sst s2  }
0x8f: {  	_ = 	snop  }
0x90: {  	s2 =	sld [smem:$0x3FD0];
	(tm) =	ssettm $0x1  }
0x91: {  	s18 =	sld [smem:$0x3FFB];
	_ =	sdelay $0x3  }
0x92: {  	_ =	strace s18  }
0x93: {  	s3 =	sld [smem:$0x3FFC];
	_ =	sdelay $0x3  }
0x94: {  	_ =	strace s3  }
0x95: {  	s3 =	sld [smem:$0x3FFD];
	_ =	sdelay $0x3  }
0x96: {  	_ =	strace s3  }
0x97: {  	_ =	strace $0x8FFFFFFF  }
0x98: {  	s19 =	sld [smem:$0x3FDB];
	_ =	sdelay $0x1  }
0x99: {  	s4 =	simm.s32 $_scs_section_size  }
0x9a: {  	s5 =	simm.s32 $_size__tile_overlayer_lowered;
	s6 =	simm.s32 $_tile_overlayer_lowered  }
0x9b: {  	s22 =	simm.s32 $0x1BFF;
	s21 =	sshll.u32 s6, $0x1;
	s3 =	sadd.s32 s4, s19  }
0x9c: {  	s7 =	simm.s32 $0x0;
	s20 =	sshll.u32 s5, $0x1;
	s5 =	sadd.s32 s21, s3  }
0x9d: {  	[timem:s7], [sflag:s22] =	dma.local [hbm:s5], s20  }
0x9e: {  	_ =	swait.ge [sflag:s22], s20  }
0x9f: {  	s4 =	ssub.s32 $0x0, s20;
	[sflag:s22] =	ssyncset.done $0x0  }
0xa0: {  	[sflag:s22] =	ssyncadd.s32 s4;
	_ =	sdelay $0x1  }
0xa1: {  	s23 =	simm.s32 $0x1B8B  }
0xa2: {  	_ =	swait.ge [sflag:s23], $0x1  }
0xa3: {  	[sflag:s23] =	ssyncset.done $0x0  }
0xa4: {  	s25 =	simm.s32 $0x1B8E;
	s24 =	sld [smem:$0x3FFE];
	[sflag:s23] =	ssyncadd.s32 $0xFFFFFFFF  }
0xa5: {  	s26 =	simm.s32 $execute0_lowered;
	[smem:$0x3FD2] =	sst s25  }
0xa6: {  	s5 =	sshll.u32 s26, $0x1;
	_ =	strace $0x8000004C;
	[dreg:$0x1] =	wrdreg $0xFFFFFFFF  }
0xa7: {  	s28 =	simm.s32 $_size_execute0_lowered;
	s3 =	sadd.s32 s3, s5;
	[dreg:$0x0] =	wrdreg $0x0  }
0xa8: {  	s5 =	sshll.u32 s28, $0x1;
	[dreg:$0x2] =	wrdreg s3  }
0xa9: {  	[dreg:$0x3] =	wrdreg s5  }
0xaa: {  	[dreg:$0x4] =	wrdreg $0xC0  }
0xab: {  	_ =	task [dreg:s7], $0x5FFFF  }
0xac: {  	[dreg:$0x1] =	wrdreg $0xFFFFFFFF  }
0xad: {  	[dreg:$0x0] =	wrdreg $0x60  }
0xae: {  	[dreg:$0x2] =	wrdreg s24  }
0xaf: {  	[dreg:$0x3] =	wrdreg s2  }
0xb0: {  	[dreg:$0x4] =	wrdreg $0x9  }
0xb1: {  	_ =	task.clear_ibuf [dreg:s7], $0x5FFFF;
	_ =	strace $0x9000004C  }
0xb2: {  	s29 =	simm.s32 $0x9;
	_ =	strace $0x8000004E  }
0xb3: {  	_ =	swait.ge [sflag:s29], $0x1  }
0xb4: {  	[sflag:s29] =	ssyncadd.s32 $0xFFFFFFFF  }
0xb5: {  	_ =	strace $0x9000004E  }
0xb6: {  	_ =	sfence  }
0xb7: {  	s30 =	sld [smem:$0x0];
	_ =	sdelay $0x2  }
0xb8: {  	s31 =	sshll.u32 s1, $0xD;
	s1 =	sshrl.u32 s1, $0x2  }
0xb9: {  	s3 =	sand.u32 $0x4000, s31;
	s1 =	sadd.s32 s1, s30  }
0xba: {  	s0 =	sor.u32 s3, s0;
	s1 =	sshll.u32 s1, $0x11  }
0xbb: {  	s0 =	sor.u32 s1, s0  }
0xbc: {  	s0 =	sadd.s32 $0x8F2B, s0  }
0xbd: {  	[sflag:s0] =	ssyncadd.remote.s32 $0x1  }
0xbe: {  	_ =	sfence.sel $0xFFFF  }
0xbf: {  	[dreg:$0x0] =	wrdreg $0xFFFFFFFF;
	(pc) =	sbr.abs _section_cstart, $3  }
0xc0: {  	[dreg:$0x1] =	wrdreg $0xFFFFFFFF  }
0xc1: {  	_ =	task.clear_ibuf [dreg:s7], $0x2FFFF;
	_ =	strace $0x9FFFFFFF  }
0xc2: {  	(tm) =	ssettm $0x7FFFFFFF  }
0xc3: {  	_ =	shalt  }
tec
execute0_lowered:
.L_overlay_start_1:
0x0: {  	(tag) =	ssettag $0x1  }
0x1: {  	s2 =	srdreg.scid;
	s0 =	stileid.u32  }
0x2: {  	s1 =	rddreg [dreg:$0x0];
	s8 =	sand.u32 $0x1, s2;
	s3 =	sshll.u32 s0, $0x1  }
0x3: {  	s12 =	rddreg [dreg:$0x1];
	s2 =	simm.s32 $0x0;
	s25 =	sor.u32 s8, s3  }
0x4: {  	s17 =	sadd.s32 $0x3200, s1;
	[smem:$0x7FF] =	sst s2;
	s3 =	sshll.u32 s25, $0x4  }
0x5: {  	s20 =	sadd.s32 $0x3C00, s1;
	_ =	strace $0x8000004D;
	s4 =	sadd.s32 s17, s3  }
0x6: {  	s21 =	sshll.u32 s25, $0xB;
	s3 =	sadd.s32 s20, s3;
	[dreg:$0x3] =	wrdreg s4  }
0x7: {  	s22 =	sadd.s32 s12, s21;
	[dreg:$0x4] =	wrdreg s3  }
0x8: {  	[dreg:$0x5] =	wrdreg s22  }
0x9: {  	s3 =	simm.s32 $0x2;
	s5 =	rddreg [dreg:$0x3]  }
0xa: {  	[tilespmem:s2], [sflag:$0x2] =	stream.linear.gather [hbm4b:s5+s2], $0x80, $0x38;
	[tilespmem:$0x4100] =	vst v63  }
0xb: {  	_ =	swait.ge [sflag:s3], $0x80  }
0xc: {  	[sflag:s3] =	ssyncset.done $0x0  }
0xd: {  	s4 =	simm.s32 $0x80;
	s23 =	rddreg [dreg:$0x4];
	[sflag:s3] =	ssyncadd.s32 $0xFFFFFF80  }
0xe: {  	[tilespmem:s4], [sflag:$0x2] =	stream.linear.gather [hbm4b:s23+s2], $0x80, $0x38;
	[tilespmem:$0x4100] =	vst v63  }
0xf: {  	_ =	swait.ge [sflag:s3], $0x80  }
0x10: {  	s6 =	simm.s32 $0x100;
	[sflag:s3] =	ssyncset.done $0x0  }
0x11: {  	s7 =	simm.s32 $0x1;
	s5 =	sadd.s32 $0x16F600, s1;
	[sflag:s3] =	ssyncadd.s32 $0xFFFFFF80  }
0x12: {  	[tilespmem:s6], [sflag:$0x1] =	stream.indirect.gather [hbm4b:s5+s4], $0x80, s2, s4, $0xb8;
	[tilespmem:$0x4100] =	vst v63  }
0x13: {  	_ =	swait.ge [sflag:s7], $0x4000  }
0x14: {  	[sflag:s7] =	ssyncset.done $0x0  }
0x15: {  	[sflag:s7] =	ssyncadd.s32 $0xFFFFC000  }
0x16: {  	[tilespmem:s6], [sflag:$0x1] =	stream.indirect.gather.add.f32 [hbm:s5], $0x80, s4, s4, $0xb8;
	[tilespmem:$0x4100] =	vst v63  }
0x17: {  	_ =	swait.ge [sflag:s7], $0x4000  }
0x18: {  	s14 =	sshll.u32 s25, $0x7;
	[sflag:s7] =	ssyncset.done $0x0  }
0x19: {  	s10 =	sor.u32 $0x1000, s14;
	s9 =	rddreg [dreg:$0x5];
	[sflag:s7] =	ssyncadd.s32 $0xFFFFC000  }
0x1a: {  	[hbm4b:s9+s2] =	stream.linear.scatter [tilespmem:s6], [sflag:$0x2], $0x4000, $0x38;
	[tilespmem:$0x4100] =	vst v63  }
0x1b: {  	s24 =	sshrl.u32 s10, $0x3;
	_ =	swait.ge [sflag:s3], $0x4000  }
0x1c: {  	s11 =	sadd.s32 s17, s24;
	[sflag:s3] =	ssyncset.done $0x0  }
0x1d: {  	[dreg:$0x6] =	wrdreg s11;
	[sflag:s3] =	ssyncadd.s32 $0xFFFFC000  }
0x1e: {  	[tilespmem:s2], [sflag:$0x2] =	stream.linear.gather [hbm4b:s11+s2], $0x80, $0x38;
	[tilespmem:$0x4100] =	vst v63  }
0x1f: {  	_ =	swait.ge [sflag:s3], $0x80  }
0x20: {  	s9 =	sadd.s32 s20, s24;
	[sflag:s3] =	ssyncset.done $0x0  }
0x21: {  	[dreg:$0x7] =	wrdreg s9;
	[sflag:s3] =	ssyncadd.s32 $0xFFFFFF80  }
0x22: {  	[tilespmem:s4], [sflag:$0x2] =	stream.linear.gather [hbm4b:s9+s2], $0x80, $0x38;
	[tilespmem:$0x4100] =	vst v63  }
0x23: {  	_ =	swait.ge [sflag:s3], $0x80  }
0x24: {  	[sflag:s3] =	ssyncset.done $0x0  }
0x25: {  	[sflag:s3] =	ssyncadd.s32 $0xFFFFFF80  }
0x26: {  	[tilespmem:s6], [sflag:$0x1] =	stream.indirect.gather [hbm4b:s5+s4], $0x80, s2, s4, $0xb8;
	[tilespmem:$0x4100] =	vst v63  }
0x27: {  	_ =	swait.ge [sflag:s7], $0x4000  }
0x28: {  	[sflag:s7] =	ssyncset.done $0x0  }
0x29: {  	[sflag:s7] =	ssyncadd.s32 $0xFFFFC000  }
0x2a: {  	[tilespmem:s6], [sflag:$0x1] =	stream.indirect.gather.add.f32 [hbm:s5], $0x80, s4, s4, $0xb8;
	[tilespmem:$0x4100] =	vst v63  }
0x2b: {  	_ =	swait.ge [sflag:s7], $0x4000  }
0x2c: {  	s10 =	sshll.u32 s10, $0x4;
	[sflag:s7] =	ssyncset.done $0x0  }
0x2d: {  	s10 =	sadd.s32 s12, s10;
	[sflag:s7] =	ssyncadd.s32 $0xFFFFC000  }
0x2e: {  	[hbm4b:s10+s2] =	stream.linear.scatter [tilespmem:s6], [sflag:$0x2], $0x4000, $0x38;
	[tilespmem:$0x4100] =	vst v63  }
0x2f: {  	s13 =	sor.u32 $0x2000, s14;
	_ =	swait.ge [sflag:s3], $0x4000  }
0x30: {  	s26 =	sshrl.u32 s13, $0x3;
	[sflag:s3] =	ssyncset.done $0x0  }
0x31: {  	s11 =	sadd.s32 s17, s26;
	[sflag:s3] =	ssyncadd.s32 $0xFFFFC000  }
0x32: {  	[tilespmem:s2], [sflag:$0x2] =	stream.linear.gather [hbm4b:s11+s2], $0x80, $0x38;
	[tilespmem:$0x4100] =	vst v63  }
0x33: {  	_ =	swait.ge [sflag:s3], $0x80  }
0x34: {  	[sflag:s3] =	ssyncset.done $0x0  }
0x35: {  	s9 =	smov.u32 s12;
	s12 =	sadd.s32 s20, s26;
	[sflag:s3] =	ssyncadd.s32 $0xFFFFFF80  }
0x36: {  	[tilespmem:s4], [sflag:$0x2] =	stream.linear.gather [hbm4b:s12+s2], $0x80, $0x38;
	[tilespmem:$0x4100] =	vst v63  }
0x37: {  	_ =	swait.ge [sflag:s3], $0x80  }
0x38: {  	[sflag:s3] =	ssyncset.done $0x0  }
0x39: {  	[sflag:s3] =	ssyncadd.s32 $0xFFFFFF80  }
0x3a: {  	[tilespmem:s6], [sflag:$0x1] =	stream.indirect.gather [hbm4b:s5+s4], $0x80, s2, s4, $0xb8;
	[tilespmem:$0x4100] =	vst v63  }
0x3b: {  	_ =	swait.ge [sflag:s7], $0x4000  }
0x3c: {  	[sflag:s7] =	ssyncset.done $0x0  }
0x3d: {  	[sflag:s7] =	ssyncadd.s32 $0xFFFFC000  }
0x3e: {  	[tilespmem:s6], [sflag:$0x1] =	stream.indirect.gather.add.f32 [hbm:s5], $0x80, s4, s4, $0xb8;
	[tilespmem:$0x4100] =	vst v63  }
0x3f: {  	_ =	swait.ge [sflag:s7], $0x4000  }
0x40: {  	s13 =	sshll.u32 s13, $0x4;
	[sflag:s7] =	ssyncset.done $0x0  }
0x41: {  	s13 =	sadd.s32 s9, s13;
	[sflag:s7] =	ssyncadd.s32 $0xFFFFC000  }
0x42: {  	[hbm4b:s13+s2] =	stream.linear.scatter [tilespmem:s6], [sflag:$0x2], $0x4000, $0x38;
	[tilespmem:$0x4100] =	vst v63  }
0x43: {  	s16 =	sor.u32 $0x3000, s14;
	_ =	swait.ge [sflag:s3], $0x4000  }
0x44: {  	s15 =	sshrl.u32 s16, $0x3;
	[sflag:s3] =	ssyncset.done $0x0  }
0x45: {  	s14 =	sadd.s32 s17, s15;
	[sflag:s3] =	ssyncadd.s32 $0xFFFFC000  }
0x46: {  	[tilespmem:s2], [sflag:$0x2] =	stream.linear.gather [hbm4b:s14+s2], $0x80, $0x38;
	[tilespmem:$0x4100] =	vst v63  }
0x47: {  	_ =	swait.ge [sflag:s3], $0x80  }
0x48: {  	[sflag:s3] =	ssyncset.done $0x0  }
0x49: {  	s15 =	sadd.s32 s20, s15;
	[sflag:s3] =	ssyncadd.s32 $0xFFFFFF80  }
0x4a: {  	[tilespmem:s4], [sflag:$0x2] =	stream.linear.gather [hbm4b:s15+s2], $0x80, $0x38;
	[tilespmem:$0x4100] =	vst v63  }
0x4b: {  	_ =	swait.ge [sflag:s3], $0x80  }
0x4c: {  	[sflag:s3] =	ssyncset.done $0x0  }
0x4d: {  	[sflag:s3] =	ssyncadd.s32 $0xFFFFFF80  }
0x4e: {  	[tilespmem:s6], [sflag:$0x1] =	stream.indirect.gather [hbm4b:s5+s4], $0x80, s2, s4, $0xb8;
	[tilespmem:$0x4100] =	vst v63  }
0x4f: {  	_ =	swait.ge [sflag:s7], $0x4000  }
0x50: {  	[sflag:s7] =	ssyncset.done $0x0  }
0x51: {  	[sflag:s7] =	ssyncadd.s32 $0xFFFFC000  }
0x52: {  	[tilespmem:s6], [sflag:$0x1] =	stream.indirect.gather.add.f32 [hbm:s5], $0x80, s4, s4, $0xb8;
	[tilespmem:$0x4100] =	vst v63  }
0x53: {  	_ =	swait.ge [sflag:s7], $0x4000  }
0x54: {  	s16 =	sshll.u32 s16, $0x4;
	[sflag:s7] =	ssyncset.done $0x0  }
0x55: {  	s16 =	sadd.s32 s9, s16;
	[sflag:s7] =	ssyncadd.s32 $0xFFFFC000  }
0x56: {  	[hbm4b:s16+s2] =	stream.linear.scatter [tilespmem:s6], [sflag:$0x2], $0x4000, $0x38;
	[tilespmem:$0x4100] =	vst v63  }
0x57: {  	p0 =	sgt.u32 s0, $0xD;
	s24 =	sor.u32 $0x80, s25;
	_ =	swait.ge [sflag:s3], $0x4000  }
0x58: {  	s18 =	simm.s32 @!p0 $0x0;
	s21 =	sshll.u32 s24, $0x4;
	[sflag:s3] =	ssyncset.done $0x0  }
0x59: {  	s19 =	simm.s32 @!p0 $0x2;
	s17 =	sadd.s32 s17, s21;
	[sflag:s3] =	ssyncadd.s32 $0xFFFFC000  }
0x5a: {  	[tilespmem:s18], [sflag:$0x2] =	stream.linear.gather @!p0 [hbm4b:s17+s18], $0x80, $0x38;
	[tilespmem:$0x4100] =	vst v63  }
0x5b: {  	_ =	swait.ge @!p0 [sflag:s19], $0x80  }
0x5c: {  	[sflag:s19] =	ssyncset.done @!p0 $0x0  }
0x5d: {  	s20 =	sadd.s32 s20, s21;
	s21 =	simm.s32 @!p0 $0x80;
	[sflag:s19] =	ssyncadd.s32 @!p0 $0xFFFFFF80  }
0x5e: {  	[tilespmem:s21], [sflag:$0x2] =	stream.linear.gather @!p0 [hbm4b:s20+s18], $0x80, $0x38;
	[tilespmem:$0x4100] =	vst v63  }
0x5f: {  	_ =	swait.ge @!p0 [sflag:s19], $0x80  }
0x60: {  	[sflag:s19] =	ssyncset.done @!p0 $0x0  }
0x61: {  	s22 =	simm.s32 @!p0 $0x100;
	s23 =	simm.s32 @!p0 $0x1;
	[sflag:s19] =	ssyncadd.s32 @!p0 $0xFFFFFF80  }
0x62: {  	[tilespmem:s22], [sflag:$0x1] =	stream.indirect.gather @!p0 [hbm4b:s5+s21], $0x80, s18, s21, $0xb8;
	[tilespmem:$0x4100] =	vst v63  }
0x63: {  	_ =	swait.ge @!p0 [sflag:s23], $0x4000  }
0x64: {  	[sflag:s23] =	ssyncset.done @!p0 $0x0  }
0x65: {  	[sflag:s23] =	ssyncadd.s32 @!p0 $0xFFFFC000  }
0x66: {  	[tilespmem:s22], [sflag:$0x1] =	stream.indirect.gather.add.f32 @!p0 [hbm:s5], $0x80, s21, s21, $0xb8;
	[tilespmem:$0x4100] =	vst v63  }
0x67: {  	_ =	swait.ge @!p0 [sflag:s23], $0x4000  }
0x68: {  	s24 =	sshll.u32 s24, $0xB;
	[sflag:s23] =	ssyncset.done @!p0 $0x0  }
0x69: {  	s24 =	sadd.s32 s9, s24;
	[sflag:s23] =	ssyncadd.s32 @!p0 $0xFFFFC000  }
0x6a: {  	[hbm4b:s24+s18] =	stream.linear.scatter @!p0 [tilespmem:s22], [sflag:$0x2], $0x4000, $0x38;
	[tilespmem:$0x4100] =	vst v63  }
0x6b: {  	p1 =	sne.s32 s25, $0x1C;
	_ =	swait.ge @!p0 [sflag:s19], $0x4000  }
0x6c: {  	s28 =	simm.s32 @!p1 $0x0;
	[sflag:s19] =	ssyncset.done @!p0 $0x0  }
0x6d: {  	s25 =	simm.s32 @!p1 $0x2;
	s26 =	sadd.s32 $0x3BC0, s1;
	[sflag:s19] =	ssyncadd.s32 @!p0 $0xFFFFC000  }
0x6e: {  	[tilespmem:s28], [sflag:$0x2] =	stream.linear.gather @!p1 [hbm4b:s26+s28], $0x80, $0x38;
	[tilespmem:$0x4100] =	vst v63  }
0x6f: {  	_ =	swait.ge @!p1 [sflag:s25], $0x80  }
0x70: {  	[sflag:s25] =	ssyncset.done @!p1 $0x0  }
0x71: {  	s29 =	sadd.s32 $0x45C0, s1;
	s30 =	simm.s32 @!p1 $0x80;
	[sflag:s25] =	ssyncadd.s32 @!p1 $0xFFFFFF80  }
0x72: {  	[tilespmem:s30], [sflag:$0x2] =	stream.linear.gather @!p1 [hbm4b:s29+s28], $0x80, $0x38;
	[tilespmem:$0x4100] =	vst v63  }
0x73: {  	s8 =	ssub.s32 $0x2, s8;
	_ =	swait.ge @!p1 [sflag:s25], $0x80  }
0x74: {  	s0 =	sshrl.u32 s8, $0x1;
	s31 =	simm.s32 @!p1 $0x100;
	[sflag:s25] =	ssyncset.done @!p1 $0x0  }
0x75: {  	s0 =	ssub.s32 s8, s0;
	s1 =	simm.s32 @!p1 $0x1;
	[sflag:s25] =	ssyncadd.s32 @!p1 $0xFFFFFF80  }
0x76: {  	[tilespmem:s31], [sflag:$0x1] =	stream.indirect.gather @!p1 [hbm4b:s5+s30], $0x80, s28, s30, $0xb8;
	[tilespmem:$0x4100] =	vst v63  }
0x77: {  	s8 =	smax.u32 s0, $0x1;
	_ =	swait.ge @!p1 [sflag:s1], $0x4000  }
0x78: {  	s8 =	sadd.s32 $0xFFFFFFFF, s8;
	[sflag:s1] =	ssyncset.done @!p1 $0x0  }
0x79: {  	p2 =	sne.s32 s8, $0x0;
	[sflag:s1] =	ssyncadd.s32 @!p1 $0xFFFFC000  }
0x7a: {  	[tilespmem:s31], [sflag:$0x1] =	stream.indirect.gather.add.f32 @!p1 [hbm:s5], $0x80, s30, s30, $0xb8;
	[tilespmem:$0x4100] =	vst v63  }
.Ltmp0:
0x7b: {  	_ =	swait.ge @!p1 [sflag:s1], $0x4000;
	(pc) =	sbr.rel @!p2 .LBB2_2-.Ltmp0, $4  }
0x7c: {  	[sflag:s1] =	ssyncset.done @!p1 $0x0  }
0x7d: {  	s0 =	sadd.s32 $0x4E000, s9;
	[sflag:s1] =	ssyncadd.s32 @!p1 $0xFFFFC000  }
0x7e: {  	[hbm4b:s0+s28] =	stream.linear.scatter @!p1 [tilespmem:s31], [sflag:$0x2], $0x1000, $0x38;
	[tilespmem:$0x4100] =	vst v63  }
0x7f: {  	_ =	swait.ge @!p1 [sflag:s25], $0x1000  }
.LBB2_1:
0x80: {  	[sflag:s25] =	ssyncset.done @!p1 $0x0  }
0x81: {  	s9 =	rddreg [dreg:$0x3];
	[sflag:s25] =	ssyncadd.s32 @!p1 $0xFFFFF000  }
0x82: {  	[tilespmem:s2], [sflag:$0x2] =	stream.linear.gather [hbm4b:s9+s2], $0x80, $0x38;
	[tilespmem:$0x4100] =	vst v63  }
0x83: {  	_ =	swait.ge [sflag:s3], $0x80  }
0x84: {  	[sflag:s3] =	ssyncset.done $0x0  }
0x85: {  	s9 =	rddreg [dreg:$0x4];
	[sflag:s3] =	ssyncadd.s32 $0xFFFFFF80  }
0x86: {  	[tilespmem:s4], [sflag:$0x2] =	stream.linear.gather [hbm4b:s9+s2], $0x80, $0x38;
	[tilespmem:$0x4100] =	vst v63  }
0x87: {  	_ =	swait.ge [sflag:s3], $0x80  }
0x88: {  	[sflag:s3] =	ssyncset.done $0x0  }
0x89: {  	[sflag:s3] =	ssyncadd.s32 $0xFFFFFF80  }
0x8a: {  	[tilespmem:s6], [sflag:$0x1] =	stream.indirect.gather [hbm4b:s5+s4], $0x80, s2, s4, $0xb8;
	[tilespmem:$0x4100] =	vst v63  }
0x8b: {  	_ =	swait.ge [sflag:s7], $0x4000  }
0x8c: {  	[sflag:s7] =	ssyncset.done $0x0  }
0x8d: {  	[sflag:s7] =	ssyncadd.s32 $0xFFFFC000  }
0x8e: {  	[tilespmem:s6], [sflag:$0x1] =	stream.indirect.gather.add.f32 [hbm:s5], $0x80, s4, s4, $0xb8;
	[tilespmem:$0x4100] =	vst v63  }
0x8f: {  	_ =	swait.ge [sflag:s7], $0x4000  }
0x90: {  	[sflag:s7] =	ssyncset.done $0x0  }
0x91: {  	s9 =	rddreg [dreg:$0x5];
	[sflag:s7] =	ssyncadd.s32 $0xFFFFC000  }
0x92: {  	[hbm4b:s9+s2] =	stream.linear.scatter [tilespmem:s6], [sflag:$0x2], $0x4000, $0x38;
	[tilespmem:$0x4100] =	vst v63  }
0x93: {  	_ =	swait.ge [sflag:s3], $0x4000  }
0x94: {  	[sflag:s3] =	ssyncset.done $0x0  }
0x95: {  	s9 =	rddreg [dreg:$0x6];
	[sflag:s3] =	ssyncadd.s32 $0xFFFFC000  }
0x96: {  	[tilespmem:s2], [sflag:$0x2] =	stream.linear.gather [hbm4b:s9+s2], $0x80, $0x38;
	[tilespmem:$0x4100] =	vst v63  }
0x97: {  	_ =	swait.ge [sflag:s3], $0x80  }
0x98: {  	[sflag:s3] =	ssyncset.done $0x0  }
0x99: {  	s9 =	rddreg [dreg:$0x7];
	[sflag:s3] =	ssyncadd.s32 $0xFFFFFF80  }
0x9a: {  	[tilespmem:s4], [sflag:$0x2] =	stream.linear.gather [hbm4b:s9+s2], $0x80, $0x38;
	[tilespmem:$0x4100] =	vst v63  }
0x9b: {  	_ =	swait.ge [sflag:s3], $0x80  }
0x9c: {  	[sflag:s3] =	ssyncset.done $0x0  }
0x9d: {  	[sflag:s3] =	ssyncadd.s32 $0xFFFFFF80  }
0x9e: {  	[tilespmem:s6], [sflag:$0x1] =	stream.indirect.gather [hbm4b:s5+s4], $0x80, s2, s4, $0xb8;
	[tilespmem:$0x4100] =	vst v63  }
0x9f: {  	_ =	swait.ge [sflag:s7], $0x4000  }
0xa0: {  	[sflag:s7] =	ssyncset.done $0x0  }
0xa1: {  	[sflag:s7] =	ssyncadd.s32 $0xFFFFC000  }
0xa2: {  	[tilespmem:s6], [sflag:$0x1] =	stream.indirect.gather.add.f32 [hbm:s5], $0x80, s4, s4, $0xb8;
	[tilespmem:$0x4100] =	vst v63  }
0xa3: {  	_ =	swait.ge [sflag:s7], $0x4000  }
0xa4: {  	[sflag:s7] =	ssyncset.done $0x0  }
0xa5: {  	[sflag:s7] =	ssyncadd.s32 $0xFFFFC000  }
0xa6: {  	[hbm4b:s10+s2] =	stream.linear.scatter [tilespmem:s6], [sflag:$0x2], $0x4000, $0x38;
	[tilespmem:$0x4100] =	vst v63  }
0xa7: {  	_ =	swait.ge [sflag:s3], $0x4000  }
0xa8: {  	[sflag:s3] =	ssyncset.done $0x0  }
0xa9: {  	[sflag:s3] =	ssyncadd.s32 $0xFFFFC000  }
0xaa: {  	[tilespmem:s2], [sflag:$0x2] =	stream.linear.gather [hbm4b:s11+s2], $0x80, $0x38;
	[tilespmem:$0x4100] =	vst v63  }
0xab: {  	_ =	swait.ge [sflag:s3], $0x80  }
0xac: {  	[sflag:s3] =	ssyncset.done $0x0  }
0xad: {  	[sflag:s3] =	ssyncadd.s32 $0xFFFFFF80  }
0xae: {  	[tilespmem:s4], [sflag:$0x2] =	stream.linear.gather [hbm4b:s12+s2], $0x80, $0x38;
	[tilespmem:$0x4100] =	vst v63  }
0xaf: {  	_ =	swait.ge [sflag:s3], $0x80  }
0xb0: {  	[sflag:s3] =	ssyncset.done $0x0  }
0xb1: {  	[sflag:s3] =	ssyncadd.s32 $0xFFFFFF80  }
0xb2: {  	[tilespmem:s6], [sflag:$0x1] =	stream.indirect.gather [hbm4b:s5+s4], $0x80, s2, s4, $0xb8;
	[tilespmem:$0x4100] =	vst v63  }
0xb3: {  	_ =	swait.ge [sflag:s7], $0x4000  }
0xb4: {  	[sflag:s7] =	ssyncset.done $0x0  }
0xb5: {  	[sflag:s7] =	ssyncadd.s32 $0xFFFFC000  }
0xb6: {  	[tilespmem:s6], [sflag:$0x1] =	stream.indirect.gather.add.f32 [hbm:s5], $0x80, s4, s4, $0xb8;
	[tilespmem:$0x4100] =	vst v63  }
0xb7: {  	_ =	swait.ge [sflag:s7], $0x4000  }
0xb8: {  	[sflag:s7] =	ssyncset.done $0x0  }
0xb9: {  	[sflag:s7] =	ssyncadd.s32 $0xFFFFC000  }
0xba: {  	[hbm4b:s13+s2] =	stream.linear.scatter [tilespmem:s6], [sflag:$0x2], $0x4000, $0x38;
	[tilespmem:$0x4100] =	vst v63  }
0xbb: {  	_ =	swait.ge [sflag:s3], $0x4000  }
0xbc: {  	[sflag:s3] =	ssyncset.done $0x0  }
0xbd: {  	[sflag:s3] =	ssyncadd.s32 $0xFFFFC000  }
0xbe: {  	[tilespmem:s2], [sflag:$0x2] =	stream.linear.gather [hbm4b:s14+s2], $0x80, $0x38;
	[tilespmem:$0x4100] =	vst v63  }
0xbf: {  	_ =	swait.ge [sflag:s3], $0x80  }
0xc0: {  	[sflag:s3] =	ssyncset.done $0x0  }
0xc1: {  	[sflag:s3] =	ssyncadd.s32 $0xFFFFFF80  }
0xc2: {  	[tilespmem:s4], [sflag:$0x2] =	stream.linear.gather [hbm4b:s15+s2], $0x80, $0x38;
	[tilespmem:$0x4100] =	vst v63  }
0xc3: {  	_ =	swait.ge [sflag:s3], $0x80  }
0xc4: {  	[sflag:s3] =	ssyncset.done $0x0  }
0xc5: {  	[sflag:s3] =	ssyncadd.s32 $0xFFFFFF80  }
0xc6: {  	[tilespmem:s6], [sflag:$0x1] =	stream.indirect.gather [hbm4b:s5+s4], $0x80, s2, s4, $0xb8;
	[tilespmem:$0x4100] =	vst v63  }
0xc7: {  	_ =	swait.ge [sflag:s7], $0x4000  }
0xc8: {  	[sflag:s7] =	ssyncset.done $0x0  }
0xc9: {  	[sflag:s7] =	ssyncadd.s32 $0xFFFFC000  }
0xca: {  	[tilespmem:s6], [sflag:$0x1] =	stream.indirect.gather.add.f32 [hbm:s5], $0x80, s4, s4, $0xb8;
	[tilespmem:$0x4100] =	vst v63  }
0xcb: {  	_ =	swait.ge [sflag:s7], $0x4000  }
0xcc: {  	[sflag:s7] =	ssyncset.done $0x0  }
0xcd: {  	[sflag:s7] =	ssyncadd.s32 $0xFFFFC000  }
0xce: {  	[hbm4b:s16+s2] =	stream.linear.scatter [tilespmem:s6], [sflag:$0x2], $0x4000, $0x38;
	[tilespmem:$0x4100] =	vst v63  }
0xcf: {  	_ =	swait.ge [sflag:s3], $0x4000  }
0xd0: {  	[sflag:s3] =	ssyncset.done $0x0  }
0xd1: {  	[sflag:s3] =	ssyncadd.s32 $0xFFFFC000  }
0xd2: {  	[tilespmem:s18], [sflag:$0x2] =	stream.linear.gather @!p0 [hbm4b:s17+s18], $0x80, $0x38;
	[tilespmem:$0x4100] =	vst v63  }
0xd3: {  	_ =	swait.ge @!p0 [sflag:s19], $0x80  }
0xd4: {  	[sflag:s19] =	ssyncset.done @!p0 $0x0  }
0xd5: {  	[sflag:s19] =	ssyncadd.s32 @!p0 $0xFFFFFF80  }
0xd6: {  	[tilespmem:s21], [sflag:$0x2] =	stream.linear.gather @!p0 [hbm4b:s20+s18], $0x80, $0x38;
	[tilespmem:$0x4100] =	vst v63  }
0xd7: {  	_ =	swait.ge @!p0 [sflag:s19], $0x80  }
0xd8: {  	[sflag:s19] =	ssyncset.done @!p0 $0x0  }
0xd9: {  	[sflag:s19] =	ssyncadd.s32 @!p0 $0xFFFFFF80  }
0xda: {  	[tilespmem:s22], [sflag:$0x1] =	stream.indirect.gather @!p0 [hbm4b:s5+s21], $0x80, s18, s21, $0xb8;
	[tilespmem:$0x4100] =	vst v63  }
0xdb: {  	_ =	swait.ge @!p0 [sflag:s23], $0x4000  }
0xdc: {  	[sflag:s23] =	ssyncset.done @!p0 $0x0  }
0xdd: {  	[sflag:s23] =	ssyncadd.s32 @!p0 $0xFFFFC000  }
0xde: {  	[tilespmem:s22], [sflag:$0x1] =	stream.indirect.gather.add.f32 @!p0 [hbm:s5], $0x80, s21, s21, $0xb8;
	[tilespmem:$0x4100] =	vst v63  }
0xdf: {  	_ =	swait.ge @!p0 [sflag:s23], $0x4000  }
0xe0: {  	[sflag:s23] =	ssyncset.done @!p0 $0x0  }
0xe1: {  	[sflag:s23] =	ssyncadd.s32 @!p0 $0xFFFFC000  }
0xe2: {  	[hbm4b:s24+s18] =	stream.linear.scatter @!p0 [tilespmem:s22], [sflag:$0x2], $0x4000, $0x38;
	[tilespmem:$0x4100] =	vst v63  }
0xe3: {  	_ =	swait.ge @!p0 [sflag:s19], $0x4000  }
0xe4: {  	[sflag:s19] =	ssyncset.done @!p0 $0x0  }
0xe5: {  	[sflag:s19] =	ssyncadd.s32 @!p0 $0xFFFFC000  }
0xe6: {  	[tilespmem:s28], [sflag:$0x2] =	stream.linear.gather @!p1 [hbm4b:s26+s28], $0x80, $0x38;
	[tilespmem:$0x4100] =	vst v63  }
0xe7: {  	_ =	swait.ge @!p1 [sflag:s25], $0x80  }
0xe8: {  	[sflag:s25] =	ssyncset.done @!p1 $0x0  }
0xe9: {  	[sflag:s25] =	ssyncadd.s32 @!p1 $0xFFFFFF80  }
0xea: {  	[tilespmem:s30], [sflag:$0x2] =	stream.linear.gather @!p1 [hbm4b:s29+s28], $0x80, $0x38;
	[tilespmem:$0x4100] =	vst v63  }
0xeb: {  	_ =	swait.ge @!p1 [sflag:s25], $0x80  }
0xec: {  	[sflag:s25] =	ssyncset.done @!p1 $0x0  }
0xed: {  	[sflag:s25] =	ssyncadd.s32 @!p1 $0xFFFFFF80  }
0xee: {  	[tilespmem:s31], [sflag:$0x1] =	stream.indirect.gather @!p1 [hbm4b:s5+s30], $0x80, s28, s30, $0xb8;
	[tilespmem:$0x4100] =	vst v63  }
0xef: {  	_ =	swait.ge @!p1 [sflag:s1], $0x4000  }
0xf0: {  	s8 =	sadd.s32 $0xFFFFFFFF, s8;
	[sflag:s1] =	ssyncset.done @!p1 $0x0  }
0xf1: {  	p2 =	sne.s32 s8, $0x0;
	[sflag:s1] =	ssyncadd.s32 @!p1 $0xFFFFC000  }
0xf2: {  	[tilespmem:s31], [sflag:$0x1] =	stream.indirect.gather.add.f32 @!p1 [hbm:s5], $0x80, s30, s30, $0xb8;
	[tilespmem:$0x4100] =	vst v63  }
.Ltmp1:
0xf3: {  	_ =	swait.ge @!p1 [sflag:s1], $0x4000;
	(pc) =	sbr.rel @p2 .LBB2_1-.Ltmp1, $4  }
0xf4: {  	[sflag:s1] =	ssyncset.done @!p1 $0x0  }
0xf5: {  	[sflag:s1] =	ssyncadd.s32 @!p1 $0xFFFFC000  }
0xf6: {  	[hbm4b:s0+s28] =	stream.linear.scatter @!p1 [tilespmem:s31], [sflag:$0x2], $0x1000, $0x38;
	[tilespmem:$0x4100] =	vst v63  }
0xf7: {  	_ =	swait.ge @!p1 [sflag:s25], $0x1000  }
.LBB2_2:
0xf8: {  	[sflag:s25] =	ssyncset.done @!p1 $0x0  }
0xf9: {  	[sflag:s25] =	ssyncadd.s32 @!p1 $0xFFFFF000  }
0xfa: {  	_ =	sfence.sel $0x180000  }
0xfb: {  	[bflag:$0x0] =	sbarrier.arrive $0xFFFF  }
0xfc: {  	_ =	strace $0x9000004D  }
0xfd: {  	s0 =	stileid.u32;
	[bflag:$0x2] =	sbarrier.arrive $0xFFFF  }
0xfe: {  	p0 =	sne.s32 s0, $0x0;
	s0 =	rddreg [dreg:$0x2]  }
0xff: {  	s0 =	sadd.s32 @!p0 $0x100000, s0  }
0x100: {  	[sflag:s0] =	ssyncadd.tile.s32 @!p0 $0x1;
	_ =	shalt  }
.Lfunc_end2:
_tile_overlayer_lowered:
.L_overlay_start_2:
0x101: {  	(tag) =	ssettag $0x2  }
0x102: {  	s0 =	rddreg [dreg:$0x0];
	s2 =	stileid.u32  }
0x103: {  	s1 =	rddreg [dreg:$0x1];
	p0 =	sne.s32 s2, $0x0  }
0x104: {  	s3 =	rddreg [dreg:$0x2];
	[bflag:$0x3] =	sbarrier.arrive $0xFFFF;
	s2 =	simm.s32 @!p0 $0x1C02  }
0x105: {  	[timem:s3], [sflag:s2] =	dma.local @!p0 [hbm:s0], s1  }
0x106: {  	s0 =	simm.s32 @!p0 $0x2  }
0x107: {  	_ =	swait.ge @!p0 [sflag:s0], s1  }
0x108: {  	s1 =	ssub.s32 @!p0 $0x0, s1;
	[sflag:s0] =	ssyncset.done @!p0 $0x0  }
0x109: {  	[sflag:s0] =	ssyncadd.s32 @!p0 s1  }
0x10a: {  	[bflag:$0x3] =	sbarrier.arrive $0xFFFF  }
0x10b: {  	_ =	shalt  }

// kernel: kernel.9.cloned.1.call-start
scs
__scs_entry_jumppad:
0x0: {  	(pc) =	sbr.rel $0x88, $3  }
0x1: {  	(tag) =	ssettag $0x0;
	lr =	simm.s32 $0x1  }
0x2: {  	[smem:$0x3F96] =	sst lr;
	_ =	strace $0xD0000000  }
0x3: {  	_ = 	snop  }
0x4: {  	_ = 	snop  }
0x5: {  	_ = 	snop  }
0x6: {  	_ = 	snop  }
0x7: {  	_ = 	snop  }
__scs_overlays_trampoline_lowered:
0x8: {  	[smem:$0x3FA5] =	sst s0  }
0x9: {  	[smem:$0x3FA6] =	sst s1  }
0xa: {  	[smem:$0x3FA7] =	sst s2  }
0xb: {  	[smem:$0x3FA8] =	sst s3  }
0xc: {  	[smem:$0x3FA9] =	sst s4  }
0xd: {  	[smem:$0x3FAA] =	sst s5  }
0xe: {  	[smem:$0x3FAB] =	sst s6  }
0xf: {  	[smem:$0x3FAC] =	sst s7  }
0x10: {  	[smem:$0x3FAD] =	sst s8  }
0x11: {  	[smem:$0x3FAE] =	sst s9;
	s0 =	simm.s32 @!p0 $0x0  }
0x12: {  	s1 =	sld [smem:$0x3F94];
	s0 =	simm.s32 @p0 $0x1  }
0x13: {  	[smem:$0x3FAF] =	sst s0;
	s0 =	simm.s32 @!p1 $0x0  }
0x14: {  	s2 =	sld [smem:$0x3F93];
	s0 =	simm.s32 @p1 $0x1  }
0x15: {  	[smem:$0x3FB0] =	sst s0;
	s0 =	simm.s32 @!p2 $0x0  }
0x16: {  	s3 =	sld [smem:$0x3FDB];
	s0 =	simm.s32 @p2 $0x1  }
0x17: {  	s4 =	simm.s32 $0x1BF5;
	[smem:$0x3FB2] =	sst s0  }
0x18: {  	s0 =	sld [smem:$0x3F95];
	_ =	swait.ge [sflag:s4], $0x0  }
0x19: {  	s7 =	sld [smem:$0x3F96]  }
0x1a: {  	s8 =	sadd.s32 $0xFFFFE003, lr  }
0x1b: {  	s9 =	sadd.s32 $0xFFFFFEF7, lr;
	s5 =	simm.s32 $0xFFFFFFFF;
	p2 =	slt.u32 s8, $0xFFFFF086  }
0x1c: {  	p1 =	slt.u32 s9, $0xF7A;
	s5 =	simm.s32 @!p2 $0x0  }
0x1d: {  	s5 =	simm.s32 @p1 $0x1;
	p0 =	seq.s32 s7, s2  }
0x1e: {  	s7 =	smul.u32 @!p0 $0xF7A, s2;
	p2 =	seq.s32 @!p0 s5, $0x0  }
0x1f: {  	s9 =	smul.u32 $0xF7A, s1;
	s8 =	simm.s32 @!p0 $0x1BF5;
	p2 =	por !p2, p0  }
0x20: {  	[sflag:s8] =	ssyncset.s32 @!p0 $0xFFFFF086;
	s6 =	sadd.s32 @!p0 s3, s7;
	s7 =	simm.s32 @!p0 $0x108  }
0x21: {  	s3 =	sadd.s32 s3, s9;
	s6 =	sadd.s32 @!p0 $0x88, s6;
	s7 =	simm.s32 @p2 $0x1082  }
0x22: {  	[simem:s7], [sflag:s8] =	dma.local @!p0 [hbm:s6], $0xF7A  }
0x23: {  	s9 =	sor.u32 $0xD0000000, s2;
	s6 =	simm.s32 $0x108;
	_ =	swait.ge @!p0 [sflag:s8], $0x0  }
0x24: {  	s3 =	sadd.s32 $0x88, s3;
	s6 =	simm.s32 @!p1 $0x1082;
	[sflag:s4] =	ssyncset.s32 $0xFFFFF086  }
0x25: {  	[simem:s6], [sflag:s4] =	dma.local [hbm:s3], $0xF7A  }
0x26: {  	[smem:$0x3F96] =	sst s1;
	(tag) =	ssettag s2;
	_ =	strace s9  }
0x27: {  	s1 =	sld [smem:$0x3FA6]  }
0x28: {  	s2 =	sld [smem:$0x3FA7]  }
0x29: {  	s4 =	sld [smem:$0x3FA9]  }
0x2a: {  	p0 =	seq.s32 s5, $0x0;
	s5 =	sld [smem:$0x3FAA]  }
0x2b: {  	s6 =	sld [smem:$0x3FAB]  }
0x2c: {  	s7 =	sld [smem:$0x3FAC]  }
0x2d: {  	s3 =	simm.s32 $0x108;
	s8 =	sld [smem:$0x3FAD]  }
0x2e: {  	s3 =	simm.s32 @!p0 $0x1082;
	s9 =	sld [smem:$0x3FAE]  }
0x2f: {  	lr =	sadd.s32 s0, s3;
	s0 =	sld [smem:$0x3FA5]  }
0x30: {  	s3 =	sld [smem:$0x3FA8]  }
0x31: {  	[smem:$0x3FB1] =	sst s10  }
0x32: {  	s10 =	sld [smem:$0x3FAF];
	_ =	sdelay $0x3  }
0x33: {  	p0 =	seq.s32 s10, $0x1;
	s10 =	sld [smem:$0x3FB1];
	_ =	sdelay $0x3  }
0x34: {  	[smem:$0x3FB1] =	sst s10  }
0x35: {  	s10 =	sld [smem:$0x3FB0];
	_ =	sdelay $0x3  }
0x36: {  	p1 =	seq.s32 s10, $0x1;
	s10 =	sld [smem:$0x3FB1];
	_ =	sdelay $0x3  }
0x37: {  	[smem:$0x3FB1] =	sst s10  }
0x38: {  	s10 =	sld [smem:$0x3FB2]  }
0x39: {  	_ = 	snop;
	(pc) =	sbr.ind lr, $3  }
0x3a: {  	_ = 	snop  }
0x3b: {  	_ = 	snop  }
0x3c: {  	p2 =	seq.s32 s10, $0x1;
	s10 =	sld [smem:$0x3FB1]  }
0x3d: {  	_ =	shalt  }
0x3e: {  	_ =	shalt  }
0x3f: {  	_ =	shalt  }
0x40: {  	_ =	shalt  }
0x41: {  	_ =	shalt  }
0x42: {  	_ =	shalt  }
0x43: {  	_ =	shalt  }
0x44: {  	_ =	shalt  }
0x45: {  	_ =	shalt  }
0x46: {  	_ =	shalt  }
0x47: {  	_ =	shalt  }
0x48: {  	_ =	shalt  }
0x49: {  	_ =	shalt  }
0x4a: {  	_ =	shalt  }
0x4b: {  	_ =	shalt  }
0x4c: {  	_ =	shalt  }
0x4d: {  	_ =	shalt  }
0x4e: {  	_ =	shalt  }
0x4f: {  	_ =	shalt  }
0x50: {  	_ =	shalt  }
0x51: {  	_ =	shalt  }
0x52: {  	_ =	shalt  }
0x53: {  	_ =	shalt  }
0x54: {  	_ =	shalt  }
0x55: {  	_ =	shalt  }
0x56: {  	_ =	shalt  }
0x57: {  	_ =	shalt  }
0x58: {  	_ =	shalt  }
0x59: {  	_ =	shalt  }
0x5a: {  	_ =	shalt  }
0x5b: {  	_ =	shalt  }
0x5c: {  	_ =	shalt  }
0x5d: {  	_ =	shalt  }
0x5e: {  	_ =	shalt  }
0x5f: {  	_ =	shalt  }
0x60: {  	_ =	shalt  }
0x61: {  	_ =	shalt  }
0x62: {  	_ =	shalt  }
0x63: {  	_ =	shalt  }
0x64: {  	_ =	shalt  }
0x65: {  	_ =	shalt  }
0x66: {  	_ =	shalt  }
0x67: {  	_ =	shalt  }
0x68: {  	_ =	shalt  }
0x69: {  	_ =	shalt  }
0x6a: {  	_ =	shalt  }
0x6b: {  	_ =	shalt  }
0x6c: {  	_ =	shalt  }
0x6d: {  	_ =	shalt  }
0x6e: {  	_ =	shalt  }
0x6f: {  	_ =	shalt  }
0x70: {  	_ =	shalt  }
0x71: {  	_ =	shalt  }
0x72: {  	_ =	shalt  }
0x73: {  	_ =	shalt  }
0x74: {  	_ =	shalt  }
0x75: {  	_ =	shalt  }
0x76: {  	_ =	shalt  }
0x77: {  	_ =	shalt  }
0x78: {  	_ =	shalt  }
0x79: {  	_ =	shalt  }
0x7a: {  	_ =	shalt  }
0x7b: {  	_ =	shalt  }
0x7c: {  	_ =	shalt  }
0x7d: {  	_ =	shalt  }
0x7e: {  	_ =	shalt  }
0x7f: {  	_ =	shalt  }
0x80: {  	_ =	shalt  }
0x81: {  	_ =	shalt  }
0x82: {  	_ =	shalt  }
0x83: {  	_ =	shalt  }
0x84: {  	_ =	shalt  }
0x85: {  	_ =	shalt  }
0x86: {  	_ =	shalt  }
0x87: {  	_ =	shalt  }
.Lfunc_end0:
.L_simem_size_0:
called_computation_lowered:
.L_overlay_start_0:
0x88: {  	s2 =	sld [smem:$0x3FD9]  }
0x89: {  	s3 =	sld [smem:$0x3FFE];
	_ =	sdelay $0x1  }
0x8a: {  	s1 =	srdreg.scid  }
0x8b: {  	s0 =	sand.u32 $0x1, s1  }
0x8c: {  	s16 =	sshll.u32 s0, $0xA;
	s2 =	sadd.s32 s3, s2  }
0x8d: {  	s2 =	sadd.s32 s2, s16  }
0x8e: {  	[smem:$0x3FBD] =	sst s2  }
0x8f: {  	_ = 	snop  }
0x90: {  	(tm) =	ssettm $0x1  }
0x91: {  	s17 =	sld [smem:$0x3FFB];
	_ =	sdelay $0x3  }
0x92: {  	_ =	strace s17  }
0x93: {  	s2 =	sld [smem:$0x3FFC];
	_ =	sdelay $0x3  }
0x94: {  	_ =	strace s2  }
0x95: {  	s2 =	sld [smem:$0x3FFD];
	_ =	sdelay $0x3  }
0x96: {  	_ =	strace s2  }
0x97: {  	_ =	strace $0x8FFFFFFF  }
0x98: {  	s18 =	sld [smem:$0x3FDB];
	_ =	sdelay $0x1  }
0x99: {  	s19 =	simm.s32 $_scs_section_size  }
0x9a: {  	s4 =	simm.s32 $_size__tile_overlayer_lowered;
	s5 =	simm.s32 $_tile_overlayer_lowered  }
0x9b: {  	s22 =	simm.s32 $0x1BFF;
	s21 =	sshll.u32 s5, $0x1;
	s2 =	sadd.s32 s19, s18  }
0x9c: {  	s6 =	simm.s32 $0x0;
	s20 =	sshll.u32 s4, $0x1;
	s4 =	sadd.s32 s21, s2  }
0x9d: {  	[timem:s6], [sflag:s22] =	dma.local [hbm:s4], s20  }
0x9e: {  	_ =	swait.ge [sflag:s22], s20  }
0x9f: {  	s3 =	ssub.s32 $0x0, s20;
	[sflag:s22] =	ssyncset.done $0x0  }
0xa0: {  	[sflag:s22] =	ssyncadd.s32 s3;
	_ =	sdelay $0x1  }
0xa1: {  	s23 =	simm.s32 $0x1B8B  }
0xa2: {  	_ =	swait.ge [sflag:s23], $0x1  }
0xa3: {  	[sflag:s23] =	ssyncset.done $0x0  }
0xa4: {  	s25 =	simm.s32 $0x1B8E;
	s24 =	sld [smem:$0x3FFE];
	[sflag:s23] =	ssyncadd.s32 $0xFFFFFFFF  }
0xa5: {  	s26 =	simm.s32 $execute0_lowered;
	[smem:$0x3FD2] =	sst s25  }
0xa6: {  	s4 =	sshll.u32 s26, $0x1;
	_ =	strace $0x80000046;
	[dreg:$0x1] =	wrdreg $0xFFFFFFFF  }
0xa7: {  	s28 =	simm.s32 $_size_execute0_lowered;
	s2 =	sadd.s32 s2, s4;
	[dreg:$0x0] =	wrdreg $0x0  }
0xa8: {  	s4 =	sshll.u32 s28, $0x1;
	[dreg:$0x2] =	wrdreg s2  }
0xa9: {  	[dreg:$0x3] =	wrdreg s4  }
0xaa: {  	[dreg:$0x4] =	wrdreg $0xC0  }
0xab: {  	_ =	task [dreg:s6], $0x5FFFF  }
0xac: {  	[dreg:$0x1] =	wrdreg $0xFFFFFFFF  }
0xad: {  	[dreg:$0x0] =	wrdreg $0x60  }
0xae: {  	[dreg:$0x2] =	wrdreg s24  }
0xaf: {  	[dreg:$0x3] =	wrdreg $0x9  }
0xb0: {  	_ =	task.clear_ibuf [dreg:s6], $0x4FFFF;
	_ =	strace $0x90000046  }
0xb1: {  	s29 =	simm.s32 $0x9;
	_ =	strace $0x80000048  }
0xb2: {  	_ =	swait.ge [sflag:s29], $0x1  }
0xb3: {  	[sflag:s29] =	ssyncadd.s32 $0xFFFFFFFF  }
0xb4: {  	_ =	strace $0x90000048  }
0xb5: {  	_ =	sfence  }
0xb6: {  	s30 =	sld [smem:$0x0];
	_ =	sdelay $0x2  }
0xb7: {  	s31 =	sshll.u32 s1, $0xD;
	s1 =	sshrl.u32 s1, $0x2  }
0xb8: {  	s3 =	sand.u32 $0x4000, s31;
	s1 =	sadd.s32 s1, s30  }
0xb9: {  	s0 =	sor.u32 s3, s0;
	s1 =	sshll.u32 s1, $0x11  }
0xba: {  	s0 =	sor.u32 s1, s0  }
0xbb: {  	s0 =	sadd.s32 $0x8F2B, s0  }
0xbc: {  	[sflag:s0] =	ssyncadd.remote.s32 $0x1  }
0xbd: {  	_ =	sfence.sel $0xFFFF  }
0xbe: {  	[dreg:$0x0] =	wrdreg $0xFFFFFFFF;
	(pc) =	sbr.abs _section_cstart, $3  }
0xbf: {  	[dreg:$0x1] =	wrdreg $0xFFFFFFFF  }
0xc0: {  	_ =	task.clear_ibuf [dreg:s6], $0x2FFFF;
	_ =	strace $0x9FFFFFFF  }
0xc1: {  	(tm) =	ssettm $0x7FFFFFFF  }
tec
execute0_lowered:
.L_overlay_start_1:
0x0: {  	(tag) =	ssettag $0x1  }
0x1: {  	s1 =	srdreg.scid  }
0x2: {  	s0 =	stileid.u32;
	s4 =	rddreg [dreg:$0x0];
	s2 =	simm.s32 $0x0  }
0x3: {  	s12 =	simm.s32 $0x80;
	s13 =	simm.s32 $0x300;
	s15 =	simm.s32 $0xA80  }
0x4: {  	s17 =	simm.s32 $0x1000;
	s18 =	simm.s32 $0x0;
	s6 =	sand.u32 $0x1, s1  }
0x5: {  	s30 =	sshll.u32 s0, $0x1;
	s1 =	rddreg [dreg:$0x1];
	s10 =	smul.u32 $0x500, s0  }
0x6: {  	[smem:$0x7FF] =	sst s2;
	s16 =	sor.u32 s6, s30;
	s11 =	smul.u32 $0x280, s6  }
0x7: {  	_ =	strace $0x80000047;
	s31 =	ssub.s32 $0x2, s6;
	s3 =	smul.u32 $0x280, s16  }
0x8: {  	s7 =	sshrl.u32 s31, $0x1;
	s14 =	smul.u32 $0xA0, s16;
	p0 =	sne.s32 s16, $0x0  }
.Ltmp0:
0x9: {  	s16 =	simm.s32 $0x1;
	s9 =	ssub.s32 s31, s7;
	(pc) =	sbr.rel .LBB2_1-.Ltmp0, $4  }
0xa: {  	s10 =	sadd.s32 s11, s10;
	s11 =	simm.s32 $0x2;
	s5 =	sshrl.u32 s3, $0x3  }
0xb: {  	s3 =	sadd.s32 $0x4600, s4;
	s9 =	smax.u32 s9, $0x1;
	s8 =	sadd.s32 s5, s4  }
0xc: {  	v1 =	vlaneseq.u32;
	v0 =	vmov s14;
	s14 =	simm.s32 $0x800;
	s4 =	sadd.s32 $0x7400, s4;
	s5 =	sadd.s32 $0x3200, s8  }
0xd: {  	v2 =	vimm.s32 $0x0;
	v3 =	vimm.f32 $0.0e+00;
	v4 =	vmul.u32 $0x200, v1;
	s6 =	sadd.s32 $0x3C00, s8;
	s7 =	sadd.s32 $0x4800, s8;
	s8 =	sadd.s32 $0x5200, s8  }
.LBB2_8:
0xe: {  	v17 =	vshll.u32 v17, $0x9  }
0xf: {  	v17 =	vor.u32 v4, v17  }
0x10: {  	vm0 =	vge.s32 v17, v13;
	vm1 =	vge.s32 v17, v14  }
0x11: {  	vm6 =	vge.s32 v17, v12;
	v13 =	vsel vm0, $0x1, v2;
	v14 =	vsel vm1, $0x1, v2  }
0x12: {  	vm7 =	vge.s32 v17, v11;
	v54 =	vsel vm6, $0x1, v2;
	v53 =	vadd.s32 v14, v13  }
0x13: {  	vm8 =	vge.s32 v17, v10;
	v56 =	vsel vm7, $0x1, v2;
	v55 =	vadd.s32 v54, v53  }
0x14: {  	vm9 =	vge.s32 v17, v9;
	v58 =	vsel vm8, $0x1, v2;
	v57 =	vadd.s32 v56, v55  }
0x15: {  	vm10 =	vge.s32 v17, v8;
	v60 =	vsel vm9, $0x1, v2;
	v59 =	vadd.s32 v58, v57  }
0x16: {  	vm11 =	vge.s32 v17, v7;
	v62 =	vsel vm10, $0x1, v2;
	v61 =	vadd.s32 v60, v59  }
0x17: {  	vm12 =	vge.s32 v17, v6;
	v63 =	vsel vm11, $0x1, v2;
	v7 =	vadd.s32 v62, v61  }
0x18: {  	vm13 =	vge.s32 v17, v5;
	v6 =	vadd.s32 v63, v7;
	v7 =	vsel vm12, $0x1, v2  }
0x19: {  	v5 =	vadd.s32 v16, v15;
	v6 =	vadd.s32 v7, v6;
	v7 =	vsel vm13, $0x1, v2  }
0x1a: {  	vm14 =	vgt.u32 v5, $0x9;
	v6 =	vadd.s32 v7, v6  }
0x1b: {  	s19 =	sadd.s32 $0x10, s19;
	v5 =	vsel vm14, $0x0, v5;
	vm15 =	vgt.u32 v6, $0x9  }
0x1c: {  	[tilespmem:s19+$0x0] =	vst v5;
	s19 =	sadd.s32 $0x10, s19;
	v5 =	vsel vm15, $0x0, v6  }
0x1d: {  	[tilespmem:s19+$0x0] =	vst v5  }
0x1e: {  	[hbm4b:s4+s2] =	stream.linear.scatter [tilespmem:s17], [sflag:$0x2], $0x80, $0x38;
	[tilespmem:$0x1080] =	vst v63  }
0x1f: {  	_ =	swait.ge [sflag:s11], $0x80  }
0x20: {  	[sflag:s11] =	ssyncset.done $0x0  }
0x21: {  	[sflag:s11] =	ssyncadd.s32 $0xFFFFFF80  }
.LBB2_9:
0x22: {  	s18 =	sadd.s32 $0x1, s18  }
0x23: {  	p1 =	sne.s32 s18, s9  }
.Ltmp1:
0x24: {  	_ = 	snop;
	(pc) =	sbr.rel @!p1 .LBB2_10-.Ltmp1, $1  }
0x25: {  	_ =	sdelay $0x3  }
.LBB2_1:
0x26: {  	[tilespmem:s2], [sflag:$0x2] =	stream.linear.gather [hbm4b:s3+s2], $0x80, $0x38;
	[tilespmem:$0x1080] =	vst v63  }
0x27: {  	_ =	swait.ge [sflag:s11], $0x80  }
0x28: {  	[sflag:s11] =	ssyncset.done $0x0  }
0x29: {  	[sflag:s11] =	ssyncadd.s32 $0xFFFFFF80  }
0x2a: {  	v5 =	vld [tilespmem:$0x0]  }
0x2b: {  	v7 =	vld [tilespmem:$0x10]  }
0x2c: {  	v6 =	vld [tilespmem:$0x20]  }
0x2d: {  	v8 =	vld [tilespmem:$0x30];
	[tilespmem:s12], [sflag:$0x1] =	stream.linear.gather [hbm4b:s5+s2], $0x280, $0x38  }
0x2e: {  	_ = 	snop  }
0x2f: {  	[tilespmem:s13], [sflag:$0x1] =	stream.linear.gather [hbm4b:s6+s2], $0x280, $0x38;
	[tilespmem:$0x1080] =	vst v63  }
0x30: {  	_ = 	snop  }
0x31: {  	[tilespmem:s14], [sflag:$0x1] =	stream.linear.gather [hbm4b:s7+s2], $0x280, $0x38;
	[tilespmem:$0x1080] =	vst v63  }
0x32: {  	s19 =	simm.s32 $0x40;
	s21 =	simm.s32 $0x0;
	s20 =	smov.u32 s10  }
0x33: {  	v9 =	vor.u32 s10, v1;
	[tilespmem:s15], [sflag:$0x1] =	stream.linear.gather [hbm4b:s8+s2], $0x280, $0x38;
	[tilespmem:$0x1080] =	vst v63  }
.LBB2_2:
0x34: {  	p1 =	seq.s32 s19, $0x9C0  }
0x35: {  	[tilespmem:s21+$0x580] =	vst v9;
	s20 =	sadd.s32 $0x10, s20;
	s21 =	smov.u32 s19;
	s19 =	sadd.s32 $0x40, s19  }
.Ltmp2:
0x36: {  	(pc) =	sbr.rel @!p1 .LBB2_2-.Ltmp2, $2  }
0x37: {  	_ =	sdelay $0x2  }
0x38: {  	v9 =	vor.u32 s20, v1;
	s21 =	sshra.s32 s21, $0x2  }
0x39: {  	[tilespmem:s21+$0x580] =	vst v9;
	v9 =	vbroadcast v6, $0x9  }
0x3a: {  	v16 =	vbroadcast v6, $0x8;
	v18 =	vbroadcast v6, $0x7  }
0x3b: {  	v20 =	vbroadcast v6, $0x6;
	v22 =	vbroadcast v6, $0x5  }
0x3c: {  	v24 =	vbroadcast v6, $0x4;
	v26 =	vbroadcast v6, $0x3  }
0x3d: {  	v10 =	vsub.s32 v5, v6;
	v14 =	vbroadcast v6, $0x2;
	v11 =	vbroadcast v6, $0x1  }
0x3e: {  	v27 =	vsub.s32 v7, v8;
	v8 =	vbroadcast v6, $0x0;
	v12 =	vbroadcast v10, $0x9  }
0x3f: {  	v15 =	vbroadcast v27, $0x9;
	v17 =	vbroadcast v27, $0x8  }
0x40: {  	v19 =	vbroadcast v27, $0x7;
	v21 =	vbroadcast v27, $0x6  }
0x41: {  	v23 =	vbroadcast v27, $0x5;
	v25 =	vbroadcast v27, $0x4  }
0x42: {  	s22 =	simm.s32 $0x0;
	v13 =	vbroadcast v27, $0x3;
	v10 =	vbroadcast v27, $0x2  }
0x43: {  	v7 =	vbroadcast v27, $0x1;
	v6 =	vbroadcast v27, $0x0;
	v27 =	vadd.s32 s22, v0  }
0x44: {  	v28 =	vadd.s32 v1, v27  }
0x45: {  	vm0 =	vlt.s32 v28, v9  }
0x46: {  	v27 =	vsel vm0, v15, v12;
	vm0 =	vlt.s32 v28, v16  }
0x47: {  	v27 =	vsel vm0, v17, v27;
	vm0 =	vlt.s32 v28, v18  }
0x48: {  	v27 =	vsel vm0, v19, v27;
	vm0 =	vlt.s32 v28, v20  }
0x49: {  	v27 =	vsel vm0, v21, v27;
	vm0 =	vlt.s32 v28, v22  }
0x4a: {  	v27 =	vsel vm0, v23, v27;
	vm0 =	vlt.s32 v28, v24  }
0x4b: {  	s23 =	simm.s32 $0x10;
	v29 =	vmov s22;
	v27 =	vsel vm0, v25, v27;
	vm0 =	vlt.s32 v28, v26  }
0x4c: {  	v30 =	vadd.s32 s23, v0;
	v31 =	vsel vm0, v13, v27;
	vm0 =	vlt.s32 v28, v14  }
0x4d: {  	v27 =	vadd.s32 v1, v30;
	v30 =	vsel vm0, v10, v31;
	vm0 =	vlt.s32 v28, v11  }
0x4e: {  	vm1 =	vlt.u32 v29, $0xA0;
	vm2 =	vlt.s32 v27, v9;
	v29 =	vsel vm0, v7, v30  }
0x4f: {  	vm0 =	vlt.s32 v28, v8;
	v30 =	vsel vm2, v15, v12;
	vm2 =	vlt.s32 v27, v16  }
0x50: {  	v29 =	vsel vm0, v6, v29;
	v30 =	vsel vm2, v17, v30;
	vm0 =	vlt.s32 v27, v18  }
0x51: {  	s22 =	simm.s32 $0x20;
	v28 =	vadd.s32 v28, v29;
	v29 =	vsel vm0, v19, v30;
	vm0 =	vlt.s32 v27, v20  }
0x52: {  	v31 =	vadd.s32 s22, v0;
	v29 =	vsel vm0, v21, v29;
	vm0 =	vlt.s32 v27, v22  }
0x53: {  	v30 =	vmov s23;
	v29 =	vsel vm0, v23, v29;
	vm0 =	vlt.s32 v27, v24  }
0x54: {  	s21 =	simm.s32 $0xD00;
	v28 =	vnsel vm1, $0xB400, v28;
	v29 =	vsel vm0, v25, v29;
	vm0 =	vlt.s32 v27, v26  }
0x55: {  	s20 =	simm.s32 $0xE00;
	vm1 =	vlt.s32 v27, v14;
	[tilespmem:s21+$0x0] =	vst v28;
	v28 =	vadd.s32 v1, v31;
	v29 =	vsel vm0, v13, v29  }
0x56: {  	s19 =	simm.s32 $0xF00;
	[tilespmem:s20+$0x0] =	vst v2;
	vm2 =	vlt.s32 v28, v9;
	v29 =	vsel vm1, v10, v29;
	vm1 =	vlt.s32 v27, v11  }
0x57: {  	s23 =	simm.s32 $0x30;
	vm0 =	vlt.u32 v30, $0xA0;
	[tilespmem:s19+$0x0] =	vst v3;
	v29 =	vsel vm1, v7, v29;
	vm1 =	vlt.s32 v27, v8  }
.LBB2_4:
0x58: {  	p1 =	sne.s32 s23, $0xF0;
	v30 =	vsel vm2, v15, v12;
	vm2 =	vlt.s32 v28, v16;
	v29 =	vsel vm1, v6, v29  }
0x59: {  	vm1 =	vlt.s32 v28, v18;
	v30 =	vsel vm2, v17, v30;
	v29 =	vadd.s32 v27, v29;
	v27 =	vmovc v28  }
0x5a: {  	s21 =	sadd.s32 $0x10, s21;
	v28 =	vsel vm1, v19, v30;
	vm1 =	vlt.s32 v27, v20;
	v29 =	vnsel vm0, $0xB400, v29  }
0x5b: {  	s20 =	sadd.s32 $0x10, s20;
	vm0 =	vlt.s32 v27, v22;
	v28 =	vsel vm1, v21, v28;
	[tilespmem:s21+$0x0] =	vst v29  }
.Ltmp3:
0x5c: {  	s19 =	sadd.s32 $0x10, s19;
	v29 =	vmov s22;
	s22 =	smov.u32 s23;
	v28 =	vsel vm0, v23, v28;
	vm0 =	vlt.s32 v27, v24;
	[tilespmem:s20+$0x0] =	vst v2;
	(pc) =	sbr.rel @p1 .LBB2_4-.Ltmp3, $4  }
0x5d: {  	v30 =	vadd.s32 s23, v0;
	v28 =	vsel vm0, v25, v28;
	vm0 =	vlt.s32 v27, v26;
	[tilespmem:s19+$0x0] =	vst v3  }
0x5e: {  	vm1 =	vlt.s32 v27, v14;
	v31 =	vsel vm0, v13, v28;
	vm0 =	vlt.u32 v29, $0xA0  }
0x5f: {  	v28 =	vadd.s32 v1, v30;
	v29 =	vsel vm1, v10, v31;
	vm1 =	vlt.s32 v27, v11  }
0x60: {  	s23 =	sadd.s32 $0x10, s23;
	vm2 =	vlt.s32 v28, v9;
	v29 =	vsel vm1, v7, v29;
	vm1 =	vlt.s32 v27, v8  }
0x61: {  	v9 =	vsel vm2, v15, v12;
	vm6 =	vlt.s32 v28, v16  }
0x62: {  	vm7 =	vlt.s32 v28, v18;
	v9 =	vsel vm6, v17, v9  }
0x63: {  	vm8 =	vlt.s32 v28, v20;
	v9 =	vsel vm7, v19, v9  }
0x64: {  	vm9 =	vlt.s32 v28, v22;
	v9 =	vsel vm8, v21, v9  }
0x65: {  	vm10 =	vlt.s32 v28, v24;
	v9 =	vsel vm9, v23, v9  }
0x66: {  	vm11 =	vlt.s32 v28, v26;
	v9 =	vsel vm10, v25, v9  }
0x67: {  	v61 =	vsel vm1, v6, v29;
	vm12 =	vlt.s32 v28, v14;
	v9 =	vsel vm11, v13, v9  }
0x68: {  	vm13 =	vlt.s32 v28, v11;
	v12 =	vadd.s32 v27, v61;
	v9 =	vsel vm12, v10, v9  }
0x69: {  	s21 =	sadd.s32 $0x10, s21;
	vm14 =	vlt.s32 v28, v8;
	v62 =	vnsel vm0, $0xB400, v12;
	v7 =	vsel vm13, v7, v9  }
0x6a: {  	s20 =	sadd.s32 $0x10, s20;
	v63 =	vmov s22;
	[tilespmem:s21+$0x0] =	vst v62;
	v6 =	vsel vm14, v6, v7  }
0x6b: {  	s19 =	sadd.s32 $0x10, s19;
	vm15 =	vlt.u32 v63, $0xA0;
	[tilespmem:s20+$0x0] =	vst v2;
	v6 =	vadd.s32 v28, v6  }
0x6c: {  	s21 =	sadd.s32 $0x10, s21;
	[tilespmem:s19+$0x0] =	vst v3;
	v6 =	vnsel vm15, $0xB400, v6  }
0x6d: {  	s20 =	sadd.s32 $0x10, s20;
	[tilespmem:s21+$0x0] =	vst v6  }
0x6e: {  	s19 =	sadd.s32 $0x10, s19;
	[tilespmem:s20+$0x0] =	vst v2  }
0x6f: {  	[tilespmem:s19+$0x0] =	vst v3  }
0x70: {  	_ =	swait.ge [sflag:s16], $0x280  }
0x71: {  	[sflag:s16] =	ssyncset.done $0x0  }
0x72: {  	[sflag:s16] =	ssyncadd.s32 $0xFFFFFD80  }
0x73: {  	_ =	swait.ge [sflag:s16], $0x280  }
0x74: {  	[sflag:s16] =	ssyncset.done $0x0  }
0x75: {  	[sflag:s16] =	ssyncadd.s32 $0xFFFFFD80  }
0x76: {  	_ =	swait.ge [sflag:s16], $0x280  }
.Ltmp4:
0x77: {  	[sflag:s16] =	ssyncset.done $0x0;
	(pc) =	sbr.rel @p0 .LBB2_9-.Ltmp4, $4  }
0x78: {  	[sflag:s16] =	ssyncadd.s32 $0xFFFFFD80  }
0x79: {  	_ =	swait.ge [sflag:s16], $0x280  }
0x7a: {  	[sflag:s16] =	ssyncset.done $0x0  }
0x7b: {  	[sflag:s16] =	ssyncadd.s32 $0xFFFFFD80  }
0x7c: {  	v13 =	vbroadcast v5, $0x0;
	v14 =	vbroadcast v5, $0x1  }
0x7d: {  	v12 =	vbroadcast v5, $0x2;
	s19 =	simm.s32 $0x0;
	v11 =	vbroadcast v5, $0x3  }
0x7e: {  	v10 =	vbroadcast v5, $0x4;
	v9 =	vbroadcast v5, $0x5;
	v6 =	vmov s19  }
0x7f: {  	v8 =	vbroadcast v5, $0x6;
	v7 =	vbroadcast v5, $0x7;
	v15 =	vshll.u32 v6, $0x9  }
0x80: {  	v6 =	vbroadcast v5, $0x8;
	v5 =	vbroadcast v5, $0x9;
	v15 =	vor.u32 v4, v15  }
0x81: {  	vm0 =	vge.s32 v15, v13;
	vm1 =	vge.s32 v15, v14;
	vm10 =	vge.s32 v15, v12  }
0x82: {  	vm11 =	vge.s32 v15, v11;
	vm12 =	vge.s32 v15, v10;
	vm13 =	vge.s32 v15, v9  }
0x83: {  	vm14 =	vge.s32 v15, v8;
	vm15 =	vge.s32 v15, v7;
	vm4 =	vge.s32 v15, v6  }
0x84: {  	s31 =	simm.s32 $0x10;
	vm5 =	vge.s32 v15, v5;
	v16 =	vsel vm0, $0x1, v2;
	v17 =	vsel vm1, $0x1, v2  }
0x85: {  	v15 =	vmov s31;
	v16 =	vadd.s32 v17, v16;
	v17 =	vsel vm10, $0x1, v2  }
0x86: {  	v15 =	vshll.u32 v15, $0x9;
	v16 =	vadd.s32 v17, v16;
	v17 =	vsel vm11, $0x1, v2  }
0x87: {  	v15 =	vor.u32 v4, v15;
	v16 =	vadd.s32 v17, v16;
	v17 =	vsel vm12, $0x1, v2  }
0x88: {  	vm7 =	vge.s32 v15, v13;
	v16 =	vadd.s32 v17, v16;
	v17 =	vsel vm13, $0x1, v2  }
0x89: {  	vm2 =	vge.s32 v15, v14;
	v16 =	vadd.s32 v17, v16;
	v17 =	vsel vm14, $0x1, v2  }
0x8a: {  	vm8 =	vge.s32 v15, v12;
	v16 =	vadd.s32 v17, v16;
	v17 =	vsel vm15, $0x1, v2  }
0x8b: {  	vm9 =	vge.s32 v15, v11;
	v16 =	vadd.s32 v17, v16;
	v17 =	vsel vm4, $0x1, v2  }
0x8c: {  	vm10 =	vge.s32 v15, v10;
	v16 =	vadd.s32 v17, v16;
	v17 =	vsel vm5, $0x1, v2  }
0x8d: {  	v18 =	vsel vm2, $0x1, v2;
	v16 =	vadd.s32 v17, v16;
	v17 =	vsel vm7, $0x1, v2  }
0x8e: {  	vm11 =	vge.s32 v15, v9;
	v17 =	vadd.s32 v18, v17;
	v18 =	vsel vm8, $0x1, v2  }
0x8f: {  	vm12 =	vge.s32 v15, v8;
	v17 =	vadd.s32 v18, v17;
	v18 =	vsel vm9, $0x1, v2  }
0x90: {  	vm13 =	vge.s32 v15, v7;
	v17 =	vadd.s32 v18, v17;
	v18 =	vsel vm10, $0x1, v2  }
0x91: {  	vm14 =	vge.s32 v15, v6;
	v17 =	vadd.s32 v18, v17;
	v18 =	vsel vm11, $0x1, v2  }
0x92: {  	v19 =	vsel vm14, $0x1, v2;
	v17 =	vadd.s32 v18, v17;
	v18 =	vsel vm12, $0x1, v2  }
0x93: {  	vm6 =	vgt.u32 v16, $0x9;
	v17 =	vadd.s32 v18, v17;
	v18 =	vsel vm13, $0x1, v2  }
0x94: {  	s20 =	simm.s32 $0x20;
	s19 =	simm.s32 $0x1000;
	vm15 =	vge.s32 v15, v5;
	v16 =	vsel vm6, $0x0, v16;
	v18 =	vadd.s32 v18, v17  }
0x95: {  	[tilespmem:s19+$0x0] =	vst v16;
	v16 =	vsel vm15, $0x1, v2;
	v17 =	vmov s20;
	s20 =	simm.s32 $0x30;
	v15 =	vadd.s32 v19, v18  }
.LBB2_7:
0x96: {  	p1 =	sne.s32 s20, $0x50;
	v17 =	vshll.u32 v17, $0x9;
	v15 =	vadd.s32 v16, v15  }
0x97: {  	v16 =	vor.u32 v4, v17;
	vm0 =	vgt.u32 v15, $0x9  }
0x98: {  	s19 =	sadd.s32 $0x10, s19;
	vm1 =	vge.s32 v16, v13;
	vm2 =	vge.s32 v16, v14;
	v15 =	vsel vm0, $0x0, v15  }
0x99: {  	vm0 =	vge.s32 v16, v12;
	v17 =	vsel vm1, $0x1, v2;
	v18 =	vsel vm2, $0x1, v2;
	[tilespmem:s19+$0x0] =	vst v15  }
0x9a: {  	v15 =	vadd.s32 v18, v17;
	v17 =	vsel vm0, $0x1, v2;
	vm0 =	vge.s32 v16, v11  }
0x9b: {  	v15 =	vadd.s32 v17, v15;
	v17 =	vsel vm0, $0x1, v2;
	vm0 =	vge.s32 v16, v10  }
0x9c: {  	v15 =	vadd.s32 v17, v15;
	v17 =	vsel vm0, $0x1, v2;
	vm0 =	vge.s32 v16, v9  }
.Ltmp5:
0x9d: {  	v15 =	vadd.s32 v17, v15;
	v17 =	vsel vm0, $0x1, v2;
	vm0 =	vge.s32 v16, v8;
	(pc) =	sbr.rel @p1 .LBB2_7-.Ltmp5, $4  }
0x9e: {  	v15 =	vadd.s32 v17, v15;
	v17 =	vsel vm0, $0x1, v2;
	vm0 =	vge.s32 v16, v7  }
0x9f: {  	v15 =	vadd.s32 v17, v15;
	v17 =	vsel vm0, $0x1, v2;
	vm0 =	vge.s32 v16, v6  }
0xa0: {  	v15 =	vadd.s32 v17, v15;
	v18 =	vsel vm0, $0x1, v2;
	vm0 =	vge.s32 v16, v5  }
0xa1: {  	v17 =	vmov s20;
	s20 =	sadd.s32 $0x10, s20;
	v15 =	vadd.s32 v18, v15;
	v16 =	vsel vm0, $0x1, v2  }
.Ltmp6:
0xa2: {  	_ = 	snop;
	(pc) =	sbr.rel .LBB2_8-.Ltmp6, $1  }
0xa3: {  	_ =	sdelay $0x3  }
.LBB2_10:
0xa4: {  	_ =	sfence.sel $0x180000  }
0xa5: {  	[bflag:$0x0] =	sbarrier.arrive $0xFFFF  }
0xa6: {  	p0 =	sne.s32 s0, $0x0;
	_ =	strace $0x90000047  }
0xa7: {  	s0 =	sadd.s32 @!p0 $0x100000, s1;
	[bflag:$0x2] =	sbarrier.arrive $0xFFFF  }
0xa8: {  	[sflag:s0] =	ssyncadd.tile.s32 @!p0 $0x1;
	_ =	shalt  }
.Lfunc_end2:
_tile_overlayer_lowered:
.L_overlay_start_2:
0xa9: {  	(tag) =	ssettag $0x2  }
0xaa: {  	s0 =	rddreg [dreg:$0x0];
	s2 =	stileid.u32  }
0xab: {  	s1 =	rddreg [dreg:$0x1];
	p0 =	sne.s32 s2, $0x0  }
0xac: {  	s3 =	rddreg [dreg:$0x2];
	[bflag:$0x3] =	sbarrier.arrive $0xFFFF;
	s2 =	simm.s32 @!p0 $0x1C02  }
0xad: {  	[timem:s3], [sflag:s2] =	dma.local @!p0 [hbm:s0], s1  }
0xae: {  	s0 =	simm.s32 @!p0 $0x2  }
0xaf: {  	_ =	swait.ge @!p0 [sflag:s0], s1  }
0xb0: {  	s1 =	ssub.s32 @!p0 $0x0, s1;
	[sflag:s0] =	ssyncset.done @!p0 $0x0  }
0xb1: {  	[sflag:s0] =	ssyncadd.s32 @!p0 s1  }
0xb2: {  	[bflag:$0x3] =	sbarrier.arrive $0xFFFF  }
0xb3: {  	_ =	shalt  }

</sc_bundles>
